<compile_context>
chip_gen: v7x
topology: tpu7x:2x2x1
jax: 0.10.2.dev20260603
libtpu: 0.0.44.dev20260713+nightly
codegen_flags: <defaults>
</compile_context>

<pallas_src>
import functools

import jax
import jax.numpy as jnp
from jax import lax
from jax.experimental import pallas as pl
from jax.experimental.pallas import tpu as pltpu
from jax.experimental.pallas import tpu_sc as plsc

F32 = jnp.float32

_N = 10000
_E = 320000
_D = 128
_L = 16
_NC = 2
_NS = 16
_NW = _NC * _NS
_CHUNK = 80
_NCH = 64
_EH = _NW * _NCH * _CHUNK
_EPAD = 2 * _EH
_NCHD = 128
_NPAD = 10240
_ROWS_PT = _NPAD // _NS
_ZROWS = 80
_DEGW = _L

_MESH = plsc.VectorSubcoreMesh(core_axis_name="c", subcore_axis_name="s")


@functools.partial(
    pl.kernel,
    out_type=[jax.ShapeDtypeStruct((_NC, _NPAD, _D), F32)],
    mesh=_MESH,
    scratch_types=[
        pltpu.VMEM((_NCH, _CHUNK), jnp.int32),
        pltpu.VMEM((_NCH, _CHUNK), jnp.int32),
        pltpu.VMEM((_CHUNK, _D), F32),
        pltpu.VMEM((_CHUNK, _D), F32),
        pltpu.VMEM((_ZROWS, _D), F32),
        pltpu.VMEM_SHARED((_NPAD, _D), F32),
        pltpu.SemaphoreType.DMA,
        pltpu.SemaphoreType.DMA,
    ],
)
def _agg(p_hbm, src_hbm, dst_hbm, part_hbm, src_v, dst_v, g0, g1, zb,
         acc_sh, sem0, sem1):
  c = lax.axis_index("c")
  s = lax.axis_index("s")
  wid = c * _NS + s

  def zrow(i, _):
    def zlane(l, _):
      zb[i, pl.ds(l * _L, _L)] = jnp.zeros((_L,), F32)
      return 0
    return lax.fori_loop(0, _D // _L, zlane, 0)
  lax.fori_loop(0, _ZROWS, zrow, 0)

  row0 = s * _ROWS_PT
  for q in range(_ROWS_PT // _ZROWS):
    pltpu.sync_copy(zb, acc_sh.at[pl.ds(row0 + q * _ZROWS, _ZROWS)])

  plsc.subcore_barrier()

  def start(j, buf, sem):
    pltpu.make_async_copy(p_hbm.at[src_v.at[j]], buf, sem).start()

  def finish(j, buf, sem):
    pltpu.make_async_copy(p_hbm.at[src_v.at[j]], buf, sem).wait()
    pltpu.sync_copy(buf, acc_sh.at[dst_v.at[j]], add=True)

  def process_slab(base):
    pltpu.sync_copy(src_hbm.at[pl.ds(base, _NCH)], src_v)
    pltpu.sync_copy(dst_hbm.at[pl.ds(base, _NCH)], dst_v)
    start(0, g0, sem0)
    def step(i, _):
      j0 = 2 * i
      start(j0 + 1, g1, sem1)
      finish(j0, g0, sem0)
      @pl.when(i < _NCH // 2 - 1)
      def _():
        start(j0 + 2, g0, sem0)
      finish(j0 + 1, g1, sem1)
      return 0
    lax.fori_loop(0, _NCH // 2, step, 0)

  process_slab(wid * _NCH)
  process_slab(_NW * _NCH + wid * _NCH)

  plsc.subcore_barrier()
  pltpu.sync_copy(acc_sh.at[pl.ds(row0, _ROWS_PT)],
                  part_hbm.at[c, pl.ds(row0, _ROWS_PT)])


@functools.partial(
    pl.kernel,
    out_type=[jax.ShapeDtypeStruct((_NC, _NPAD, _D), F32)],
    mesh=_MESH,
    scratch_types=[
        pltpu.VMEM((_NCHD, _CHUNK), jnp.int32),
        pltpu.VMEM((_CHUNK, _D), F32),
        pltpu.VMEM((_ZROWS, _D), F32),
        pltpu.VMEM_SHARED((_NPAD, _D), F32),
    ],
)
def _deg(dst_hbm, degp_hbm, dst_v, one_v, zd, dacc_sh):
  c = lax.axis_index("c")
  s = lax.axis_index("s")
  wid = c * _NS + s

  pltpu.sync_copy(dst_hbm.at[wid], dst_v)

  def drow(i, _):
    def dlane(l, _):
      zd[i, pl.ds(l * _L, _L)] = jnp.zeros((_L,), F32)
      return 0
    return lax.fori_loop(0, _D // _L, dlane, 0)
  lax.fori_loop(0, _ZROWS, drow, 0)

  row0 = s * _ROWS_PT
  for q in range(_ROWS_PT // _ZROWS):
    pltpu.sync_copy(zd, dacc_sh.at[pl.ds(row0 + q * _ZROWS, _ZROWS)])

  def orow(i, _):
    def olane(l, _):
      one_v[i, pl.ds(l * _L, _L)] = jnp.ones((_L,), F32)
      return 0
    return lax.fori_loop(0, _D // _L, olane, 0)
  lax.fori_loop(0, _CHUNK, orow, 0)

  plsc.subcore_barrier()

  def step(j, _):
    pltpu.sync_copy(one_v, dacc_sh.at[dst_v.at[j]], add=True)
    return 0
  lax.fori_loop(0, _NCHD, step, 0)

  plsc.subcore_barrier()
  pltpu.sync_copy(dacc_sh.at[pl.ds(row0, _ROWS_PT)],
                  degp_hbm.at[c, pl.ds(row0, _ROWS_PT)])


def _tc_pre(x, w_cat):
  def body(x_ref, w_ref, p_ref, r_ref):
    y = jnp.dot(x_ref[...], w_ref[...], preferred_element_type=F32)
    p_ref[...] = y[:, :_D]
    r_ref[...] = y[:, _D:]
  return pl.pallas_call(
      body,
      out_shape=[jax.ShapeDtypeStruct((_N, _D), F32),
                 jax.ShapeDtypeStruct((_N, _D), F32)],
  )(x, w_cat)


def _tc_mid(pa, pb, degp, r0, b0, w_cat1):
  def body(pa_ref, pb_ref, d_ref, r_ref, b_ref, w_ref, p1_ref, r1_ref,
           deg_ref):
    deg = jnp.maximum(d_ref[0, :, 0:1] + d_ref[1, :, 0:1], 1.0)
    agg = pa_ref[0] + pa_ref[1] + pb_ref[0] + pb_ref[1]
    h = agg / deg + r_ref[...] + b_ref[...]
    h = jnp.maximum(h, 0.0)
    y = jnp.dot(h, w_ref[...], preferred_element_type=F32)
    p1_ref[...] = y[:, :_D]
    r1_ref[...] = y[:, _D:]
    deg_ref[...] = deg
  return pl.pallas_call(
      body,
      out_shape=[jax.ShapeDtypeStruct((_N, _D), F32),
                 jax.ShapeDtypeStruct((_N, _D), F32),
                 jax.ShapeDtypeStruct((_N, 1), F32)],
  )(pa, pb, degp, r0, b0, w_cat1)


def _tc_fin(pa, pb, deg, r1, b1):
  def body(pa_ref, pb_ref, deg_ref, r_ref, b_ref, o_ref):
    agg = pa_ref[0] + pa_ref[1] + pb_ref[0] + pb_ref[1]
    o_ref[...] = agg / deg_ref[...] + r_ref[...] + b_ref[...]
  return pl.pallas_call(
      body, out_shape=jax.ShapeDtypeStruct((_N, _D), F32),
  )(pa, pb, deg, r1, b1)


def _split_edges(edge_index):
  pad = _EPAD - _E
  src = jnp.concatenate([edge_index[0], jnp.zeros((pad,), jnp.int32)])
  dst = jnp.concatenate([edge_index[1], jnp.full((pad,), _N, jnp.int32)])
  src = src.reshape(_EPAD // _CHUNK, _CHUNK)
  dst = dst.reshape(_EPAD // _CHUNK, _CHUNK)
  dall = jnp.concatenate([edge_index[1], jnp.full((pad,), _N, jnp.int32)])
  return src, dst, dall.reshape(_NW, _NCHD, _CHUNK)


@jax.jit
def kernel(x, edge_index, W_l0, W_r0, b0, W_l1, W_r1, b1):
  src, dst, dall = _split_edges(edge_index)

  (degp,) = _deg(dall)

  p0, r0 = _tc_pre(x, jnp.concatenate([W_l0, W_r0], axis=1))
  (pa0,) = _agg(p0, src, dst)

  p1, r1, deg = _tc_mid(pa0[:, :_N], pa0[:, :_N] * 0.0, degp[:, :_N], r0,
                        b0.reshape(1, _D),
                        jnp.concatenate([W_l1, W_r1], axis=1))
  (pa1,) = _agg(p1, src, dst)

  return _tc_fin(pa1[:, :_N], pa1[:, :_N] * 0.0, deg, r1, b1.reshape(1, _D))

# --- scband reference (transcript-rebuilt; emitter-appended) ---
"""Pipeline reference for scband-new-basic-gnn-22454089023792 (READ-ONLY COPY).

The authoritative reference and input builder live on the scoring server;
editing this copy changes nothing except your own understanding.
"""

import jax, jax.numpy as jnp
import numpy as np

N = 10000
E = 320000
D_IN = 128
D_HID = 128
D_OUT = 128


def setup_inputs(seed: int = 0) -> dict:
    key = jax.random.key(seed)
    ks = jax.random.split(key, 8)
    x = jax.random.normal(ks[0], (N, D_IN), dtype=jnp.float32)
    edge_index = jax.random.randint(ks[1], (2, E), 0, N, dtype=jnp.int32)
    # SAGE-style conv params per layer: W_l (neighbor), W_r (root), bias
    s0 = 1.0 / np.sqrt(D_IN)
    s1 = 1.0 / np.sqrt(D_HID)
    W_l0 = jax.random.uniform(ks[2], (D_IN, D_HID), jnp.float32, -s0, s0)
    W_r0 = jax.random.uniform(ks[3], (D_IN, D_HID), jnp.float32, -s0, s0)
    b0 = jnp.zeros((D_HID,), jnp.float32)
    W_l1 = jax.random.uniform(ks[4], (D_HID, D_OUT), jnp.float32, -s1, s1)
    W_r1 = jax.random.uniform(ks[5], (D_HID, D_OUT), jnp.float32, -s1, s1)
    b1 = jnp.zeros((D_OUT,), jnp.float32)
    return {"x": x, "edge_index": edge_index, "W_l0": W_l0, "W_r0": W_r0, "b0": b0, "W_l1": W_l1, "W_r1": W_r1, "b1": b1}


def _sage_conv(h, edge_index, W_l, W_r, b):
    src = edge_index[0]
    dst = edge_index[1]
    msg = jnp.take(h, src, axis=0)                      # gather
    agg = jax.ops.segment_sum(msg, dst, num_segments=N) # scatter-add
    deg = jax.ops.segment_sum(jnp.ones((E,), h.dtype), dst, num_segments=N)
    agg = agg / jnp.maximum(deg, 1.0)[:, None]          # mean aggregation
    return agg @ W_l + h @ W_r + b


def reference(x, edge_index, W_l0, W_r0, b0, W_l1, W_r1, b1):
    # NewBasicGNN.forward with num_layers=2, act='relu', norm=None,
    # dropout=0 (eval), tape=False, conv = SAGE-style mean-aggregation conv.
    h = _sage_conv(x, edge_index, W_l0, W_r0, b0)
    h = jax.nn.relu(h)
    h = _sage_conv(h, edge_index, W_l1, W_r1, b1)
    return h

if __name__ == "__main__":
    import jax
    _d = setup_inputs()
    print(jax.jit(kernel)(*tuple(_d.values())))

</pallas_src>

<mosaic_0001>
#map = affine_map<(d0, d1) -> (0, 0, 0)>
module attributes {stable_mosaic.version = 14 : i64} {
  func.func @_deg(%arg0: i32, %arg1: i32, %arg2: memref<32x128x80xi32, #tpu.memory_space<hbm>>, %arg3: memref<2x10240x128xf32, #tpu.memory_space<hbm>>, %arg4: memref<128x80xi32, #tpu.memory_space<vmem>>, %arg5: memref<80x128xf32, #tpu.memory_space<vmem>>, %arg6: memref<80x128xf32, #tpu.memory_space<vmem>>, %arg7: memref<10240x128xf32, #tpu.memory_space<vmem_shared>>) attributes {dimension_semantics = [#tpu.dimension_semantics<core_parallel>, #tpu.dimension_semantics<subcore_parallel>], iteration_bounds = array<i64: 2, 16>, scalar_prefetch = 0 : i64, scratch_operands = 4 : i64, tpu.core_type = #tpu.core_type<sc_vector_subcore>, window_params = [{transform_indices = #map}, {transform_indices = #map}]} {
    %mul3A = arith.constant 16 : i32
    %mul3A_0 = arith.muli %arg0, %mul3A : i32
    %add3A = arith.addi %mul3A_0, %arg1 : i32
    "tpu.region"() ({
      %run_scoped3A = tpu.sem_alloc : memref<!tpu.dma_semaphore, #tpu.memory_space<semaphore_mem>>
      %dma_start3A = arith.constant 0 : i32
      %dma_start3A_40 = arith.constant 0 : i32
      %dma_start3A_41 = tpu.memref_slice %arg2[%add3A, %dma_start3A, %dma_start3A_40] : memref<32x128x80xi32, #tpu.memory_space<hbm>> -> memref<1x128x80xi32, #tpu.memory_space<hbm>>
      %dma_start3A_42 = tpu.memref_squeeze %dma_start3A_41 : memref<1x128x80xi32, #tpu.memory_space<hbm>> -> memref<128x80xi32, #tpu.memory_space<hbm>>
      %dma_start3A_43 = arith.constant 0 : i32
      %dma_start3A_44 = arith.constant 0 : i32
      %dma_start3A_45 = tpu.memref_slice %arg2[%add3A, %dma_start3A_43, %dma_start3A_44] : memref<32x128x80xi32, #tpu.memory_space<hbm>> -> memref<1x128x80xi32, #tpu.memory_space<hbm>>
      %dma_start3A_46 = tpu.memref_squeeze %dma_start3A_45 : memref<1x128x80xi32, #tpu.memory_space<hbm>> -> memref<128x80xi32, #tpu.memory_space<hbm>>
      tpu.enqueue_dma source(%dma_start3A_46 : memref<128x80xi32, #tpu.memory_space<hbm>>) target(%arg4 : memref<128x80xi32, #tpu.memory_space<vmem>>) target_semaphore(%run_scoped3A : memref<!tpu.dma_semaphore, #tpu.memory_space<semaphore_mem>>)
      %dma_wait3A = arith.constant 0 : i32
      %dma_wait3A_47 = arith.constant 0 : i32
      %dma_wait3A_48 = tpu.memref_slice %arg2[%add3A, %dma_wait3A, %dma_wait3A_47] : memref<32x128x80xi32, #tpu.memory_space<hbm>> -> memref<1x128x80xi32, #tpu.memory_space<hbm>>
      %dma_wait3A_49 = tpu.memref_squeeze %dma_wait3A_48 : memref<1x128x80xi32, #tpu.memory_space<hbm>> -> memref<128x80xi32, #tpu.memory_space<hbm>>
      %dma_wait3A_50 = arith.constant 0 : i32
      %dma_wait3A_51 = arith.constant 0 : i32
      %dma_wait3A_52 = tpu.memref_slice %arg2[%add3A, %dma_wait3A_50, %dma_wait3A_51] : memref<32x128x80xi32, #tpu.memory_space<hbm>> -> memref<1x128x80xi32, #tpu.memory_space<hbm>>
      %dma_wait3A_53 = tpu.memref_squeeze %dma_wait3A_52 : memref<1x128x80xi32, #tpu.memory_space<hbm>> -> memref<128x80xi32, #tpu.memory_space<hbm>>
      tpu.wait_dma2 semaphore(%run_scoped3A : memref<!tpu.dma_semaphore, #tpu.memory_space<semaphore_mem>>) src(%dma_wait3A_53 : memref<128x80xi32, #tpu.memory_space<hbm>>) dst(%arg4 : memref<128x80xi32, #tpu.memory_space<vmem>>)
      tpu.yield
    }) : () -> ()
    %scan3A = arith.constant 0 : i32
    %scan3A_1 = arith.constant 0 : i32
    %scan3A_2 = arith.constant 80 : i32
    %scan3A_3 = arith.addi %scan3A_1, %scan3A_2 : i32
    %scan3A_4 = arith.constant 1 : i32
    %scan3A_5 = scf.for %scan3A_40 = %scan3A_1 to %scan3A_3 step %scan3A_4 iter_args(%scan3A_41 = %scan3A) -> (i32)  : i32 {
      %scan3A_42 = arith.constant 0 : i32
      %scan3A_43 = arith.constant 0 : i32
      %scan3A_44 = arith.constant 8 : i32
      %scan3A_45 = arith.addi %scan3A_43, %scan3A_44 : i32
      %scan3A_46 = arith.constant 1 : i32
      %scan3A_47 = scf.for %scan3A_49 = %scan3A_43 to %scan3A_45 step %scan3A_46 iter_args(%scan3A_50 = %scan3A_42) -> (i32)  : i32 {
        %broadcast_in_dim3A = arith.constant 0.000000e+00 : f32
        %broadcast_in_dim3A_51 = vector.broadcast %broadcast_in_dim3A : f32 to vector<16xf32>
        %mul3A_52 = arith.constant 16 : i32
        %mul3A_53 = arith.muli %scan3A_49, %mul3A_52 : i32
        %swap3A = arith.index_cast %scan3A_40 : i32 to index
        %swap3A_54 = arith.index_cast %mul3A_53 : i32 to index
        %swap3A_55 = tpu.vector_load %arg6[%swap3A, %swap3A_54] {strides = array<i32>} : memref<80x128xf32, #tpu.memory_space<vmem>>, vector<1x16xf32>,
        %swap3A_56 = vector.shape_cast %swap3A_55 : vector<1x16xf32> to vector<16xf32>
        %swap3A_57 = vector.shape_cast %broadcast_in_dim3A_51 : vector<16xf32> to vector<1x16xf32>
        tpu.vector_store %arg6[%swap3A, %swap3A_54], %swap3A_57 {strides = array<i32>} : memref<80x128xf32, #tpu.memory_space<vmem>>, vector<1x16xf32>,
        %scan3A_58 = arith.constant 0 : i32
        scf.yield %scan3A_58 : i32
      }
      %scan3A_48 = arith.constant 8 : i32
      scf.yield %scan3A_47 : i32
    }
    %scan3A_6 = arith.constant 80 : i32
    %mul3A_7 = arith.constant 640 : i32
    %mul3A_8 = arith.muli %arg1, %mul3A_7 : i32
    %add3A_9 = arith.constant 0 : i32
    %add3A_10 = arith.addi %mul3A_8, %add3A_9 : i32
    "tpu.region"() ({
      %run_scoped3A = tpu.sem_alloc : memref<!tpu.dma_semaphore, #tpu.memory_space<semaphore_mem>>
      %dma_start3A = arith.constant 0 : i32
      %dma_start3A_40 = tpu.memref_slice %arg7[%add3A_10, %dma_start3A] : memref<10240x128xf32, #tpu.memory_space<vmem_shared>> -> memref<80x128xf32, #tpu.memory_space<vmem_shared>>
      %dma_start3A_41 = arith.constant 0 : i32
      %dma_start3A_42 = tpu.memref_slice %arg7[%add3A_10, %dma_start3A_41] : memref<10240x128xf32, #tpu.memory_space<vmem_shared>> -> memref<80x128xf32, #tpu.memory_space<vmem_shared>>
      tpu.enqueue_dma source(%arg6 : memref<80x128xf32, #tpu.memory_space<vmem>>) target(%dma_start3A_42 : memref<80x128xf32, #tpu.memory_space<vmem_shared>>) target_semaphore(%run_scoped3A : memref<!tpu.dma_semaphore, #tpu.memory_space<semaphore_mem>>)
      %dma_wait3A = arith.constant 0 : i32
      %dma_wait3A_43 = tpu.memref_slice %arg7[%add3A_10, %dma_wait3A] : memref<10240x128xf32, #tpu.memory_space<vmem_shared>> -> memref<80x128xf32, #tpu.memory_space<vmem_shared>>
      %dma_wait3A_44 = arith.constant 0 : i32
      %dma_wait3A_45 = tpu.memref_slice %arg7[%add3A_10, %dma_wait3A_44] : memref<10240x128xf32, #tpu.memory_space<vmem_shared>> -> memref<80x128xf32, #tpu.memory_space<vmem_shared>>
      tpu.wait_dma2 semaphore(%run_scoped3A : memref<!tpu.dma_semaphore, #tpu.memory_space<semaphore_mem>>) src(%arg6 : memref<80x128xf32, #tpu.memory_space<vmem>>) dst(%dma_wait3A_45 : memref<80x128xf32, #tpu.memory_space<vmem_shared>>)
      tpu.yield
    }) : () -> ()
    %add3A_11 = arith.constant 80 : i32
    %add3A_12 = arith.addi %mul3A_8, %add3A_11 : i32
    "tpu.region"() ({
      %run_scoped3A = tpu.sem_alloc : memref<!tpu.dma_semaphore, #tpu.memory_space<semaphore_mem>>
      %dma_start3A = arith.constant 0 : i32
      %dma_start3A_40 = tpu.memref_slice %arg7[%add3A_12, %dma_start3A] : memref<10240x128xf32, #tpu.memory_space<vmem_shared>> -> memref<80x128xf32, #tpu.memory_space<vmem_shared>>
      %dma_start3A_41 = arith.constant 0 : i32
      %dma_start3A_42 = tpu.memref_slice %arg7[%add3A_12, %dma_start3A_41] : memref<10240x128xf32, #tpu.memory_space<vmem_shared>> -> memref<80x128xf32, #tpu.memory_space<vmem_shared>>
      tpu.enqueue_dma source(%arg6 : memref<80x128xf32, #tpu.memory_space<vmem>>) target(%dma_start3A_42 : memref<80x128xf32, #tpu.memory_space<vmem_shared>>) target_semaphore(%run_scoped3A : memref<!tpu.dma_semaphore, #tpu.memory_space<semaphore_mem>>)
      %dma_wait3A = arith.constant 0 : i32
      %dma_wait3A_43 = tpu.memref_slice %arg7[%add3A_12, %dma_wait3A] : memref<10240x128xf32, #tpu.memory_space<vmem_shared>> -> memref<80x128xf32, #tpu.memory_space<vmem_shared>>
      %dma_wait3A_44 = arith.constant 0 : i32
      %dma_wait3A_45 = tpu.memref_slice %arg7[%add3A_12, %dma_wait3A_44] : memref<10240x128xf32, #tpu.memory_space<vmem_shared>> -> memref<80x128xf32, #tpu.memory_space<vmem_shared>>
      tpu.wait_dma2 semaphore(%run_scoped3A : memref<!tpu.dma_semaphore, #tpu.memory_space<semaphore_mem>>) src(%arg6 : memref<80x128xf32, #tpu.memory_space<vmem>>) dst(%dma_wait3A_45 : memref<80x128xf32, #tpu.memory_space<vmem_shared>>)
      tpu.yield
    }) : () -> ()
    %add3A_13 = arith.constant 160 : i32
    %add3A_14 = arith.addi %mul3A_8, %add3A_13 : i32
    "tpu.region"() ({
      %run_scoped3A = tpu.sem_alloc : memref<!tpu.dma_semaphore, #tpu.memory_space<semaphore_mem>>
      %dma_start3A = arith.constant 0 : i32
      %dma_start3A_40 = tpu.memref_slice %arg7[%add3A_14, %dma_start3A] : memref<10240x128xf32, #tpu.memory_space<vmem_shared>> -> memref<80x128xf32, #tpu.memory_space<vmem_shared>>
      %dma_start3A_41 = arith.constant 0 : i32
      %dma_start3A_42 = tpu.memref_slice %arg7[%add3A_14, %dma_start3A_41] : memref<10240x128xf32, #tpu.memory_space<vmem_shared>> -> memref<80x128xf32, #tpu.memory_space<vmem_shared>>
      tpu.enqueue_dma source(%arg6 : memref<80x128xf32, #tpu.memory_space<vmem>>) target(%dma_start3A_42 : memref<80x128xf32, #tpu.memory_space<vmem_shared>>) target_semaphore(%run_scoped3A : memref<!tpu.dma_semaphore, #tpu.memory_space<semaphore_mem>>)
      %dma_wait3A = arith.constant 0 : i32
      %dma_wait3A_43 = tpu.memref_slice %arg7[%add3A_14, %dma_wait3A] : memref<10240x128xf32, #tpu.memory_space<vmem_shared>> -> memref<80x128xf32, #tpu.memory_space<vmem_shared>>
      %dma_wait3A_44 = arith.constant 0 : i32
      %dma_wait3A_45 = tpu.memref_slice %arg7[%add3A_14, %dma_wait3A_44] : memref<10240x128xf32, #tpu.memory_space<vmem_shared>> -> memref<80x128xf32, #tpu.memory_space<vmem_shared>>
      tpu.wait_dma2 semaphore(%run_scoped3A : memref<!tpu.dma_semaphore, #tpu.memory_space<semaphore_mem>>) src(%arg6 : memref<80x128xf32, #tpu.memory_space<vmem>>) dst(%dma_wait3A_45 : memref<80x128xf32, #tpu.memory_space<vmem_shared>>)
      tpu.yield
    }) : () -> ()
    %add3A_15 = arith.constant 240 : i32
    %add3A_16 = arith.addi %mul3A_8, %add3A_15 : i32
    "tpu.region"() ({
      %run_scoped3A = tpu.sem_alloc : memref<!tpu.dma_semaphore, #tpu.memory_space<semaphore_mem>>
      %dma_start3A = arith.constant 0 : i32
      %dma_start3A_40 = tpu.memref_slice %arg7[%add3A_16, %dma_start3A] : memref<10240x128xf32, #tpu.memory_space<vmem_shared>> -> memref<80x128xf32, #tpu.memory_space<vmem_shared>>
      %dma_start3A_41 = arith.constant 0 : i32
      %dma_start3A_42 = tpu.memref_slice %arg7[%add3A_16, %dma_start3A_41] : memref<10240x128xf32, #tpu.memory_space<vmem_shared>> -> memref<80x128xf32, #tpu.memory_space<vmem_shared>>
      tpu.enqueue_dma source(%arg6 : memref<80x128xf32, #tpu.memory_space<vmem>>) target(%dma_start3A_42 : memref<80x128xf32, #tpu.memory_space<vmem_shared>>) target_semaphore(%run_scoped3A : memref<!tpu.dma_semaphore, #tpu.memory_space<semaphore_mem>>)
      %dma_wait3A = arith.constant 0 : i32
      %dma_wait3A_43 = tpu.memref_slice %arg7[%add3A_16, %dma_wait3A] : memref<10240x128xf32, #tpu.memory_space<vmem_shared>> -> memref<80x128xf32, #tpu.memory_space<vmem_shared>>
      %dma_wait3A_44 = arith.constant 0 : i32
      %dma_wait3A_45 = tpu.memref_slice %arg7[%add3A_16, %dma_wait3A_44] : memref<10240x128xf32, #tpu.memory_space<vmem_shared>> -> memref<80x128xf32, #tpu.memory_space<vmem_shared>>
      tpu.wait_dma2 semaphore(%run_scoped3A : memref<!tpu.dma_semaphore, #tpu.memory_space<semaphore_mem>>) src(%arg6 : memref<80x128xf32, #tpu.memory_space<vmem>>) dst(%dma_wait3A_45 : memref<80x128xf32, #tpu.memory_space<vmem_shared>>)
      tpu.yield
    }) : () -> ()
    %add3A_17 = arith.constant 320 : i32
    %add3A_18 = arith.addi %mul3A_8, %add3A_17 : i32
    "tpu.region"() ({
      %run_scoped3A = tpu.sem_alloc : memref<!tpu.dma_semaphore, #tpu.memory_space<semaphore_mem>>
      %dma_start3A = arith.constant 0 : i32
      %dma_start3A_40 = tpu.memref_slice %arg7[%add3A_18, %dma_start3A] : memref<10240x128xf32, #tpu.memory_space<vmem_shared>> -> memref<80x128xf32, #tpu.memory_space<vmem_shared>>
      %dma_start3A_41 = arith.constant 0 : i32
      %dma_start3A_42 = tpu.memref_slice %arg7[%add3A_18, %dma_start3A_41] : memref<10240x128xf32, #tpu.memory_space<vmem_shared>> -> memref<80x128xf32, #tpu.memory_space<vmem_shared>>
      tpu.enqueue_dma source(%arg6 : memref<80x128xf32, #tpu.memory_space<vmem>>) target(%dma_start3A_42 : memref<80x128xf32, #tpu.memory_space<vmem_shared>>) target_semaphore(%run_scoped3A : memref<!tpu.dma_semaphore, #tpu.memory_space<semaphore_mem>>)
      %dma_wait3A = arith.constant 0 : i32
      %dma_wait3A_43 = tpu.memref_slice %arg7[%add3A_18, %dma_wait3A] : memref<10240x128xf32, #tpu.memory_space<vmem_shared>> -> memref<80x128xf32, #tpu.memory_space<vmem_shared>>
      %dma_wait3A_44 = arith.constant 0 : i32
      %dma_wait3A_45 = tpu.memref_slice %arg7[%add3A_18, %dma_wait3A_44] : memref<10240x128xf32, #tpu.memory_space<vmem_shared>> -> memref<80x128xf32, #tpu.memory_space<vmem_shared>>
      tpu.wait_dma2 semaphore(%run_scoped3A : memref<!tpu.dma_semaphore, #tpu.memory_space<semaphore_mem>>) src(%arg6 : memref<80x128xf32, #tpu.memory_space<vmem>>) dst(%dma_wait3A_45 : memref<80x128xf32, #tpu.memory_space<vmem_shared>>)
      tpu.yield
    }) : () -> ()
    %add3A_19 = arith.constant 400 : i32
    %add3A_20 = arith.addi %mul3A_8, %add3A_19 : i32
    "tpu.region"() ({
      %run_scoped3A = tpu.sem_alloc : memref<!tpu.dma_semaphore, #tpu.memory_space<semaphore_mem>>
      %dma_start3A = arith.constant 0 : i32
      %dma_start3A_40 = tpu.memref_slice %arg7[%add3A_20, %dma_start3A] : memref<10240x128xf32, #tpu.memory_space<vmem_shared>> -> memref<80x128xf32, #tpu.memory_space<vmem_shared>>
      %dma_start3A_41 = arith.constant 0 : i32
      %dma_start3A_42 = tpu.memref_slice %arg7[%add3A_20, %dma_start3A_41] : memref<10240x128xf32, #tpu.memory_space<vmem_shared>> -> memref<80x128xf32, #tpu.memory_space<vmem_shared>>
      tpu.enqueue_dma source(%arg6 : memref<80x128xf32, #tpu.memory_space<vmem>>) target(%dma_start3A_42 : memref<80x128xf32, #tpu.memory_space<vmem_shared>>) target_semaphore(%run_scoped3A : memref<!tpu.dma_semaphore, #tpu.memory_space<semaphore_mem>>)
      %dma_wait3A = arith.constant 0 : i32
      %dma_wait3A_43 = tpu.memref_slice %arg7[%add3A_20, %dma_wait3A] : memref<10240x128xf32, #tpu.memory_space<vmem_shared>> -> memref<80x128xf32, #tpu.memory_space<vmem_shared>>
      %dma_wait3A_44 = arith.constant 0 : i32
      %dma_wait3A_45 = tpu.memref_slice %arg7[%add3A_20, %dma_wait3A_44] : memref<10240x128xf32, #tpu.memory_space<vmem_shared>> -> memref<80x128xf32, #tpu.memory_space<vmem_shared>>
      tpu.wait_dma2 semaphore(%run_scoped3A : memref<!tpu.dma_semaphore, #tpu.memory_space<semaphore_mem>>) src(%arg6 : memref<80x128xf32, #tpu.memory_space<vmem>>) dst(%dma_wait3A_45 : memref<80x128xf32, #tpu.memory_space<vmem_shared>>)
      tpu.yield
    }) : () -> ()
    %add3A_21 = arith.constant 480 : i32
    %add3A_22 = arith.addi %mul3A_8, %add3A_21 : i32
    "tpu.region"() ({
      %run_scoped3A = tpu.sem_alloc : memref<!tpu.dma_semaphore, #tpu.memory_space<semaphore_mem>>
      %dma_start3A = arith.constant 0 : i32
      %dma_start3A_40 = tpu.memref_slice %arg7[%add3A_22, %dma_start3A] : memref<10240x128xf32, #tpu.memory_space<vmem_shared>> -> memref<80x128xf32, #tpu.memory_space<vmem_shared>>
      %dma_start3A_41 = arith.constant 0 : i32
      %dma_start3A_42 = tpu.memref_slice %arg7[%add3A_22, %dma_start3A_41] : memref<10240x128xf32, #tpu.memory_space<vmem_shared>> -> memref<80x128xf32, #tpu.memory_space<vmem_shared>>
      tpu.enqueue_dma source(%arg6 : memref<80x128xf32, #tpu.memory_space<vmem>>) target(%dma_start3A_42 : memref<80x128xf32, #tpu.memory_space<vmem_shared>>) target_semaphore(%run_scoped3A : memref<!tpu.dma_semaphore, #tpu.memory_space<semaphore_mem>>)
      %dma_wait3A = arith.constant 0 : i32
      %dma_wait3A_43 = tpu.memref_slice %arg7[%add3A_22, %dma_wait3A] : memref<10240x128xf32, #tpu.memory_space<vmem_shared>> -> memref<80x128xf32, #tpu.memory_space<vmem_shared>>
      %dma_wait3A_44 = arith.constant 0 : i32
      %dma_wait3A_45 = tpu.memref_slice %arg7[%add3A_22, %dma_wait3A_44] : memref<10240x128xf32, #tpu.memory_space<vmem_shared>> -> memref<80x128xf32, #tpu.memory_space<vmem_shared>>
      tpu.wait_dma2 semaphore(%run_scoped3A : memref<!tpu.dma_semaphore, #tpu.memory_space<semaphore_mem>>) src(%arg6 : memref<80x128xf32, #tpu.memory_space<vmem>>) dst(%dma_wait3A_45 : memref<80x128xf32, #tpu.memory_space<vmem_shared>>)
      tpu.yield
    }) : () -> ()
    %add3A_23 = arith.constant 560 : i32
    %add3A_24 = arith.addi %mul3A_8, %add3A_23 : i32
    "tpu.region"() ({
      %run_scoped3A = tpu.sem_alloc : memref<!tpu.dma_semaphore, #tpu.memory_space<semaphore_mem>>
      %dma_start3A = arith.constant 0 : i32
      %dma_start3A_40 = tpu.memref_slice %arg7[%add3A_24, %dma_start3A] : memref<10240x128xf32, #tpu.memory_space<vmem_shared>> -> memref<80x128xf32, #tpu.memory_space<vmem_shared>>
      %dma_start3A_41 = arith.constant 0 : i32
      %dma_start3A_42 = tpu.memref_slice %arg7[%add3A_24, %dma_start3A_41] : memref<10240x128xf32, #tpu.memory_space<vmem_shared>> -> memref<80x128xf32, #tpu.memory_space<vmem_shared>>
      tpu.enqueue_dma source(%arg6 : memref<80x128xf32, #tpu.memory_space<vmem>>) target(%dma_start3A_42 : memref<80x128xf32, #tpu.memory_space<vmem_shared>>) target_semaphore(%run_scoped3A : memref<!tpu.dma_semaphore, #tpu.memory_space<semaphore_mem>>)
      %dma_wait3A = arith.constant 0 : i32
      %dma_wait3A_43 = tpu.memref_slice %arg7[%add3A_24, %dma_wait3A] : memref<10240x128xf32, #tpu.memory_space<vmem_shared>> -> memref<80x128xf32, #tpu.memory_space<vmem_shared>>
      %dma_wait3A_44 = arith.constant 0 : i32
      %dma_wait3A_45 = tpu.memref_slice %arg7[%add3A_24, %dma_wait3A_44] : memref<10240x128xf32, #tpu.memory_space<vmem_shared>> -> memref<80x128xf32, #tpu.memory_space<vmem_shared>>
      tpu.wait_dma2 semaphore(%run_scoped3A : memref<!tpu.dma_semaphore, #tpu.memory_space<semaphore_mem>>) src(%arg6 : memref<80x128xf32, #tpu.memory_space<vmem>>) dst(%dma_wait3A_45 : memref<80x128xf32, #tpu.memory_space<vmem_shared>>)
      tpu.yield
    }) : () -> ()
    %scan3A_25 = arith.constant 0 : i32
    %scan3A_26 = arith.constant 0 : i32
    %scan3A_27 = arith.constant 80 : i32
    %scan3A_28 = arith.addi %scan3A_26, %scan3A_27 : i32
    %scan3A_29 = arith.constant 1 : i32
    %scan3A_30 = scf.for %scan3A_40 = %scan3A_26 to %scan3A_28 step %scan3A_29 iter_args(%scan3A_41 = %scan3A_25) -> (i32)  : i32 {
      %scan3A_42 = arith.constant 0 : i32
      %scan3A_43 = arith.constant 0 : i32
      %scan3A_44 = arith.constant 8 : i32
      %scan3A_45 = arith.addi %scan3A_43, %scan3A_44 : i32
      %scan3A_46 = arith.constant 1 : i32
      %scan3A_47 = scf.for %scan3A_49 = %scan3A_43 to %scan3A_45 step %scan3A_46 iter_args(%scan3A_50 = %scan3A_42) -> (i32)  : i32 {
        %broadcast_in_dim3A = arith.constant 1.000000e+00 : f32
        %broadcast_in_dim3A_51 = vector.broadcast %broadcast_in_dim3A : f32 to vector<16xf32>
        %mul3A_52 = arith.constant 16 : i32
        %mul3A_53 = arith.muli %scan3A_49, %mul3A_52 : i32
        %swap3A = arith.index_cast %scan3A_40 : i32 to index
        %swap3A_54 = arith.index_cast %mul3A_53 : i32 to index
        %swap3A_55 = tpu.vector_load %arg5[%swap3A, %swap3A_54] {strides = array<i32>} : memref<80x128xf32, #tpu.memory_space<vmem>>, vector<1x16xf32>,
        %swap3A_56 = vector.shape_cast %swap3A_55 : vector<1x16xf32> to vector<16xf32>
        %swap3A_57 = vector.shape_cast %broadcast_in_dim3A_51 : vector<16xf32> to vector<1x16xf32>
        tpu.vector_store %arg5[%swap3A, %swap3A_54], %swap3A_57 {strides = array<i32>} : memref<80x128xf32, #tpu.memory_space<vmem>>, vector<1x16xf32>,
        %scan3A_58 = arith.constant 0 : i32
        scf.yield %scan3A_58 : i32
      }
      %scan3A_48 = arith.constant 8 : i32
      scf.yield %scan3A_47 : i32
    }
    %scan3A_31 = arith.constant 80 : i32
    %barrier3A = arith.constant 0 : index
    tpu.barrier barrier_id(%barrier3A)
    %scan3A_32 = arith.constant 0 : i32
    %scan3A_33 = arith.constant 0 : i32
    %scan3A_34 = arith.constant 128 : i32
    %scan3A_35 = arith.addi %scan3A_33, %scan3A_34 : i32
    %scan3A_36 = arith.constant 1 : i32
    %scan3A_37 = scf.for %scan3A_40 = %scan3A_33 to %scan3A_35 step %scan3A_36 iter_args(%scan3A_41 = %scan3A_32) -> (i32)  : i32 {
      "tpu.region"() ({
        %run_scoped3A = tpu.sem_alloc : memref<!tpu.dma_semaphore, #tpu.memory_space<semaphore_mem>>
        %dma_start3A = arith.constant 0 : i32
        %dma_start3A_43 = tpu.memref_slice %arg4[%scan3A_40, %dma_start3A] : memref<128x80xi32, #tpu.memory_space<vmem>> -> memref<1x80xi32, #tpu.memory_space<vmem>>
        %dma_start3A_44 = tpu.memref_squeeze %dma_start3A_43 : memref<1x80xi32, #tpu.memory_space<vmem>> -> memref<80xi32, #tpu.memory_space<vmem>>
        %dma_start3A_45 = arith.constant 0 : i32
        %dma_start3A_46 = arith.constant 0 : i32
        %dma_start3A_47 = tpu.memref_slice %arg7[%dma_start3A_45, %dma_start3A_46] : memref<10240x128xf32, #tpu.memory_space<vmem_shared>> -> memref<10240x128xf32, #tpu.memory_space<vmem_shared>>
        tpu.enqueue_indirect_dma source(%arg5 : memref<80x128xf32, #tpu.memory_space<vmem>>) target(%dma_start3A_47 : memref<10240x128xf32, #tpu.memory_space<vmem_shared>>) offsets(%dma_start3A_44 : memref<80xi32, #tpu.memory_space<vmem>>) semaphore(%run_scoped3A : memref<!tpu.dma_semaphore, #tpu.memory_space<semaphore_mem>>) {add = true}
        %dma_wait3A = arith.constant 0 : i32
        %dma_wait3A_48 = tpu.memref_slice %arg4[%scan3A_40, %dma_wait3A] : memref<128x80xi32, #tpu.memory_space<vmem>> -> memref<1x80xi32, #tpu.memory_space<vmem>>
        %dma_wait3A_49 = tpu.memref_squeeze %dma_wait3A_48 : memref<1x80xi32, #tpu.memory_space<vmem>> -> memref<80xi32, #tpu.memory_space<vmem>>
        %dma_wait3A_50 = arith.constant 0 : i32
        %dma_wait3A_51 = arith.constant 0 : i32
        %dma_wait3A_52 = tpu.memref_slice %arg7[%dma_wait3A_50, %dma_wait3A_51] : memref<10240x128xf32, #tpu.memory_space<vmem_shared>> -> memref<10240x128xf32, #tpu.memory_space<vmem_shared>>
        tpu.wait_indirect_dma semaphore(%run_scoped3A : memref<!tpu.dma_semaphore, #tpu.memory_space<semaphore_mem>>) src(%arg5 : memref<80x128xf32, #tpu.memory_space<vmem>>) dst(%dma_wait3A_52 : memref<10240x128xf32, #tpu.memory_space<vmem_shared>>)
        tpu.yield
      }) : () -> ()
      %scan3A_42 = arith.constant 0 : i32
      scf.yield %scan3A_42 : i32
    }
    %scan3A_38 = arith.constant 128 : i32
    %barrier3A_39 = arith.constant 0 : index
    tpu.barrier barrier_id(%barrier3A_39)
    "tpu.region"() ({
      %run_scoped3A = tpu.sem_alloc : memref<!tpu.dma_semaphore, #tpu.memory_space<semaphore_mem>>
      %dma_start3A = arith.constant 0 : i32
      %dma_start3A_40 = tpu.memref_slice %arg3[%arg0, %mul3A_8, %dma_start3A] : memref<2x10240x128xf32, #tpu.memory_space<hbm>> -> memref<1x640x128xf32, #tpu.memory_space<hbm>>
      %dma_start3A_41 = tpu.memref_squeeze %dma_start3A_40 : memref<1x640x128xf32, #tpu.memory_space<hbm>> -> memref<640x128xf32, #tpu.memory_space<hbm>>
      %dma_start3A_42 = arith.constant 0 : i32
      %dma_start3A_43 = tpu.memref_slice %arg7[%mul3A_8, %dma_start3A_42] : memref<10240x128xf32, #tpu.memory_space<vmem_shared>> -> memref<640x128xf32, #tpu.memory_space<vmem_shared>>
      tpu.enqueue_dma source(%dma_start3A_43 : memref<640x128xf32, #tpu.memory_space<vmem_shared>>) target(%dma_start3A_41 : memref<640x128xf32, #tpu.memory_space<hbm>>) target_semaphore(%run_scoped3A : memref<!tpu.dma_semaphore, #tpu.memory_space<semaphore_mem>>)
      %dma_wait3A = arith.constant 0 : i32
      %dma_wait3A_44 = tpu.memref_slice %arg3[%arg0, %mul3A_8, %dma_wait3A] : memref<2x10240x128xf32, #tpu.memory_space<hbm>> -> memref<1x640x128xf32, #tpu.memory_space<hbm>>
      %dma_wait3A_45 = tpu.memref_squeeze %dma_wait3A_44 : memref<1x640x128xf32, #tpu.memory_space<hbm>> -> memref<640x128xf32, #tpu.memory_space<hbm>>
      %dma_wait3A_46 = arith.constant 0 : i32
      %dma_wait3A_47 = tpu.memref_slice %arg7[%mul3A_8, %dma_wait3A_46] : memref<10240x128xf32, #tpu.memory_space<vmem_shared>> -> memref<640x128xf32, #tpu.memory_space<vmem_shared>>
      tpu.wait_dma2 semaphore(%run_scoped3A : memref<!tpu.dma_semaphore, #tpu.memory_space<semaphore_mem>>) src(%dma_wait3A_47 : memref<640x128xf32, #tpu.memory_space<vmem_shared>>) dst(%dma_wait3A_45 : memref<640x128xf32, #tpu.memory_space<hbm>>)
      tpu.yield
    }) : () -> ()
    return
  }
}

#map = affine_map<(d0, d1) -> (0, 0)>
#map1 = affine_map<(d0, d1) -> (0, 0, 0)>
module attributes {stable_mosaic.version = 14 : i64} {
  func.func @_agg(%arg0: i32, %arg1: i32, %arg2: memref<10000x128xf32, #tpu.memory_space<hbm>>, %arg3: memref<4096x80xi32, #tpu.memory_space<hbm>>, %arg4: memref<4096x80xi32, #tpu.memory_space<hbm>>, %arg5: memref<2x10240x128xf32, #tpu.memory_space<hbm>>, %arg6: memref<64x80xi32, #tpu.memory_space<vmem>>, %arg7: memref<64x80xi32, #tpu.memory_space<vmem>>, %arg8: memref<80x128xf32, #tpu.memory_space<vmem>>, %arg9: memref<80x128xf32, #tpu.memory_space<vmem>>, %arg10: memref<80x128xf32, #tpu.memory_space<vmem>>, %arg11: memref<10240x128xf32, #tpu.memory_space<vmem_shared>>, %arg12: memref<!tpu.dma_semaphore, #tpu.memory_space<semaphore_mem>>, %arg13: memref<!tpu.dma_semaphore, #tpu.memory_space<semaphore_mem>>) attributes {dimension_semantics = [#tpu.dimension_semantics<core_parallel>, #tpu.dimension_semantics<subcore_parallel>], iteration_bounds = array<i64: 2, 16>, scalar_prefetch = 0 : i64, scratch_operands = 8 : i64, tpu.core_type = #tpu.core_type<sc_vector_subcore>, window_params = [{transform_indices = #map}, {transform_indices = #map}, {transform_indices = #map}, {transform_indices = #map1}]} {
    %mul3A = arith.constant 16 : i32
    %mul3A_0 = arith.muli %arg0, %mul3A : i32
    %add3A = arith.addi %mul3A_0, %arg1 : i32
    %scan3A = arith.constant 0 : i32
    %scan3A_1 = arith.constant 0 : i32
    %scan3A_2 = arith.constant 80 : i32
    %scan3A_3 = arith.addi %scan3A_1, %scan3A_2 : i32
    %scan3A_4 = arith.constant 1 : i32
    %scan3A_5 = scf.for %scan3A_59 = %scan3A_1 to %scan3A_3 step %scan3A_4 iter_args(%scan3A_60 = %scan3A) -> (i32)  : i32 {
      %scan3A_61 = arith.constant 0 : i32
      %scan3A_62 = arith.constant 0 : i32
      %scan3A_63 = arith.constant 8 : i32
      %scan3A_64 = arith.addi %scan3A_62, %scan3A_63 : i32
      %scan3A_65 = arith.constant 1 : i32
      %scan3A_66 = scf.for %scan3A_68 = %scan3A_62 to %scan3A_64 step %scan3A_65 iter_args(%scan3A_69 = %scan3A_61) -> (i32)  : i32 {
        %broadcast_in_dim3A = arith.constant 0.000000e+00 : f32
        %broadcast_in_dim3A_70 = vector.broadcast %broadcast_in_dim3A : f32 to vector<16xf32>
        %mul3A_71 = arith.constant 16 : i32
        %mul3A_72 = arith.muli %scan3A_68, %mul3A_71 : i32
        %swap3A = arith.index_cast %scan3A_59 : i32 to index
        %swap3A_73 = arith.index_cast %mul3A_72 : i32 to index
        %swap3A_74 = tpu.vector_load %arg10[%swap3A, %swap3A_73] {strides = array<i32>} : memref<80x128xf32, #tpu.memory_space<vmem>>, vector<1x16xf32>,
        %swap3A_75 = vector.shape_cast %swap3A_74 : vector<1x16xf32> to vector<16xf32>
        %swap3A_76 = vector.shape_cast %broadcast_in_dim3A_70 : vector<16xf32> to vector<1x16xf32>
        tpu.vector_store %arg10[%swap3A, %swap3A_73], %swap3A_76 {strides = array<i32>} : memref<80x128xf32, #tpu.memory_space<vmem>>, vector<1x16xf32>,
        %scan3A_77 = arith.constant 0 : i32
        scf.yield %scan3A_77 : i32
      }
      %scan3A_67 = arith.constant 8 : i32
      scf.yield %scan3A_66 : i32
    }
    %scan3A_6 = arith.constant 80 : i32
    %mul3A_7 = arith.constant 640 : i32
    %mul3A_8 = arith.muli %arg1, %mul3A_7 : i32
    %add3A_9 = arith.constant 0 : i32
    %add3A_10 = arith.addi %mul3A_8, %add3A_9 : i32
    "tpu.region"() ({
      %run_scoped3A = tpu.sem_alloc : memref<!tpu.dma_semaphore, #tpu.memory_space<semaphore_mem>>
      %dma_start3A_59 = arith.constant 0 : i32
      %dma_start3A_60 = tpu.memref_slice %arg11[%add3A_10, %dma_start3A_59] : memref<10240x128xf32, #tpu.memory_space<vmem_shared>> -> memref<80x128xf32, #tpu.memory_space<vmem_shared>>
      %dma_start3A_61 = arith.constant 0 : i32
      %dma_start3A_62 = tpu.memref_slice %arg11[%add3A_10, %dma_start3A_61] : memref<10240x128xf32, #tpu.memory_space<vmem_shared>> -> memref<80x128xf32, #tpu.memory_space<vmem_shared>>
      tpu.enqueue_dma source(%arg10 : memref<80x128xf32, #tpu.memory_space<vmem>>) target(%dma_start3A_62 : memref<80x128xf32, #tpu.memory_space<vmem_shared>>) target_semaphore(%run_scoped3A : memref<!tpu.dma_semaphore, #tpu.memory_space<semaphore_mem>>)
      %dma_wait3A = arith.constant 0 : i32
      %dma_wait3A_63 = tpu.memref_slice %arg11[%add3A_10, %dma_wait3A] : memref<10240x128xf32, #tpu.memory_space<vmem_shared>> -> memref<80x128xf32, #tpu.memory_space<vmem_shared>>
      %dma_wait3A_64 = arith.constant 0 : i32
      %dma_wait3A_65 = tpu.memref_slice %arg11[%add3A_10, %dma_wait3A_64] : memref<10240x128xf32, #tpu.memory_space<vmem_shared>> -> memref<80x128xf32, #tpu.memory_space<vmem_shared>>
      tpu.wait_dma2 semaphore(%run_scoped3A : memref<!tpu.dma_semaphore, #tpu.memory_space<semaphore_mem>>) src(%arg10 : memref<80x128xf32, #tpu.memory_space<vmem>>) dst(%dma_wait3A_65 : memref<80x128xf32, #tpu.memory_space<vmem_shared>>)
      tpu.yield
    }) : () -> ()
    %add3A_11 = arith.constant 80 : i32
    %add3A_12 = arith.addi %mul3A_8, %add3A_11 : i32
    "tpu.region"() ({
      %run_scoped3A = tpu.sem_alloc : memref<!tpu.dma_semaphore, #tpu.memory_space<semaphore_mem>>
      %dma_start3A_59 = arith.constant 0 : i32
      %dma_start3A_60 = tpu.memref_slice %arg11[%add3A_12, %dma_start3A_59] : memref<10240x128xf32, #tpu.memory_space<vmem_shared>> -> memref<80x128xf32, #tpu.memory_space<vmem_shared>>
      %dma_start3A_61 = arith.constant 0 : i32
      %dma_start3A_62 = tpu.memref_slice %arg11[%add3A_12, %dma_start3A_61] : memref<10240x128xf32, #tpu.memory_space<vmem_shared>> -> memref<80x128xf32, #tpu.memory_space<vmem_shared>>
      tpu.enqueue_dma source(%arg10 : memref<80x128xf32, #tpu.memory_space<vmem>>) target(%dma_start3A_62 : memref<80x128xf32, #tpu.memory_space<vmem_shared>>) target_semaphore(%run_scoped3A : memref<!tpu.dma_semaphore, #tpu.memory_space<semaphore_mem>>)
      %dma_wait3A = arith.constant 0 : i32
      %dma_wait3A_63 = tpu.memref_slice %arg11[%add3A_12, %dma_wait3A] : memref<10240x128xf32, #tpu.memory_space<vmem_shared>> -> memref<80x128xf32, #tpu.memory_space<vmem_shared>>
      %dma_wait3A_64 = arith.constant 0 : i32
      %dma_wait3A_65 = tpu.memref_slice %arg11[%add3A_12, %dma_wait3A_64] : memref<10240x128xf32, #tpu.memory_space<vmem_shared>> -> memref<80x128xf32, #tpu.memory_space<vmem_shared>>
      tpu.wait_dma2 semaphore(%run_scoped3A : memref<!tpu.dma_semaphore, #tpu.memory_space<semaphore_mem>>) src(%arg10 : memref<80x128xf32, #tpu.memory_space<vmem>>) dst(%dma_wait3A_65 : memref<80x128xf32, #tpu.memory_space<vmem_shared>>)
      tpu.yield
    }) : () -> ()
    %add3A_13 = arith.constant 160 : i32
    %add3A_14 = arith.addi %mul3A_8, %add3A_13 : i32
    "tpu.region"() ({
      %run_scoped3A = tpu.sem_alloc : memref<!tpu.dma_semaphore, #tpu.memory_space<semaphore_mem>>
      %dma_start3A_59 = arith.constant 0 : i32
      %dma_start3A_60 = tpu.memref_slice %arg11[%add3A_14, %dma_start3A_59] : memref<10240x128xf32, #tpu.memory_space<vmem_shared>> -> memref<80x128xf32, #tpu.memory_space<vmem_shared>>
      %dma_start3A_61 = arith.constant 0 : i32
      %dma_start3A_62 = tpu.memref_slice %arg11[%add3A_14, %dma_start3A_61] : memref<10240x128xf32, #tpu.memory_space<vmem_shared>> -> memref<80x128xf32, #tpu.memory_space<vmem_shared>>
      tpu.enqueue_dma source(%arg10 : memref<80x128xf32, #tpu.memory_space<vmem>>) target(%dma_start3A_62 : memref<80x128xf32, #tpu.memory_space<vmem_shared>>) target_semaphore(%run_scoped3A : memref<!tpu.dma_semaphore, #tpu.memory_space<semaphore_mem>>)
      %dma_wait3A = arith.constant 0 : i32
      %dma_wait3A_63 = tpu.memref_slice %arg11[%add3A_14, %dma_wait3A] : memref<10240x128xf32, #tpu.memory_space<vmem_shared>> -> memref<80x128xf32, #tpu.memory_space<vmem_shared>>
      %dma_wait3A_64 = arith.constant 0 : i32
      %dma_wait3A_65 = tpu.memref_slice %arg11[%add3A_14, %dma_wait3A_64] : memref<10240x128xf32, #tpu.memory_space<vmem_shared>> -> memref<80x128xf32, #tpu.memory_space<vmem_shared>>
      tpu.wait_dma2 semaphore(%run_scoped3A : memref<!tpu.dma_semaphore, #tpu.memory_space<semaphore_mem>>) src(%arg10 : memref<80x128xf32, #tpu.memory_space<vmem>>) dst(%dma_wait3A_65 : memref<80x128xf32, #tpu.memory_space<vmem_shared>>)
      tpu.yield
    }) : () -> ()
    %add3A_15 = arith.constant 240 : i32
    %add3A_16 = arith.addi %mul3A_8, %add3A_15 : i32
    "tpu.region"() ({
      %run_scoped3A = tpu.sem_alloc : memref<!tpu.dma_semaphore, #tpu.memory_space<semaphore_mem>>
      %dma_start3A_59 = arith.constant 0 : i32
      %dma_start3A_60 = tpu.memref_slice %arg11[%add3A_16, %dma_start3A_59] : memref<10240x128xf32, #tpu.memory_space<vmem_shared>> -> memref<80x128xf32, #tpu.memory_space<vmem_shared>>
      %dma_start3A_61 = arith.constant 0 : i32
      %dma_start3A_62 = tpu.memref_slice %arg11[%add3A_16, %dma_start3A_61] : memref<10240x128xf32, #tpu.memory_space<vmem_shared>> -> memref<80x128xf32, #tpu.memory_space<vmem_shared>>
      tpu.enqueue_dma source(%arg10 : memref<80x128xf32, #tpu.memory_space<vmem>>) target(%dma_start3A_62 : memref<80x128xf32, #tpu.memory_space<vmem_shared>>) target_semaphore(%run_scoped3A : memref<!tpu.dma_semaphore, #tpu.memory_space<semaphore_mem>>)
      %dma_wait3A = arith.constant 0 : i32
      %dma_wait3A_63 = tpu.memref_slice %arg11[%add3A_16, %dma_wait3A] : memref<10240x128xf32, #tpu.memory_space<vmem_shared>> -> memref<80x128xf32, #tpu.memory_space<vmem_shared>>
      %dma_wait3A_64 = arith.constant 0 : i32
      %dma_wait3A_65 = tpu.memref_slice %arg11[%add3A_16, %dma_wait3A_64] : memref<10240x128xf32, #tpu.memory_space<vmem_shared>> -> memref<80x128xf32, #tpu.memory_space<vmem_shared>>
      tpu.wait_dma2 semaphore(%run_scoped3A : memref<!tpu.dma_semaphore, #tpu.memory_space<semaphore_mem>>) src(%arg10 : memref<80x128xf32, #tpu.memory_space<vmem>>) dst(%dma_wait3A_65 : memref<80x128xf32, #tpu.memory_space<vmem_shared>>)
      tpu.yield
    }) : () -> ()
    %add3A_17 = arith.constant 320 : i32
    %add3A_18 = arith.addi %mul3A_8, %add3A_17 : i32
    "tpu.region"() ({
      %run_scoped3A = tpu.sem_alloc : memref<!tpu.dma_semaphore, #tpu.memory_space<semaphore_mem>>
      %dma_start3A_59 = arith.constant 0 : i32
      %dma_start3A_60 = tpu.memref_slice %arg11[%add3A_18, %dma_start3A_59] : memref<10240x128xf32, #tpu.memory_space<vmem_shared>> -> memref<80x128xf32, #tpu.memory_space<vmem_shared>>
      %dma_start3A_61 = arith.constant 0 : i32
      %dma_start3A_62 = tpu.memref_slice %arg11[%add3A_18, %dma_start3A_61] : memref<10240x128xf32, #tpu.memory_space<vmem_shared>> -> memref<80x128xf32, #tpu.memory_space<vmem_shared>>
      tpu.enqueue_dma source(%arg10 : memref<80x128xf32, #tpu.memory_space<vmem>>) target(%dma_start3A_62 : memref<80x128xf32, #tpu.memory_space<vmem_shared>>) target_semaphore(%run_scoped3A : memref<!tpu.dma_semaphore, #tpu.memory_space<semaphore_mem>>)
      %dma_wait3A = arith.constant 0 : i32
      %dma_wait3A_63 = tpu.memref_slice %arg11[%add3A_18, %dma_wait3A] : memref<10240x128xf32, #tpu.memory_space<vmem_shared>> -> memref<80x128xf32, #tpu.memory_space<vmem_shared>>
      %dma_wait3A_64 = arith.constant 0 : i32
      %dma_wait3A_65 = tpu.memref_slice %arg11[%add3A_18, %dma_wait3A_64] : memref<10240x128xf32, #tpu.memory_space<vmem_shared>> -> memref<80x128xf32, #tpu.memory_space<vmem_shared>>
      tpu.wait_dma2 semaphore(%run_scoped3A : memref<!tpu.dma_semaphore, #tpu.memory_space<semaphore_mem>>) src(%arg10 : memref<80x128xf32, #tpu.memory_space<vmem>>) dst(%dma_wait3A_65 : memref<80x128xf32, #tpu.memory_space<vmem_shared>>)
      tpu.yield
    }) : () -> ()
    %add3A_19 = arith.constant 400 : i32
    %add3A_20 = arith.addi %mul3A_8, %add3A_19 : i32
    "tpu.region"() ({
      %run_scoped3A = tpu.sem_alloc : memref<!tpu.dma_semaphore, #tpu.memory_space<semaphore_mem>>
      %dma_start3A_59 = arith.constant 0 : i32
      %dma_start3A_60 = tpu.memref_slice %arg11[%add3A_20, %dma_start3A_59] : memref<10240x128xf32, #tpu.memory_space<vmem_shared>> -> memref<80x128xf32, #tpu.memory_space<vmem_shared>>
      %dma_start3A_61 = arith.constant 0 : i32
      %dma_start3A_62 = tpu.memref_slice %arg11[%add3A_20, %dma_start3A_61] : memref<10240x128xf32, #tpu.memory_space<vmem_shared>> -> memref<80x128xf32, #tpu.memory_space<vmem_shared>>
      tpu.enqueue_dma source(%arg10 : memref<80x128xf32, #tpu.memory_space<vmem>>) target(%dma_start3A_62 : memref<80x128xf32, #tpu.memory_space<vmem_shared>>) target_semaphore(%run_scoped3A : memref<!tpu.dma_semaphore, #tpu.memory_space<semaphore_mem>>)
      %dma_wait3A = arith.constant 0 : i32
      %dma_wait3A_63 = tpu.memref_slice %arg11[%add3A_20, %dma_wait3A] : memref<10240x128xf32, #tpu.memory_space<vmem_shared>> -> memref<80x128xf32, #tpu.memory_space<vmem_shared>>
      %dma_wait3A_64 = arith.constant 0 : i32
      %dma_wait3A_65 = tpu.memref_slice %arg11[%add3A_20, %dma_wait3A_64] : memref<10240x128xf32, #tpu.memory_space<vmem_shared>> -> memref<80x128xf32, #tpu.memory_space<vmem_shared>>
      tpu.wait_dma2 semaphore(%run_scoped3A : memref<!tpu.dma_semaphore, #tpu.memory_space<semaphore_mem>>) src(%arg10 : memref<80x128xf32, #tpu.memory_space<vmem>>) dst(%dma_wait3A_65 : memref<80x128xf32, #tpu.memory_space<vmem_shared>>)
      tpu.yield
    }) : () -> ()
    %add3A_21 = arith.constant 480 : i32
    %add3A_22 = arith.addi %mul3A_8, %add3A_21 : i32
    "tpu.region"() ({
      %run_scoped3A = tpu.sem_alloc : memref<!tpu.dma_semaphore, #tpu.memory_space<semaphore_mem>>
      %dma_start3A_59 = arith.constant 0 : i32
      %dma_start3A_60 = tpu.memref_slice %arg11[%add3A_22, %dma_start3A_59] : memref<10240x128xf32, #tpu.memory_space<vmem_shared>> -> memref<80x128xf32, #tpu.memory_space<vmem_shared>>
      %dma_start3A_61 = arith.constant 0 : i32
      %dma_start3A_62 = tpu.memref_slice %arg11[%add3A_22, %dma_start3A_61] : memref<10240x128xf32, #tpu.memory_space<vmem_shared>> -> memref<80x128xf32, #tpu.memory_space<vmem_shared>>
      tpu.enqueue_dma source(%arg10 : memref<80x128xf32, #tpu.memory_space<vmem>>) target(%dma_start3A_62 : memref<80x128xf32, #tpu.memory_space<vmem_shared>>) target_semaphore(%run_scoped3A : memref<!tpu.dma_semaphore, #tpu.memory_space<semaphore_mem>>)
      %dma_wait3A = arith.constant 0 : i32
      %dma_wait3A_63 = tpu.memref_slice %arg11[%add3A_22, %dma_wait3A] : memref<10240x128xf32, #tpu.memory_space<vmem_shared>> -> memref<80x128xf32, #tpu.memory_space<vmem_shared>>
      %dma_wait3A_64 = arith.constant 0 : i32
      %dma_wait3A_65 = tpu.memref_slice %arg11[%add3A_22, %dma_wait3A_64] : memref<10240x128xf32, #tpu.memory_space<vmem_shared>> -> memref<80x128xf32, #tpu.memory_space<vmem_shared>>
      tpu.wait_dma2 semaphore(%run_scoped3A : memref<!tpu.dma_semaphore, #tpu.memory_space<semaphore_mem>>) src(%arg10 : memref<80x128xf32, #tpu.memory_space<vmem>>) dst(%dma_wait3A_65 : memref<80x128xf32, #tpu.memory_space<vmem_shared>>)
      tpu.yield
    }) : () -> ()
    %add3A_23 = arith.constant 560 : i32
    %add3A_24 = arith.addi %mul3A_8, %add3A_23 : i32
    "tpu.region"() ({
      %run_scoped3A = tpu.sem_alloc : memref<!tpu.dma_semaphore, #tpu.memory_space<semaphore_mem>>
      %dma_start3A_59 = arith.constant 0 : i32
      %dma_start3A_60 = tpu.memref_slice %arg11[%add3A_24, %dma_start3A_59] : memref<10240x128xf32, #tpu.memory_space<vmem_shared>> -> memref<80x128xf32, #tpu.memory_space<vmem_shared>>
      %dma_start3A_61 = arith.constant 0 : i32
      %dma_start3A_62 = tpu.memref_slice %arg11[%add3A_24, %dma_start3A_61] : memref<10240x128xf32, #tpu.memory_space<vmem_shared>> -> memref<80x128xf32, #tpu.memory_space<vmem_shared>>
      tpu.enqueue_dma source(%arg10 : memref<80x128xf32, #tpu.memory_space<vmem>>) target(%dma_start3A_62 : memref<80x128xf32, #tpu.memory_space<vmem_shared>>) target_semaphore(%run_scoped3A : memref<!tpu.dma_semaphore, #tpu.memory_space<semaphore_mem>>)
      %dma_wait3A = arith.constant 0 : i32
      %dma_wait3A_63 = tpu.memref_slice %arg11[%add3A_24, %dma_wait3A] : memref<10240x128xf32, #tpu.memory_space<vmem_shared>> -> memref<80x128xf32, #tpu.memory_space<vmem_shared>>
      %dma_wait3A_64 = arith.constant 0 : i32
      %dma_wait3A_65 = tpu.memref_slice %arg11[%add3A_24, %dma_wait3A_64] : memref<10240x128xf32, #tpu.memory_space<vmem_shared>> -> memref<80x128xf32, #tpu.memory_space<vmem_shared>>
      tpu.wait_dma2 semaphore(%run_scoped3A : memref<!tpu.dma_semaphore, #tpu.memory_space<semaphore_mem>>) src(%arg10 : memref<80x128xf32, #tpu.memory_space<vmem>>) dst(%dma_wait3A_65 : memref<80x128xf32, #tpu.memory_space<vmem_shared>>)
      tpu.yield
    }) : () -> ()
    %barrier3A = arith.constant 0 : index
    tpu.barrier barrier_id(%barrier3A)
    %mul3A_25 = arith.constant 64 : i32
    %mul3A_26 = arith.muli %add3A, %mul3A_25 : i32
    "tpu.region"() ({
      %run_scoped3A = tpu.sem_alloc : memref<!tpu.dma_semaphore, #tpu.memory_space<semaphore_mem>>
      %dma_start3A_59 = arith.constant 0 : i32
      %dma_start3A_60 = tpu.memref_slice %arg3[%mul3A_26, %dma_start3A_59] : memref<4096x80xi32, #tpu.memory_space<hbm>> -> memref<64x80xi32, #tpu.memory_space<hbm>>
      %dma_start3A_61 = arith.constant 0 : i32
      %dma_start3A_62 = tpu.memref_slice %arg3[%mul3A_26, %dma_start3A_61] : memref<4096x80xi32, #tpu.memory_space<hbm>> -> memref<64x80xi32, #tpu.memory_space<hbm>>
      tpu.enqueue_dma source(%dma_start3A_62 : memref<64x80xi32, #tpu.memory_space<hbm>>) target(%arg6 : memref<64x80xi32, #tpu.memory_space<vmem>>) target_semaphore(%run_scoped3A : memref<!tpu.dma_semaphore, #tpu.memory_space<semaphore_mem>>)
      %dma_wait3A = arith.constant 0 : i32
      %dma_wait3A_63 = tpu.memref_slice %arg3[%mul3A_26, %dma_wait3A] : memref<4096x80xi32, #tpu.memory_space<hbm>> -> memref<64x80xi32, #tpu.memory_space<hbm>>
      %dma_wait3A_64 = arith.constant 0 : i32
      %dma_wait3A_65 = tpu.memref_slice %arg3[%mul3A_26, %dma_wait3A_64] : memref<4096x80xi32, #tpu.memory_space<hbm>> -> memref<64x80xi32, #tpu.memory_space<hbm>>
      tpu.wait_dma2 semaphore(%run_scoped3A : memref<!tpu.dma_semaphore, #tpu.memory_space<semaphore_mem>>) src(%dma_wait3A_65 : memref<64x80xi32, #tpu.memory_space<hbm>>) dst(%arg6 : memref<64x80xi32, #tpu.memory_space<vmem>>)
      tpu.yield
    }) : () -> ()
    "tpu.region"() ({
      %run_scoped3A = tpu.sem_alloc : memref<!tpu.dma_semaphore, #tpu.memory_space<semaphore_mem>>
      %dma_start3A_59 = arith.constant 0 : i32
      %dma_start3A_60 = tpu.memref_slice %arg4[%mul3A_26, %dma_start3A_59] : memref<4096x80xi32, #tpu.memory_space<hbm>> -> memref<64x80xi32, #tpu.memory_space<hbm>>
      %dma_start3A_61 = arith.constant 0 : i32
      %dma_start3A_62 = tpu.memref_slice %arg4[%mul3A_26, %dma_start3A_61] : memref<4096x80xi32, #tpu.memory_space<hbm>> -> memref<64x80xi32, #tpu.memory_space<hbm>>
      tpu.enqueue_dma source(%dma_start3A_62 : memref<64x80xi32, #tpu.memory_space<hbm>>) target(%arg7 : memref<64x80xi32, #tpu.memory_space<vmem>>) target_semaphore(%run_scoped3A : memref<!tpu.dma_semaphore, #tpu.memory_space<semaphore_mem>>)
      %dma_wait3A = arith.constant 0 : i32
      %dma_wait3A_63 = tpu.memref_slice %arg4[%mul3A_26, %dma_wait3A] : memref<4096x80xi32, #tpu.memory_space<hbm>> -> memref<64x80xi32, #tpu.memory_space<hbm>>
      %dma_wait3A_64 = arith.constant 0 : i32
      %dma_wait3A_65 = tpu.memref_slice %arg4[%mul3A_26, %dma_wait3A_64] : memref<4096x80xi32, #tpu.memory_space<hbm>> -> memref<64x80xi32, #tpu.memory_space<hbm>>
      tpu.wait_dma2 semaphore(%run_scoped3A : memref<!tpu.dma_semaphore, #tpu.memory_space<semaphore_mem>>) src(%dma_wait3A_65 : memref<64x80xi32, #tpu.memory_space<hbm>>) dst(%arg7 : memref<64x80xi32, #tpu.memory_space<vmem>>)
      tpu.yield
    }) : () -> ()
    %dma_start3A = arith.constant 0 : i32
    %dma_start3A_27 = arith.constant 0 : i32
    %dma_start3A_28 = tpu.memref_slice %arg6[%dma_start3A, %dma_start3A_27] : memref<64x80xi32, #tpu.memory_space<vmem>> -> memref<1x80xi32, #tpu.memory_space<vmem>>
    %dma_start3A_29 = tpu.memref_squeeze %dma_start3A_28 : memref<1x80xi32, #tpu.memory_space<vmem>> -> memref<80xi32, #tpu.memory_space<vmem>>
    %dma_start3A_30 = arith.constant 0 : i32
    %dma_start3A_31 = arith.constant 0 : i32
    %dma_start3A_32 = tpu.memref_slice %arg2[%dma_start3A_30, %dma_start3A_31] : memref<10000x128xf32, #tpu.memory_space<hbm>> -> memref<10000x128xf32, #tpu.memory_space<hbm>>
    tpu.enqueue_indirect_dma source(%dma_start3A_32 : memref<10000x128xf32, #tpu.memory_space<hbm>>) target(%arg8 : memref<80x128xf32, #tpu.memory_space<vmem>>) offsets(%dma_start3A_29 : memref<80xi32, #tpu.memory_space<vmem>>) semaphore(%arg12 : memref<!tpu.dma_semaphore, #tpu.memory_space<semaphore_mem>>)
    %scan3A_33 = arith.constant 0 : i32
    %scan3A_34 = arith.constant 0 : i32
    %scan3A_35 = arith.constant 32 : i32
    %scan3A_36 = arith.addi %scan3A_34, %scan3A_35 : i32
    %scan3A_37 = arith.constant 1 : i32
    %scan3A_38 = scf.for %scan3A_59 = %scan3A_34 to %scan3A_36 step %scan3A_37 iter_args(%scan3A_60 = %scan3A_33) -> (i32)  : i32 {
      %mul3A_61 = arith.constant 2 : i32
      %mul3A_62 = arith.muli %mul3A_61, %scan3A_59 : i32
      %add3A_63 = arith.constant 1 : i32
      %add3A_64 = arith.addi %mul3A_62, %add3A_63 : i32
      %dma_start3A_65 = arith.constant 0 : i32
      %dma_start3A_66 = tpu.memref_slice %arg6[%add3A_64, %dma_start3A_65] : memref<64x80xi32, #tpu.memory_space<vmem>> -> memref<1x80xi32, #tpu.memory_space<vmem>>
      %dma_start3A_67 = tpu.memref_squeeze %dma_start3A_66 : memref<1x80xi32, #tpu.memory_space<vmem>> -> memref<80xi32, #tpu.memory_space<vmem>>
      %dma_start3A_68 = arith.constant 0 : i32
      %dma_start3A_69 = arith.constant 0 : i32
      %dma_start3A_70 = tpu.memref_slice %arg2[%dma_start3A_68, %dma_start3A_69] : memref<10000x128xf32, #tpu.memory_space<hbm>> -> memref<10000x128xf32, #tpu.memory_space<hbm>>
      tpu.enqueue_indirect_dma source(%dma_start3A_70 : memref<10000x128xf32, #tpu.memory_space<hbm>>) target(%arg9 : memref<80x128xf32, #tpu.memory_space<vmem>>) offsets(%dma_start3A_67 : memref<80xi32, #tpu.memory_space<vmem>>) semaphore(%arg13 : memref<!tpu.dma_semaphore, #tpu.memory_space<semaphore_mem>>)
      %dma_wait3A = arith.constant 0 : i32
      %dma_wait3A_71 = tpu.memref_slice %arg6[%mul3A_62, %dma_wait3A] : memref<64x80xi32, #tpu.memory_space<vmem>> -> memref<1x80xi32, #tpu.memory_space<vmem>>
      %dma_wait3A_72 = tpu.memref_squeeze %dma_wait3A_71 : memref<1x80xi32, #tpu.memory_space<vmem>> -> memref<80xi32, #tpu.memory_space<vmem>>
      %dma_wait3A_73 = arith.constant 0 : i32
      %dma_wait3A_74 = arith.constant 0 : i32
      %dma_wait3A_75 = tpu.memref_slice %arg2[%dma_wait3A_73, %dma_wait3A_74] : memref<10000x128xf32, #tpu.memory_space<hbm>> -> memref<10000x128xf32, #tpu.memory_space<hbm>>
      tpu.wait_indirect_dma semaphore(%arg12 : memref<!tpu.dma_semaphore, #tpu.memory_space<semaphore_mem>>) src(%dma_wait3A_75 : memref<10000x128xf32, #tpu.memory_space<hbm>>) dst(%arg8 : memref<80x128xf32, #tpu.memory_space<vmem>>)
      "tpu.region"() ({
        %run_scoped3A = tpu.sem_alloc : memref<!tpu.dma_semaphore, #tpu.memory_space<semaphore_mem>>
        %dma_start3A_87 = arith.constant 0 : i32
        %dma_start3A_88 = tpu.memref_slice %arg7[%mul3A_62, %dma_start3A_87] : memref<64x80xi32, #tpu.memory_space<vmem>> -> memref<1x80xi32, #tpu.memory_space<vmem>>
        %dma_start3A_89 = tpu.memref_squeeze %dma_start3A_88 : memref<1x80xi32, #tpu.memory_space<vmem>> -> memref<80xi32, #tpu.memory_space<vmem>>
        %dma_start3A_90 = arith.constant 0 : i32
        %dma_start3A_91 = arith.constant 0 : i32
        %dma_start3A_92 = tpu.memref_slice %arg11[%dma_start3A_90, %dma_start3A_91] : memref<10240x128xf32, #tpu.memory_space<vmem_shared>> -> memref<10240x128xf32, #tpu.memory_space<vmem_shared>>
        tpu.enqueue_indirect_dma source(%arg8 : memref<80x128xf32, #tpu.memory_space<vmem>>) target(%dma_start3A_92 : memref<10240x128xf32, #tpu.memory_space<vmem_shared>>) offsets(%dma_start3A_89 : memref<80xi32, #tpu.memory_space<vmem>>) semaphore(%run_scoped3A : memref<!tpu.dma_semaphore, #tpu.memory_space<semaphore_mem>>) {add = true}
        %dma_wait3A_93 = arith.constant 0 : i32
        %dma_wait3A_94 = tpu.memref_slice %arg7[%mul3A_62, %dma_wait3A_93] : memref<64x80xi32, #tpu.memory_space<vmem>> -> memref<1x80xi32, #tpu.memory_space<vmem>>
        %dma_wait3A_95 = tpu.memref_squeeze %dma_wait3A_94 : memref<1x80xi32, #tpu.memory_space<vmem>> -> memref<80xi32, #tpu.memory_space<vmem>>
        %dma_wait3A_96 = arith.constant 0 : i32
        %dma_wait3A_97 = arith.constant 0 : i32
        %dma_wait3A_98 = tpu.memref_slice %arg11[%dma_wait3A_96, %dma_wait3A_97] : memref<10240x128xf32, #tpu.memory_space<vmem_shared>> -> memref<10240x128xf32, #tpu.memory_space<vmem_shared>>
        tpu.wait_indirect_dma semaphore(%run_scoped3A : memref<!tpu.dma_semaphore, #tpu.memory_space<semaphore_mem>>) src(%arg8 : memref<80x128xf32, #tpu.memory_space<vmem>>) dst(%dma_wait3A_98 : memref<10240x128xf32, #tpu.memory_space<vmem_shared>>)
        tpu.yield
      }) : () -> ()
      %lt3A = arith.constant 31 : i32
      %lt3A_76 = arith.cmpi slt, %scan3A_59, %lt3A : i32
      %convert_element_type3A = arith.extui %lt3A_76 : i1 to i32
      %cond3A = arith.constant 0 : i32
      %cond3A_77 = arith.cmpi ne, %convert_element_type3A, %cond3A : i32
      scf.if %cond3A_77 {
        %add3A_87 = arith.constant 2 : i32
        %add3A_88 = arith.addi %mul3A_62, %add3A_87 : i32
        %dma_start3A_89 = arith.constant 0 : i32
        %dma_start3A_90 = tpu.memref_slice %arg6[%add3A_88, %dma_start3A_89] : memref<64x80xi32, #tpu.memory_space<vmem>> -> memref<1x80xi32, #tpu.memory_space<vmem>>
        %dma_start3A_91 = tpu.memref_squeeze %dma_start3A_90 : memref<1x80xi32, #tpu.memory_space<vmem>> -> memref<80xi32, #tpu.memory_space<vmem>>
        %dma_start3A_92 = arith.constant 0 : i32
        %dma_start3A_93 = arith.constant 0 : i32
        %dma_start3A_94 = tpu.memref_slice %arg2[%dma_start3A_92, %dma_start3A_93] : memref<10000x128xf32, #tpu.memory_space<hbm>> -> memref<10000x128xf32, #tpu.memory_space<hbm>>
        tpu.enqueue_indirect_dma source(%dma_start3A_94 : memref<10000x128xf32, #tpu.memory_space<hbm>>) target(%arg8 : memref<80x128xf32, #tpu.memory_space<vmem>>) offsets(%dma_start3A_91 : memref<80xi32, #tpu.memory_space<vmem>>) semaphore(%arg12 : memref<!tpu.dma_semaphore, #tpu.memory_space<semaphore_mem>>)
      } else {
      }
      %add3A_78 = arith.constant 1 : i32
      %add3A_79 = arith.addi %mul3A_62, %add3A_78 : i32
      %dma_wait3A_80 = arith.constant 0 : i32
      %dma_wait3A_81 = tpu.memref_slice %arg6[%add3A_79, %dma_wait3A_80] : memref<64x80xi32, #tpu.memory_space<vmem>> -> memref<1x80xi32, #tpu.memory_space<vmem>>
      %dma_wait3A_82 = tpu.memref_squeeze %dma_wait3A_81 : memref<1x80xi32, #tpu.memory_space<vmem>> -> memref<80xi32, #tpu.memory_space<vmem>>
      %dma_wait3A_83 = arith.constant 0 : i32
      %dma_wait3A_84 = arith.constant 0 : i32
      %dma_wait3A_85 = tpu.memref_slice %arg2[%dma_wait3A_83, %dma_wait3A_84] : memref<10000x128xf32, #tpu.memory_space<hbm>> -> memref<10000x128xf32, #tpu.memory_space<hbm>>
      tpu.wait_indirect_dma semaphore(%arg13 : memref<!tpu.dma_semaphore, #tpu.memory_space<semaphore_mem>>) src(%dma_wait3A_85 : memref<10000x128xf32, #tpu.memory_space<hbm>>) dst(%arg9 : memref<80x128xf32, #tpu.memory_space<vmem>>)
      "tpu.region"() ({
        %run_scoped3A = tpu.sem_alloc : memref<!tpu.dma_semaphore, #tpu.memory_space<semaphore_mem>>
        %dma_start3A_87 = arith.constant 0 : i32
        %dma_start3A_88 = tpu.memref_slice %arg7[%add3A_79, %dma_start3A_87] : memref<64x80xi32, #tpu.memory_space<vmem>> -> memref<1x80xi32, #tpu.memory_space<vmem>>
        %dma_start3A_89 = tpu.memref_squeeze %dma_start3A_88 : memref<1x80xi32, #tpu.memory_space<vmem>> -> memref<80xi32, #tpu.memory_space<vmem>>
        %dma_start3A_90 = arith.constant 0 : i32
        %dma_start3A_91 = arith.constant 0 : i32
        %dma_start3A_92 = tpu.memref_slice %arg11[%dma_start3A_90, %dma_start3A_91] : memref<10240x128xf32, #tpu.memory_space<vmem_shared>> -> memref<10240x128xf32, #tpu.memory_space<vmem_shared>>
        tpu.enqueue_indirect_dma source(%arg9 : memref<80x128xf32, #tpu.memory_space<vmem>>) target(%dma_start3A_92 : memref<10240x128xf32, #tpu.memory_space<vmem_shared>>) offsets(%dma_start3A_89 : memref<80xi32, #tpu.memory_space<vmem>>) semaphore(%run_scoped3A : memref<!tpu.dma_semaphore, #tpu.memory_space<semaphore_mem>>) {add = true}
        %dma_wait3A_93 = arith.constant 0 : i32
        %dma_wait3A_94 = tpu.memref_slice %arg7[%add3A_79, %dma_wait3A_93] : memref<64x80xi32, #tpu.memory_space<vmem>> -> memref<1x80xi32, #tpu.memory_space<vmem>>
        %dma_wait3A_95 = tpu.memref_squeeze %dma_wait3A_94 : memref<1x80xi32, #tpu.memory_space<vmem>> -> memref<80xi32, #tpu.memory_space<vmem>>
        %dma_wait3A_96 = arith.constant 0 : i32
        %dma_wait3A_97 = arith.constant 0 : i32
        %dma_wait3A_98 = tpu.memref_slice %arg11[%dma_wait3A_96, %dma_wait3A_97] : memref<10240x128xf32, #tpu.memory_space<vmem_shared>> -> memref<10240x128xf32, #tpu.memory_space<vmem_shared>>
        tpu.wait_indirect_dma semaphore(%run_scoped3A : memref<!tpu.dma_semaphore, #tpu.memory_space<semaphore_mem>>) src(%arg9 : memref<80x128xf32, #tpu.memory_space<vmem>>) dst(%dma_wait3A_98 : memref<10240x128xf32, #tpu.memory_space<vmem_shared>>)
        tpu.yield
      }) : () -> ()
      %scan3A_86 = arith.constant 0 : i32
      scf.yield %scan3A_86 : i32
    }
    %scan3A_39 = arith.constant 32 : i32
    %mul3A_40 = arith.constant 64 : i32
    %mul3A_41 = arith.muli %add3A, %mul3A_40 : i32
    %add3A_42 = arith.constant 2048 : i32
    %add3A_43 = arith.addi %add3A_42, %mul3A_41 : i32
    "tpu.region"() ({
      %run_scoped3A = tpu.sem_alloc : memref<!tpu.dma_semaphore, #tpu.memory_space<semaphore_mem>>
      %dma_start3A_59 = arith.constant 0 : i32
      %dma_start3A_60 = tpu.memref_slice %arg3[%add3A_43, %dma_start3A_59] : memref<4096x80xi32, #tpu.memory_space<hbm>> -> memref<64x80xi32, #tpu.memory_space<hbm>>
      %dma_start3A_61 = arith.constant 0 : i32
      %dma_start3A_62 = tpu.memref_slice %arg3[%add3A_43, %dma_start3A_61] : memref<4096x80xi32, #tpu.memory_space<hbm>> -> memref<64x80xi32, #tpu.memory_space<hbm>>
      tpu.enqueue_dma source(%dma_start3A_62 : memref<64x80xi32, #tpu.memory_space<hbm>>) target(%arg6 : memref<64x80xi32, #tpu.memory_space<vmem>>) target_semaphore(%run_scoped3A : memref<!tpu.dma_semaphore, #tpu.memory_space<semaphore_mem>>)
      %dma_wait3A = arith.constant 0 : i32
      %dma_wait3A_63 = tpu.memref_slice %arg3[%add3A_43, %dma_wait3A] : memref<4096x80xi32, #tpu.memory_space<hbm>> -> memref<64x80xi32, #tpu.memory_space<hbm>>
      %dma_wait3A_64 = arith.constant 0 : i32
      %dma_wait3A_65 = tpu.memref_slice %arg3[%add3A_43, %dma_wait3A_64] : memref<4096x80xi32, #tpu.memory_space<hbm>> -> memref<64x80xi32, #tpu.memory_space<hbm>>
      tpu.wait_dma2 semaphore(%run_scoped3A : memref<!tpu.dma_semaphore, #tpu.memory_space<semaphore_mem>>) src(%dma_wait3A_65 : memref<64x80xi32, #tpu.memory_space<hbm>>) dst(%arg6 : memref<64x80xi32, #tpu.memory_space<vmem>>)
      tpu.yield
    }) : () -> ()
    "tpu.region"() ({
      %run_scoped3A = tpu.sem_alloc : memref<!tpu.dma_semaphore, #tpu.memory_space<semaphore_mem>>
      %dma_start3A_59 = arith.constant 0 : i32
      %dma_start3A_60 = tpu.memref_slice %arg4[%add3A_43, %dma_start3A_59] : memref<4096x80xi32, #tpu.memory_space<hbm>> -> memref<64x80xi32, #tpu.memory_space<hbm>>
      %dma_start3A_61 = arith.constant 0 : i32
      %dma_start3A_62 = tpu.memref_slice %arg4[%add3A_43, %dma_start3A_61] : memref<4096x80xi32, #tpu.memory_space<hbm>> -> memref<64x80xi32, #tpu.memory_space<hbm>>
      tpu.enqueue_dma source(%dma_start3A_62 : memref<64x80xi32, #tpu.memory_space<hbm>>) target(%arg7 : memref<64x80xi32, #tpu.memory_space<vmem>>) target_semaphore(%run_scoped3A : memref<!tpu.dma_semaphore, #tpu.memory_space<semaphore_mem>>)
      %dma_wait3A = arith.constant 0 : i32
      %dma_wait3A_63 = tpu.memref_slice %arg4[%add3A_43, %dma_wait3A] : memref<4096x80xi32, #tpu.memory_space<hbm>> -> memref<64x80xi32, #tpu.memory_space<hbm>>
      %dma_wait3A_64 = arith.constant 0 : i32
      %dma_wait3A_65 = tpu.memref_slice %arg4[%add3A_43, %dma_wait3A_64] : memref<4096x80xi32, #tpu.memory_space<hbm>> -> memref<64x80xi32, #tpu.memory_space<hbm>>
      tpu.wait_dma2 semaphore(%run_scoped3A : memref<!tpu.dma_semaphore, #tpu.memory_space<semaphore_mem>>) src(%dma_wait3A_65 : memref<64x80xi32, #tpu.memory_space<hbm>>) dst(%arg7 : memref<64x80xi32, #tpu.memory_space<vmem>>)
      tpu.yield
    }) : () -> ()
    %dma_start3A_44 = arith.constant 0 : i32
    %dma_start3A_45 = arith.constant 0 : i32
    %dma_start3A_46 = tpu.memref_slice %arg6[%dma_start3A_44, %dma_start3A_45] : memref<64x80xi32, #tpu.memory_space<vmem>> -> memref<1x80xi32, #tpu.memory_space<vmem>>
    %dma_start3A_47 = tpu.memref_squeeze %dma_start3A_46 : memref<1x80xi32, #tpu.memory_space<vmem>> -> memref<80xi32, #tpu.memory_space<vmem>>
    %dma_start3A_48 = arith.constant 0 : i32
    %dma_start3A_49 = arith.constant 0 : i32
    %dma_start3A_50 = tpu.memref_slice %arg2[%dma_start3A_48, %dma_start3A_49] : memref<10000x128xf32, #tpu.memory_space<hbm>> -> memref<10000x128xf32, #tpu.memory_space<hbm>>
    tpu.enqueue_indirect_dma source(%dma_start3A_50 : memref<10000x128xf32, #tpu.memory_space<hbm>>) target(%arg8 : memref<80x128xf32, #tpu.memory_space<vmem>>) offsets(%dma_start3A_47 : memref<80xi32, #tpu.memory_space<vmem>>) semaphore(%arg12 : memref<!tpu.dma_semaphore, #tpu.memory_space<semaphore_mem>>)
    %scan3A_51 = arith.constant 0 : i32
    %scan3A_52 = arith.constant 0 : i32
    %scan3A_53 = arith.constant 32 : i32
    %scan3A_54 = arith.addi %scan3A_52, %scan3A_53 : i32
    %scan3A_55 = arith.constant 1 : i32
    %scan3A_56 = scf.for %scan3A_59 = %scan3A_52 to %scan3A_54 step %scan3A_55 iter_args(%scan3A_60 = %scan3A_51) -> (i32)  : i32 {
      %mul3A_61 = arith.constant 2 : i32
      %mul3A_62 = arith.muli %mul3A_61, %scan3A_59 : i32
      %add3A_63 = arith.constant 1 : i32
      %add3A_64 = arith.addi %mul3A_62, %add3A_63 : i32
      %dma_start3A_65 = arith.constant 0 : i32
      %dma_start3A_66 = tpu.memref_slice %arg6[%add3A_64, %dma_start3A_65] : memref<64x80xi32, #tpu.memory_space<vmem>> -> memref<1x80xi32, #tpu.memory_space<vmem>>
      %dma_start3A_67 = tpu.memref_squeeze %dma_start3A_66 : memref<1x80xi32, #tpu.memory_space<vmem>> -> memref<80xi32, #tpu.memory_space<vmem>>
      %dma_start3A_68 = arith.constant 0 : i32
      %dma_start3A_69 = arith.constant 0 : i32
      %dma_start3A_70 = tpu.memref_slice %arg2[%dma_start3A_68, %dma_start3A_69] : memref<10000x128xf32, #tpu.memory_space<hbm>> -> memref<10000x128xf32, #tpu.memory_space<hbm>>
      tpu.enqueue_indirect_dma source(%dma_start3A_70 : memref<10000x128xf32, #tpu.memory_space<hbm>>) target(%arg9 : memref<80x128xf32, #tpu.memory_space<vmem>>) offsets(%dma_start3A_67 : memref<80xi32, #tpu.memory_space<vmem>>) semaphore(%arg13 : memref<!tpu.dma_semaphore, #tpu.memory_space<semaphore_mem>>)
      %dma_wait3A = arith.constant 0 : i32
      %dma_wait3A_71 = tpu.memref_slice %arg6[%mul3A_62, %dma_wait3A] : memref<64x80xi32, #tpu.memory_space<vmem>> -> memref<1x80xi32, #tpu.memory_space<vmem>>
      %dma_wait3A_72 = tpu.memref_squeeze %dma_wait3A_71 : memref<1x80xi32, #tpu.memory_space<vmem>> -> memref<80xi32, #tpu.memory_space<vmem>>
      %dma_wait3A_73 = arith.constant 0 : i32
      %dma_wait3A_74 = arith.constant 0 : i32
      %dma_wait3A_75 = tpu.memref_slice %arg2[%dma_wait3A_73, %dma_wait3A_74] : memref<10000x128xf32, #tpu.memory_space<hbm>> -> memref<10000x128xf32, #tpu.memory_space<hbm>>
      tpu.wait_indirect_dma semaphore(%arg12 : memref<!tpu.dma_semaphore, #tpu.memory_space<semaphore_mem>>) src(%dma_wait3A_75 : memref<10000x128xf32, #tpu.memory_space<hbm>>) dst(%arg8 : memref<80x128xf32, #tpu.memory_space<vmem>>)
      "tpu.region"() ({
        %run_scoped3A = tpu.sem_alloc : memref<!tpu.dma_semaphore, #tpu.memory_space<semaphore_mem>>
        %dma_start3A_87 = arith.constant 0 : i32
        %dma_start3A_88 = tpu.memref_slice %arg7[%mul3A_62, %dma_start3A_87] : memref<64x80xi32, #tpu.memory_space<vmem>> -> memref<1x80xi32, #tpu.memory_space<vmem>>
        %dma_start3A_89 = tpu.memref_squeeze %dma_start3A_88 : memref<1x80xi32, #tpu.memory_space<vmem>> -> memref<80xi32, #tpu.memory_space<vmem>>
        %dma_start3A_90 = arith.constant 0 : i32
        %dma_start3A_91 = arith.constant 0 : i32
        %dma_start3A_92 = tpu.memref_slice %arg11[%dma_start3A_90, %dma_start3A_91] : memref<10240x128xf32, #tpu.memory_space<vmem_shared>> -> memref<10240x128xf32, #tpu.memory_space<vmem_shared>>
        tpu.enqueue_indirect_dma source(%arg8 : memref<80x128xf32, #tpu.memory_space<vmem>>) target(%dma_start3A_92 : memref<10240x128xf32, #tpu.memory_space<vmem_shared>>) offsets(%dma_start3A_89 : memref<80xi32, #tpu.memory_space<vmem>>) semaphore(%run_scoped3A : memref<!tpu.dma_semaphore, #tpu.memory_space<semaphore_mem>>) {add = true}
        %dma_wait3A_93 = arith.constant 0 : i32
        %dma_wait3A_94 = tpu.memref_slice %arg7[%mul3A_62, %dma_wait3A_93] : memref<64x80xi32, #tpu.memory_space<vmem>> -> memref<1x80xi32, #tpu.memory_space<vmem>>
        %dma_wait3A_95 = tpu.memref_squeeze %dma_wait3A_94 : memref<1x80xi32, #tpu.memory_space<vmem>> -> memref<80xi32, #tpu.memory_space<vmem>>
        %dma_wait3A_96 = arith.constant 0 : i32
        %dma_wait3A_97 = arith.constant 0 : i32
        %dma_wait3A_98 = tpu.memref_slice %arg11[%dma_wait3A_96, %dma_wait3A_97] : memref<10240x128xf32, #tpu.memory_space<vmem_shared>> -> memref<10240x128xf32, #tpu.memory_space<vmem_shared>>
        tpu.wait_indirect_dma semaphore(%run_scoped3A : memref<!tpu.dma_semaphore, #tpu.memory_space<semaphore_mem>>) src(%arg8 : memref<80x128xf32, #tpu.memory_space<vmem>>) dst(%dma_wait3A_98 : memref<10240x128xf32, #tpu.memory_space<vmem_shared>>)
        tpu.yield
      }) : () -> ()
      %lt3A = arith.constant 31 : i32
      %lt3A_76 = arith.cmpi slt, %scan3A_59, %lt3A : i32
      %convert_element_type3A = arith.extui %lt3A_76 : i1 to i32
      %cond3A = arith.constant 0 : i32
      %cond3A_77 = arith.cmpi ne, %convert_element_type3A, %cond3A : i32
      scf.if %cond3A_77 {
        %add3A_87 = arith.constant 2 : i32
        %add3A_88 = arith.addi %mul3A_62, %add3A_87 : i32
        %dma_start3A_89 = arith.constant 0 : i32
        %dma_start3A_90 = tpu.memref_slice %arg6[%add3A_88, %dma_start3A_89] : memref<64x80xi32, #tpu.memory_space<vmem>> -> memref<1x80xi32, #tpu.memory_space<vmem>>
        %dma_start3A_91 = tpu.memref_squeeze %dma_start3A_90 : memref<1x80xi32, #tpu.memory_space<vmem>> -> memref<80xi32, #tpu.memory_space<vmem>>
        %dma_start3A_92 = arith.constant 0 : i32
        %dma_start3A_93 = arith.constant 0 : i32
        %dma_start3A_94 = tpu.memref_slice %arg2[%dma_start3A_92, %dma_start3A_93] : memref<10000x128xf32, #tpu.memory_space<hbm>> -> memref<10000x128xf32, #tpu.memory_space<hbm>>
        tpu.enqueue_indirect_dma source(%dma_start3A_94 : memref<10000x128xf32, #tpu.memory_space<hbm>>) target(%arg8 : memref<80x128xf32, #tpu.memory_space<vmem>>) offsets(%dma_start3A_91 : memref<80xi32, #tpu.memory_space<vmem>>) semaphore(%arg12 : memref<!tpu.dma_semaphore, #tpu.memory_space<semaphore_mem>>)
      } else {
      }
      %add3A_78 = arith.constant 1 : i32
      %add3A_79 = arith.addi %mul3A_62, %add3A_78 : i32
      %dma_wait3A_80 = arith.constant 0 : i32
      %dma_wait3A_81 = tpu.memref_slice %arg6[%add3A_79, %dma_wait3A_80] : memref<64x80xi32, #tpu.memory_space<vmem>> -> memref<1x80xi32, #tpu.memory_space<vmem>>
      %dma_wait3A_82 = tpu.memref_squeeze %dma_wait3A_81 : memref<1x80xi32, #tpu.memory_space<vmem>> -> memref<80xi32, #tpu.memory_space<vmem>>
      %dma_wait3A_83 = arith.constant 0 : i32
      %dma_wait3A_84 = arith.constant 0 : i32
      %dma_wait3A_85 = tpu.memref_slice %arg2[%dma_wait3A_83, %dma_wait3A_84] : memref<10000x128xf32, #tpu.memory_space<hbm>> -> memref<10000x128xf32, #tpu.memory_space<hbm>>
      tpu.wait_indirect_dma semaphore(%arg13 : memref<!tpu.dma_semaphore, #tpu.memory_space<semaphore_mem>>) src(%dma_wait3A_85 : memref<10000x128xf32, #tpu.memory_space<hbm>>) dst(%arg9 : memref<80x128xf32, #tpu.memory_space<vmem>>)
      "tpu.region"() ({
        %run_scoped3A = tpu.sem_alloc : memref<!tpu.dma_semaphore, #tpu.memory_space<semaphore_mem>>
        %dma_start3A_87 = arith.constant 0 : i32
        %dma_start3A_88 = tpu.memref_slice %arg7[%add3A_79, %dma_start3A_87] : memref<64x80xi32, #tpu.memory_space<vmem>> -> memref<1x80xi32, #tpu.memory_space<vmem>>
        %dma_start3A_89 = tpu.memref_squeeze %dma_start3A_88 : memref<1x80xi32, #tpu.memory_space<vmem>> -> memref<80xi32, #tpu.memory_space<vmem>>
        %dma_start3A_90 = arith.constant 0 : i32
        %dma_start3A_91 = arith.constant 0 : i32
        %dma_start3A_92 = tpu.memref_slice %arg11[%dma_start3A_90, %dma_start3A_91] : memref<10240x128xf32, #tpu.memory_space<vmem_shared>> -> memref<10240x128xf32, #tpu.memory_space<vmem_shared>>
        tpu.enqueue_indirect_dma source(%arg9 : memref<80x128xf32, #tpu.memory_space<vmem>>) target(%dma_start3A_92 : memref<10240x128xf32, #tpu.memory_space<vmem_shared>>) offsets(%dma_start3A_89 : memref<80xi32, #tpu.memory_space<vmem>>) semaphore(%run_scoped3A : memref<!tpu.dma_semaphore, #tpu.memory_space<semaphore_mem>>) {add = true}
        %dma_wait3A_93 = arith.constant 0 : i32
        %dma_wait3A_94 = tpu.memref_slice %arg7[%add3A_79, %dma_wait3A_93] : memref<64x80xi32, #tpu.memory_space<vmem>> -> memref<1x80xi32, #tpu.memory_space<vmem>>
        %dma_wait3A_95 = tpu.memref_squeeze %dma_wait3A_94 : memref<1x80xi32, #tpu.memory_space<vmem>> -> memref<80xi32, #tpu.memory_space<vmem>>
        %dma_wait3A_96 = arith.constant 0 : i32
        %dma_wait3A_97 = arith.constant 0 : i32
        %dma_wait3A_98 = tpu.memref_slice %arg11[%dma_wait3A_96, %dma_wait3A_97] : memref<10240x128xf32, #tpu.memory_space<vmem_shared>> -> memref<10240x128xf32, #tpu.memory_space<vmem_shared>>
        tpu.wait_indirect_dma semaphore(%run_scoped3A : memref<!tpu.dma_semaphore, #tpu.memory_space<semaphore_mem>>) src(%arg9 : memref<80x128xf32, #tpu.memory_space<vmem>>) dst(%dma_wait3A_98 : memref<10240x128xf32, #tpu.memory_space<vmem_shared>>)
        tpu.yield
      }) : () -> ()
      %scan3A_86 = arith.constant 0 : i32
      scf.yield %scan3A_86 : i32
    }
    %scan3A_57 = arith.constant 32 : i32
    %barrier3A_58 = arith.constant 0 : index
    tpu.barrier barrier_id(%barrier3A_58)
    "tpu.region"() ({
      %run_scoped3A = tpu.sem_alloc : memref<!tpu.dma_semaphore, #tpu.memory_space<semaphore_mem>>
      %dma_start3A_59 = arith.constant 0 : i32
      %dma_start3A_60 = tpu.memref_slice %arg5[%arg0, %mul3A_8, %dma_start3A_59] : memref<2x10240x128xf32, #tpu.memory_space<hbm>> -> memref<1x640x128xf32, #tpu.memory_space<hbm>>
      %dma_start3A_61 = tpu.memref_squeeze %dma_start3A_60 : memref<1x640x128xf32, #tpu.memory_space<hbm>> -> memref<640x128xf32, #tpu.memory_space<hbm>>
      %dma_start3A_62 = arith.constant 0 : i32
      %dma_start3A_63 = tpu.memref_slice %arg11[%mul3A_8, %dma_start3A_62] : memref<10240x128xf32, #tpu.memory_space<vmem_shared>> -> memref<640x128xf32, #tpu.memory_space<vmem_shared>>
      tpu.enqueue_dma source(%dma_start3A_63 : memref<640x128xf32, #tpu.memory_space<vmem_shared>>) target(%dma_start3A_61 : memref<640x128xf32, #tpu.memory_space<hbm>>) target_semaphore(%run_scoped3A : memref<!tpu.dma_semaphore, #tpu.memory_space<semaphore_mem>>)
      %dma_wait3A = arith.constant 0 : i32
      %dma_wait3A_64 = tpu.memref_slice %arg5[%arg0, %mul3A_8, %dma_wait3A] : memref<2x10240x128xf32, #tpu.memory_space<hbm>> -> memref<1x640x128xf32, #tpu.memory_space<hbm>>
      %dma_wait3A_65 = tpu.memref_squeeze %dma_wait3A_64 : memref<1x640x128xf32, #tpu.memory_space<hbm>> -> memref<640x128xf32, #tpu.memory_space<hbm>>
      %dma_wait3A_66 = arith.constant 0 : i32
      %dma_wait3A_67 = tpu.memref_slice %arg11[%mul3A_8, %dma_wait3A_66] : memref<10240x128xf32, #tpu.memory_space<vmem_shared>> -> memref<640x128xf32, #tpu.memory_space<vmem_shared>>
      tpu.wait_dma2 semaphore(%run_scoped3A : memref<!tpu.dma_semaphore, #tpu.memory_space<semaphore_mem>>) src(%dma_wait3A_67 : memref<640x128xf32, #tpu.memory_space<vmem_shared>>) dst(%dma_wait3A_65 : memref<640x128xf32, #tpu.memory_space<hbm>>)
      tpu.yield
    }) : () -> ()
    return
  }
}

#map = affine_map<(d0, d1) -> (0, 0)>
#map1 = affine_map<(d0, d1) -> (0, 0, 0)>
module attributes {stable_mosaic.version = 14 : i64} {
  func.func @_agg(%arg0: i32, %arg1: i32, %arg2: memref<10000x128xf32, #tpu.memory_space<hbm>>, %arg3: memref<4096x80xi32, #tpu.memory_space<hbm>>, %arg4: memref<4096x80xi32, #tpu.memory_space<hbm>>, %arg5: memref<2x10240x128xf32, #tpu.memory_space<hbm>>, %arg6: memref<64x80xi32, #tpu.memory_space<vmem>>, %arg7: memref<64x80xi32, #tpu.memory_space<vmem>>, %arg8: memref<80x128xf32, #tpu.memory_space<vmem>>, %arg9: memref<80x128xf32, #tpu.memory_space<vmem>>, %arg10: memref<80x128xf32, #tpu.memory_space<vmem>>, %arg11: memref<10240x128xf32, #tpu.memory_space<vmem_shared>>, %arg12: memref<!tpu.dma_semaphore, #tpu.memory_space<semaphore_mem>>, %arg13: memref<!tpu.dma_semaphore, #tpu.memory_space<semaphore_mem>>) attributes {dimension_semantics = [#tpu.dimension_semantics<core_parallel>, #tpu.dimension_semantics<subcore_parallel>], iteration_bounds = array<i64: 2, 16>, scalar_prefetch = 0 : i64, scratch_operands = 8 : i64, tpu.core_type = #tpu.core_type<sc_vector_subcore>, window_params = [{transform_indices = #map}, {transform_indices = #map}, {transform_indices = #map}, {transform_indices = #map1}]} {
    %mul3A = arith.constant 16 : i32
    %mul3A_0 = arith.muli %arg0, %mul3A : i32
    %add3A = arith.addi %mul3A_0, %arg1 : i32
    %scan3A = arith.constant 0 : i32
    %scan3A_1 = arith.constant 0 : i32
    %scan3A_2 = arith.constant 80 : i32
    %scan3A_3 = arith.addi %scan3A_1, %scan3A_2 : i32
    %scan3A_4 = arith.constant 1 : i32
    %scan3A_5 = scf.for %scan3A_59 = %scan3A_1 to %scan3A_3 step %scan3A_4 iter_args(%scan3A_60 = %scan3A) -> (i32)  : i32 {
      %scan3A_61 = arith.constant 0 : i32
      %scan3A_62 = arith.constant 0 : i32
      %scan3A_63 = arith.constant 8 : i32
      %scan3A_64 = arith.addi %scan3A_62, %scan3A_63 : i32
      %scan3A_65 = arith.constant 1 : i32
      %scan3A_66 = scf.for %scan3A_68 = %scan3A_62 to %scan3A_64 step %scan3A_65 iter_args(%scan3A_69 = %scan3A_61) -> (i32)  : i32 {
        %broadcast_in_dim3A = arith.constant 0.000000e+00 : f32
        %broadcast_in_dim3A_70 = vector.broadcast %broadcast_in_dim3A : f32 to vector<16xf32>
        %mul3A_71 = arith.constant 16 : i32
        %mul3A_72 = arith.muli %scan3A_68, %mul3A_71 : i32
        %swap3A = arith.index_cast %scan3A_59 : i32 to index
        %swap3A_73 = arith.index_cast %mul3A_72 : i32 to index
        %swap3A_74 = tpu.vector_load %arg10[%swap3A, %swap3A_73] {strides = array<i32>} : memref<80x128xf32, #tpu.memory_space<vmem>>, vector<1x16xf32>,
        %swap3A_75 = vector.shape_cast %swap3A_74 : vector<1x16xf32> to vector<16xf32>
        %swap3A_76 = vector.shape_cast %broadcast_in_dim3A_70 : vector<16xf32> to vector<1x16xf32>
        tpu.vector_store %arg10[%swap3A, %swap3A_73], %swap3A_76 {strides = array<i32>} : memref<80x128xf32, #tpu.memory_space<vmem>>, vector<1x16xf32>,
        %scan3A_77 = arith.constant 0 : i32
        scf.yield %scan3A_77 : i32
      }
      %scan3A_67 = arith.constant 8 : i32
      scf.yield %scan3A_66 : i32
    }
    %scan3A_6 = arith.constant 80 : i32
    %mul3A_7 = arith.constant 640 : i32
    %mul3A_8 = arith.muli %arg1, %mul3A_7 : i32
    %add3A_9 = arith.constant 0 : i32
    %add3A_10 = arith.addi %mul3A_8, %add3A_9 : i32
    "tpu.region"() ({
      %run_scoped3A = tpu.sem_alloc : memref<!tpu.dma_semaphore, #tpu.memory_space<semaphore_mem>>
      %dma_start3A_59 = arith.constant 0 : i32
      %dma_start3A_60 = tpu.memref_slice %arg11[%add3A_10, %dma_start3A_59] : memref<10240x128xf32, #tpu.memory_space<vmem_shared>> -> memref<80x128xf32, #tpu.memory_space<vmem_shared>>
      %dma_start3A_61 = arith.constant 0 : i32
      %dma_start3A_62 = tpu.memref_slice %arg11[%add3A_10, %dma_start3A_61] : memref<10240x128xf32, #tpu.memory_space<vmem_shared>> -> memref<80x128xf32, #tpu.memory_space<vmem_shared>>
      tpu.enqueue_dma source(%arg10 : memref<80x128xf32, #tpu.memory_space<vmem>>) target(%dma_start3A_62 : memref<80x128xf32, #tpu.memory_space<vmem_shared>>) target_semaphore(%run_scoped3A : memref<!tpu.dma_semaphore, #tpu.memory_space<semaphore_mem>>)
      %dma_wait3A = arith.constant 0 : i32
      %dma_wait3A_63 = tpu.memref_slice %arg11[%add3A_10, %dma_wait3A] : memref<10240x128xf32, #tpu.memory_space<vmem_shared>> -> memref<80x128xf32, #tpu.memory_space<vmem_shared>>
      %dma_wait3A_64 = arith.constant 0 : i32
      %dma_wait3A_65 = tpu.memref_slice %arg11[%add3A_10, %dma_wait3A_64] : memref<10240x128xf32, #tpu.memory_space<vmem_shared>> -> memref<80x128xf32, #tpu.memory_space<vmem_shared>>
      tpu.wait_dma2 semaphore(%run_scoped3A : memref<!tpu.dma_semaphore, #tpu.memory_space<semaphore_mem>>) src(%arg10 : memref<80x128xf32, #tpu.memory_space<vmem>>) dst(%dma_wait3A_65 : memref<80x128xf32, #tpu.memory_space<vmem_shared>>)
      tpu.yield
    }) : () -> ()
    %add3A_11 = arith.constant 80 : i32
    %add3A_12 = arith.addi %mul3A_8, %add3A_11 : i32
    "tpu.region"() ({
      %run_scoped3A = tpu.sem_alloc : memref<!tpu.dma_semaphore, #tpu.memory_space<semaphore_mem>>
      %dma_start3A_59 = arith.constant 0 : i32
      %dma_start3A_60 = tpu.memref_slice %arg11[%add3A_12, %dma_start3A_59] : memref<10240x128xf32, #tpu.memory_space<vmem_shared>> -> memref<80x128xf32, #tpu.memory_space<vmem_shared>>
      %dma_start3A_61 = arith.constant 0 : i32
      %dma_start3A_62 = tpu.memref_slice %arg11[%add3A_12, %dma_start3A_61] : memref<10240x128xf32, #tpu.memory_space<vmem_shared>> -> memref<80x128xf32, #tpu.memory_space<vmem_shared>>
      tpu.enqueue_dma source(%arg10 : memref<80x128xf32, #tpu.memory_space<vmem>>) target(%dma_start3A_62 : memref<80x128xf32, #tpu.memory_space<vmem_shared>>) target_semaphore(%run_scoped3A : memref<!tpu.dma_semaphore, #tpu.memory_space<semaphore_mem>>)
      %dma_wait3A = arith.constant 0 : i32
      %dma_wait3A_63 = tpu.memref_slice %arg11[%add3A_12, %dma_wait3A] : memref<10240x128xf32, #tpu.memory_space<vmem_shared>> -> memref<80x128xf32, #tpu.memory_space<vmem_shared>>
      %dma_wait3A_64 = arith.constant 0 : i32
      %dma_wait3A_65 = tpu.memref_slice %arg11[%add3A_12, %dma_wait3A_64] : memref<10240x128xf32, #tpu.memory_space<vmem_shared>> -> memref<80x128xf32, #tpu.memory_space<vmem_shared>>
      tpu.wait_dma2 semaphore(%run_scoped3A : memref<!tpu.dma_semaphore, #tpu.memory_space<semaphore_mem>>) src(%arg10 : memref<80x128xf32, #tpu.memory_space<vmem>>) dst(%dma_wait3A_65 : memref<80x128xf32, #tpu.memory_space<vmem_shared>>)
      tpu.yield
    }) : () -> ()
    %add3A_13 = arith.constant 160 : i32
    %add3A_14 = arith.addi %mul3A_8, %add3A_13 : i32
    "tpu.region"() ({
      %run_scoped3A = tpu.sem_alloc : memref<!tpu.dma_semaphore, #tpu.memory_space<semaphore_mem>>
      %dma_start3A_59 = arith.constant 0 : i32
      %dma_start3A_60 = tpu.memref_slice %arg11[%add3A_14, %dma_start3A_59] : memref<10240x128xf32, #tpu.memory_space<vmem_shared>> -> memref<80x128xf32, #tpu.memory_space<vmem_shared>>
      %dma_start3A_61 = arith.constant 0 : i32
      %dma_start3A_62 = tpu.memref_slice %arg11[%add3A_14, %dma_start3A_61] : memref<10240x128xf32, #tpu.memory_space<vmem_shared>> -> memref<80x128xf32, #tpu.memory_space<vmem_shared>>
      tpu.enqueue_dma source(%arg10 : memref<80x128xf32, #tpu.memory_space<vmem>>) target(%dma_start3A_62 : memref<80x128xf32, #tpu.memory_space<vmem_shared>>) target_semaphore(%run_scoped3A : memref<!tpu.dma_semaphore, #tpu.memory_space<semaphore_mem>>)
      %dma_wait3A = arith.constant 0 : i32
      %dma_wait3A_63 = tpu.memref_slice %arg11[%add3A_14, %dma_wait3A] : memref<10240x128xf32, #tpu.memory_space<vmem_shared>> -> memref<80x128xf32, #tpu.memory_space<vmem_shared>>
      %dma_wait3A_64 = arith.constant 0 : i32
      %dma_wait3A_65 = tpu.memref_slice %arg11[%add3A_14, %dma_wait3A_64] : memref<10240x128xf32, #tpu.memory_space<vmem_shared>> -> memref<80x128xf32, #tpu.memory_space<vmem_shared>>
      tpu.wait_dma2 semaphore(%run_scoped3A : memref<!tpu.dma_semaphore, #tpu.memory_space<semaphore_mem>>) src(%arg10 : memref<80x128xf32, #tpu.memory_space<vmem>>) dst(%dma_wait3A_65 : memref<80x128xf32, #tpu.memory_space<vmem_shared>>)
      tpu.yield
    }) : () -> ()
    %add3A_15 = arith.constant 240 : i32
    %add3A_16 = arith.addi %mul3A_8, %add3A_15 : i32
    "tpu.region"() ({
      %run_scoped3A = tpu.sem_alloc : memref<!tpu.dma_semaphore, #tpu.memory_space<semaphore_mem>>
      %dma_start3A_59 = arith.constant 0 : i32
      %dma_start3A_60 = tpu.memref_slice %arg11[%add3A_16, %dma_start3A_59] : memref<10240x128xf32, #tpu.memory_space<vmem_shared>> -> memref<80x128xf32, #tpu.memory_space<vmem_shared>>
      %dma_start3A_61 = arith.constant 0 : i32
      %dma_start3A_62 = tpu.memref_slice %arg11[%add3A_16, %dma_start3A_61] : memref<10240x128xf32, #tpu.memory_space<vmem_shared>> -> memref<80x128xf32, #tpu.memory_space<vmem_shared>>
      tpu.enqueue_dma source(%arg10 : memref<80x128xf32, #tpu.memory_space<vmem>>) target(%dma_start3A_62 : memref<80x128xf32, #tpu.memory_space<vmem_shared>>) target_semaphore(%run_scoped3A : memref<!tpu.dma_semaphore, #tpu.memory_space<semaphore_mem>>)
      %dma_wait3A = arith.constant 0 : i32
      %dma_wait3A_63 = tpu.memref_slice %arg11[%add3A_16, %dma_wait3A] : memref<10240x128xf32, #tpu.memory_space<vmem_shared>> -> memref<80x128xf32, #tpu.memory_space<vmem_shared>>
      %dma_wait3A_64 = arith.constant 0 : i32
      %dma_wait3A_65 = tpu.memref_slice %arg11[%add3A_16, %dma_wait3A_64] : memref<10240x128xf32, #tpu.memory_space<vmem_shared>> -> memref<80x128xf32, #tpu.memory_space<vmem_shared>>
      tpu.wait_dma2 semaphore(%run_scoped3A : memref<!tpu.dma_semaphore, #tpu.memory_space<semaphore_mem>>) src(%arg10 : memref<80x128xf32, #tpu.memory_space<vmem>>) dst(%dma_wait3A_65 : memref<80x128xf32, #tpu.memory_space<vmem_shared>>)
      tpu.yield
    }) : () -> ()
    %add3A_17 = arith.constant 320 : i32
    %add3A_18 = arith.addi %mul3A_8, %add3A_17 : i32
    "tpu.region"() ({
      %run_scoped3A = tpu.sem_alloc : memref<!tpu.dma_semaphore, #tpu.memory_space<semaphore_mem>>
      %dma_start3A_59 = arith.constant 0 : i32
      %dma_start3A_60 = tpu.memref_slice %arg11[%add3A_18, %dma_start3A_59] : memref<10240x128xf32, #tpu.memory_space<vmem_shared>> -> memref<80x128xf32, #tpu.memory_space<vmem_shared>>
      %dma_start3A_61 = arith.constant 0 : i32
      %dma_start3A_62 = tpu.memref_slice %arg11[%add3A_18, %dma_start3A_61] : memref<10240x128xf32, #tpu.memory_space<vmem_shared>> -> memref<80x128xf32, #tpu.memory_space<vmem_shared>>
      tpu.enqueue_dma source(%arg10 : memref<80x128xf32, #tpu.memory_space<vmem>>) target(%dma_start3A_62 : memref<80x128xf32, #tpu.memory_space<vmem_shared>>) target_semaphore(%run_scoped3A : memref<!tpu.dma_semaphore, #tpu.memory_space<semaphore_mem>>)
      %dma_wait3A = arith.constant 0 : i32
      %dma_wait3A_63 = tpu.memref_slice %arg11[%add3A_18, %dma_wait3A] : memref<10240x128xf32, #tpu.memory_space<vmem_shared>> -> memref<80x128xf32, #tpu.memory_space<vmem_shared>>
      %dma_wait3A_64 = arith.constant 0 : i32
      %dma_wait3A_65 = tpu.memref_slice %arg11[%add3A_18, %dma_wait3A_64] : memref<10240x128xf32, #tpu.memory_space<vmem_shared>> -> memref<80x128xf32, #tpu.memory_space<vmem_shared>>
      tpu.wait_dma2 semaphore(%run_scoped3A : memref<!tpu.dma_semaphore, #tpu.memory_space<semaphore_mem>>) src(%arg10 : memref<80x128xf32, #tpu.memory_space<vmem>>) dst(%dma_wait3A_65 : memref<80x128xf32, #tpu.memory_space<vmem_shared>>)
      tpu.yield
    }) : () -> ()
    %add3A_19 = arith.constant 400 : i32
    %add3A_20 = arith.addi %mul3A_8, %add3A_19 : i32
    "tpu.region"() ({
      %run_scoped3A = tpu.sem_alloc : memref<!tpu.dma_semaphore, #tpu.memory_space<semaphore_mem>>
      %dma_start3A_59 = arith.constant 0 : i32
      %dma_start3A_60 = tpu.memref_slice %arg11[%add3A_20, %dma_start3A_59] : memref<10240x128xf32, #tpu.memory_space<vmem_shared>> -> memref<80x128xf32, #tpu.memory_space<vmem_shared>>
      %dma_start3A_61 = arith.constant 0 : i32
      %dma_start3A_62 = tpu.memref_slice %arg11[%add3A_20, %dma_start3A_61] : memref<10240x128xf32, #tpu.memory_space<vmem_shared>> -> memref<80x128xf32, #tpu.memory_space<vmem_shared>>
      tpu.enqueue_dma source(%arg10 : memref<80x128xf32, #tpu.memory_space<vmem>>) target(%dma_start3A_62 : memref<80x128xf32, #tpu.memory_space<vmem_shared>>) target_semaphore(%run_scoped3A : memref<!tpu.dma_semaphore, #tpu.memory_space<semaphore_mem>>)
      %dma_wait3A = arith.constant 0 : i32
      %dma_wait3A_63 = tpu.memref_slice %arg11[%add3A_20, %dma_wait3A] : memref<10240x128xf32, #tpu.memory_space<vmem_shared>> -> memref<80x128xf32, #tpu.memory_space<vmem_shared>>
      %dma_wait3A_64 = arith.constant 0 : i32
      %dma_wait3A_65 = tpu.memref_slice %arg11[%add3A_20, %dma_wait3A_64] : memref<10240x128xf32, #tpu.memory_space<vmem_shared>> -> memref<80x128xf32, #tpu.memory_space<vmem_shared>>
      tpu.wait_dma2 semaphore(%run_scoped3A : memref<!tpu.dma_semaphore, #tpu.memory_space<semaphore_mem>>) src(%arg10 : memref<80x128xf32, #tpu.memory_space<vmem>>) dst(%dma_wait3A_65 : memref<80x128xf32, #tpu.memory_space<vmem_shared>>)
      tpu.yield
    }) : () -> ()
    %add3A_21 = arith.constant 480 : i32
    %add3A_22 = arith.addi %mul3A_8, %add3A_21 : i32
    "tpu.region"() ({
      %run_scoped3A = tpu.sem_alloc : memref<!tpu.dma_semaphore, #tpu.memory_space<semaphore_mem>>
      %dma_start3A_59 = arith.constant 0 : i32
      %dma_start3A_60 = tpu.memref_slice %arg11[%add3A_22, %dma_start3A_59] : memref<10240x128xf32, #tpu.memory_space<vmem_shared>> -> memref<80x128xf32, #tpu.memory_space<vmem_shared>>
      %dma_start3A_61 = arith.constant 0 : i32
      %dma_start3A_62 = tpu.memref_slice %arg11[%add3A_22, %dma_start3A_61] : memref<10240x128xf32, #tpu.memory_space<vmem_shared>> -> memref<80x128xf32, #tpu.memory_space<vmem_shared>>
      tpu.enqueue_dma source(%arg10 : memref<80x128xf32, #tpu.memory_space<vmem>>) target(%dma_start3A_62 : memref<80x128xf32, #tpu.memory_space<vmem_shared>>) target_semaphore(%run_scoped3A : memref<!tpu.dma_semaphore, #tpu.memory_space<semaphore_mem>>)
      %dma_wait3A = arith.constant 0 : i32
      %dma_wait3A_63 = tpu.memref_slice %arg11[%add3A_22, %dma_wait3A] : memref<10240x128xf32, #tpu.memory_space<vmem_shared>> -> memref<80x128xf32, #tpu.memory_space<vmem_shared>>
      %dma_wait3A_64 = arith.constant 0 : i32
      %dma_wait3A_65 = tpu.memref_slice %arg11[%add3A_22, %dma_wait3A_64] : memref<10240x128xf32, #tpu.memory_space<vmem_shared>> -> memref<80x128xf32, #tpu.memory_space<vmem_shared>>
      tpu.wait_dma2 semaphore(%run_scoped3A : memref<!tpu.dma_semaphore, #tpu.memory_space<semaphore_mem>>) src(%arg10 : memref<80x128xf32, #tpu.memory_space<vmem>>) dst(%dma_wait3A_65 : memref<80x128xf32, #tpu.memory_space<vmem_shared>>)
      tpu.yield
    }) : () -> ()
    %add3A_23 = arith.constant 560 : i32
    %add3A_24 = arith.addi %mul3A_8, %add3A_23 : i32
    "tpu.region"() ({
      %run_scoped3A = tpu.sem_alloc : memref<!tpu.dma_semaphore, #tpu.memory_space<semaphore_mem>>
      %dma_start3A_59 = arith.constant 0 : i32
      %dma_start3A_60 = tpu.memref_slice %arg11[%add3A_24, %dma_start3A_59] : memref<10240x128xf32, #tpu.memory_space<vmem_shared>> -> memref<80x128xf32, #tpu.memory_space<vmem_shared>>
      %dma_start3A_61 = arith.constant 0 : i32
      %dma_start3A_62 = tpu.memref_slice %arg11[%add3A_24, %dma_start3A_61] : memref<10240x128xf32, #tpu.memory_space<vmem_shared>> -> memref<80x128xf32, #tpu.memory_space<vmem_shared>>
      tpu.enqueue_dma source(%arg10 : memref<80x128xf32, #tpu.memory_space<vmem>>) target(%dma_start3A_62 : memref<80x128xf32, #tpu.memory_space<vmem_shared>>) target_semaphore(%run_scoped3A : memref<!tpu.dma_semaphore, #tpu.memory_space<semaphore_mem>>)
      %dma_wait3A = arith.constant 0 : i32
      %dma_wait3A_63 = tpu.memref_slice %arg11[%add3A_24, %dma_wait3A] : memref<10240x128xf32, #tpu.memory_space<vmem_shared>> -> memref<80x128xf32, #tpu.memory_space<vmem_shared>>
      %dma_wait3A_64 = arith.constant 0 : i32
      %dma_wait3A_65 = tpu.memref_slice %arg11[%add3A_24, %dma_wait3A_64] : memref<10240x128xf32, #tpu.memory_space<vmem_shared>> -> memref<80x128xf32, #tpu.memory_space<vmem_shared>>
      tpu.wait_dma2 semaphore(%run_scoped3A : memref<!tpu.dma_semaphore, #tpu.memory_space<semaphore_mem>>) src(%arg10 : memref<80x128xf32, #tpu.memory_space<vmem>>) dst(%dma_wait3A_65 : memref<80x128xf32, #tpu.memory_space<vmem_shared>>)
      tpu.yield
    }) : () -> ()
    %barrier3A = arith.constant 0 : index
    tpu.barrier barrier_id(%barrier3A)
    %mul3A_25 = arith.constant 64 : i32
    %mul3A_26 = arith.muli %add3A, %mul3A_25 : i32
    "tpu.region"() ({
      %run_scoped3A = tpu.sem_alloc : memref<!tpu.dma_semaphore, #tpu.memory_space<semaphore_mem>>
      %dma_start3A_59 = arith.constant 0 : i32
      %dma_start3A_60 = tpu.memref_slice %arg3[%mul3A_26, %dma_start3A_59] : memref<4096x80xi32, #tpu.memory_space<hbm>> -> memref<64x80xi32, #tpu.memory_space<hbm>>
      %dma_start3A_61 = arith.constant 0 : i32
      %dma_start3A_62 = tpu.memref_slice %arg3[%mul3A_26, %dma_start3A_61] : memref<4096x80xi32, #tpu.memory_space<hbm>> -> memref<64x80xi32, #tpu.memory_space<hbm>>
      tpu.enqueue_dma source(%dma_start3A_62 : memref<64x80xi32, #tpu.memory_space<hbm>>) target(%arg6 : memref<64x80xi32, #tpu.memory_space<vmem>>) target_semaphore(%run_scoped3A : memref<!tpu.dma_semaphore, #tpu.memory_space<semaphore_mem>>)
      %dma_wait3A = arith.constant 0 : i32
      %dma_wait3A_63 = tpu.memref_slice %arg3[%mul3A_26, %dma_wait3A] : memref<4096x80xi32, #tpu.memory_space<hbm>> -> memref<64x80xi32, #tpu.memory_space<hbm>>
      %dma_wait3A_64 = arith.constant 0 : i32
      %dma_wait3A_65 = tpu.memref_slice %arg3[%mul3A_26, %dma_wait3A_64] : memref<4096x80xi32, #tpu.memory_space<hbm>> -> memref<64x80xi32, #tpu.memory_space<hbm>>
      tpu.wait_dma2 semaphore(%run_scoped3A : memref<!tpu.dma_semaphore, #tpu.memory_space<semaphore_mem>>) src(%dma_wait3A_65 : memref<64x80xi32, #tpu.memory_space<hbm>>) dst(%arg6 : memref<64x80xi32, #tpu.memory_space<vmem>>)
      tpu.yield
    }) : () -> ()
    "tpu.region"() ({
      %run_scoped3A = tpu.sem_alloc : memref<!tpu.dma_semaphore, #tpu.memory_space<semaphore_mem>>
      %dma_start3A_59 = arith.constant 0 : i32
      %dma_start3A_60 = tpu.memref_slice %arg4[%mul3A_26, %dma_start3A_59] : memref<4096x80xi32, #tpu.memory_space<hbm>> -> memref<64x80xi32, #tpu.memory_space<hbm>>
      %dma_start3A_61 = arith.constant 0 : i32
      %dma_start3A_62 = tpu.memref_slice %arg4[%mul3A_26, %dma_start3A_61] : memref<4096x80xi32, #tpu.memory_space<hbm>> -> memref<64x80xi32, #tpu.memory_space<hbm>>
      tpu.enqueue_dma source(%dma_start3A_62 : memref<64x80xi32, #tpu.memory_space<hbm>>) target(%arg7 : memref<64x80xi32, #tpu.memory_space<vmem>>) target_semaphore(%run_scoped3A : memref<!tpu.dma_semaphore, #tpu.memory_space<semaphore_mem>>)
      %dma_wait3A = arith.constant 0 : i32
      %dma_wait3A_63 = tpu.memref_slice %arg4[%mul3A_26, %dma_wait3A] : memref<4096x80xi32, #tpu.memory_space<hbm>> -> memref<64x80xi32, #tpu.memory_space<hbm>>
      %dma_wait3A_64 = arith.constant 0 : i32
      %dma_wait3A_65 = tpu.memref_slice %arg4[%mul3A_26, %dma_wait3A_64] : memref<4096x80xi32, #tpu.memory_space<hbm>> -> memref<64x80xi32, #tpu.memory_space<hbm>>
      tpu.wait_dma2 semaphore(%run_scoped3A : memref<!tpu.dma_semaphore, #tpu.memory_space<semaphore_mem>>) src(%dma_wait3A_65 : memref<64x80xi32, #tpu.memory_space<hbm>>) dst(%arg7 : memref<64x80xi32, #tpu.memory_space<vmem>>)
      tpu.yield
    }) : () -> ()
    %dma_start3A = arith.constant 0 : i32
    %dma_start3A_27 = arith.constant 0 : i32
    %dma_start3A_28 = tpu.memref_slice %arg6[%dma_start3A, %dma_start3A_27] : memref<64x80xi32, #tpu.memory_space<vmem>> -> memref<1x80xi32, #tpu.memory_space<vmem>>
    %dma_start3A_29 = tpu.memref_squeeze %dma_start3A_28 : memref<1x80xi32, #tpu.memory_space<vmem>> -> memref<80xi32, #tpu.memory_space<vmem>>
    %dma_start3A_30 = arith.constant 0 : i32
    %dma_start3A_31 = arith.constant 0 : i32
    %dma_start3A_32 = tpu.memref_slice %arg2[%dma_start3A_30, %dma_start3A_31] : memref<10000x128xf32, #tpu.memory_space<hbm>> -> memref<10000x128xf32, #tpu.memory_space<hbm>>
    tpu.enqueue_indirect_dma source(%dma_start3A_32 : memref<10000x128xf32, #tpu.memory_space<hbm>>) target(%arg8 : memref<80x128xf32, #tpu.memory_space<vmem>>) offsets(%dma_start3A_29 : memref<80xi32, #tpu.memory_space<vmem>>) semaphore(%arg12 : memref<!tpu.dma_semaphore, #tpu.memory_space<semaphore_mem>>)
    %scan3A_33 = arith.constant 0 : i32
    %scan3A_34 = arith.constant 0 : i32
    %scan3A_35 = arith.constant 32 : i32
    %scan3A_36 = arith.addi %scan3A_34, %scan3A_35 : i32
    %scan3A_37 = arith.constant 1 : i32
    %scan3A_38 = scf.for %scan3A_59 = %scan3A_34 to %scan3A_36 step %scan3A_37 iter_args(%scan3A_60 = %scan3A_33) -> (i32)  : i32 {
      %mul3A_61 = arith.constant 2 : i32
      %mul3A_62 = arith.muli %mul3A_61, %scan3A_59 : i32
      %add3A_63 = arith.constant 1 : i32
      %add3A_64 = arith.addi %mul3A_62, %add3A_63 : i32
      %dma_start3A_65 = arith.constant 0 : i32
      %dma_start3A_66 = tpu.memref_slice %arg6[%add3A_64, %dma_start3A_65] : memref<64x80xi32, #tpu.memory_space<vmem>> -> memref<1x80xi32, #tpu.memory_space<vmem>>
      %dma_start3A_67 = tpu.memref_squeeze %dma_start3A_66 : memref<1x80xi32, #tpu.memory_space<vmem>> -> memref<80xi32, #tpu.memory_space<vmem>>
      %dma_start3A_68 = arith.constant 0 : i32
      %dma_start3A_69 = arith.constant 0 : i32
      %dma_start3A_70 = tpu.memref_slice %arg2[%dma_start3A_68, %dma_start3A_69] : memref<10000x128xf32, #tpu.memory_space<hbm>> -> memref<10000x128xf32, #tpu.memory_space<hbm>>
      tpu.enqueue_indirect_dma source(%dma_start3A_70 : memref<10000x128xf32, #tpu.memory_space<hbm>>) target(%arg9 : memref<80x128xf32, #tpu.memory_space<vmem>>) offsets(%dma_start3A_67 : memref<80xi32, #tpu.memory_space<vmem>>) semaphore(%arg13 : memref<!tpu.dma_semaphore, #tpu.memory_space<semaphore_mem>>)
      %dma_wait3A = arith.constant 0 : i32
      %dma_wait3A_71 = tpu.memref_slice %arg6[%mul3A_62, %dma_wait3A] : memref<64x80xi32, #tpu.memory_space<vmem>> -> memref<1x80xi32, #tpu.memory_space<vmem>>
      %dma_wait3A_72 = tpu.memref_squeeze %dma_wait3A_71 : memref<1x80xi32, #tpu.memory_space<vmem>> -> memref<80xi32, #tpu.memory_space<vmem>>
      %dma_wait3A_73 = arith.constant 0 : i32
      %dma_wait3A_74 = arith.constant 0 : i32
      %dma_wait3A_75 = tpu.memref_slice %arg2[%dma_wait3A_73, %dma_wait3A_74] : memref<10000x128xf32, #tpu.memory_space<hbm>> -> memref<10000x128xf32, #tpu.memory_space<hbm>>
      tpu.wait_indirect_dma semaphore(%arg12 : memref<!tpu.dma_semaphore, #tpu.memory_space<semaphore_mem>>) src(%dma_wait3A_75 : memref<10000x128xf32, #tpu.memory_space<hbm>>) dst(%arg8 : memref<80x128xf32, #tpu.memory_space<vmem>>)
      "tpu.region"() ({
        %run_scoped3A = tpu.sem_alloc : memref<!tpu.dma_semaphore, #tpu.memory_space<semaphore_mem>>
        %dma_start3A_87 = arith.constant 0 : i32
        %dma_start3A_88 = tpu.memref_slice %arg7[%mul3A_62, %dma_start3A_87] : memref<64x80xi32, #tpu.memory_space<vmem>> -> memref<1x80xi32, #tpu.memory_space<vmem>>
        %dma_start3A_89 = tpu.memref_squeeze %dma_start3A_88 : memref<1x80xi32, #tpu.memory_space<vmem>> -> memref<80xi32, #tpu.memory_space<vmem>>
        %dma_start3A_90 = arith.constant 0 : i32
        %dma_start3A_91 = arith.constant 0 : i32
        %dma_start3A_92 = tpu.memref_slice %arg11[%dma_start3A_90, %dma_start3A_91] : memref<10240x128xf32, #tpu.memory_space<vmem_shared>> -> memref<10240x128xf32, #tpu.memory_space<vmem_shared>>
        tpu.enqueue_indirect_dma source(%arg8 : memref<80x128xf32, #tpu.memory_space<vmem>>) target(%dma_start3A_92 : memref<10240x128xf32, #tpu.memory_space<vmem_shared>>) offsets(%dma_start3A_89 : memref<80xi32, #tpu.memory_space<vmem>>) semaphore(%run_scoped3A : memref<!tpu.dma_semaphore, #tpu.memory_space<semaphore_mem>>) {add = true}
        %dma_wait3A_93 = arith.constant 0 : i32
        %dma_wait3A_94 = tpu.memref_slice %arg7[%mul3A_62, %dma_wait3A_93] : memref<64x80xi32, #tpu.memory_space<vmem>> -> memref<1x80xi32, #tpu.memory_space<vmem>>
        %dma_wait3A_95 = tpu.memref_squeeze %dma_wait3A_94 : memref<1x80xi32, #tpu.memory_space<vmem>> -> memref<80xi32, #tpu.memory_space<vmem>>
        %dma_wait3A_96 = arith.constant 0 : i32
        %dma_wait3A_97 = arith.constant 0 : i32
        %dma_wait3A_98 = tpu.memref_slice %arg11[%dma_wait3A_96, %dma_wait3A_97] : memref<10240x128xf32, #tpu.memory_space<vmem_shared>> -> memref<10240x128xf32, #tpu.memory_space<vmem_shared>>
        tpu.wait_indirect_dma semaphore(%run_scoped3A : memref<!tpu.dma_semaphore, #tpu.memory_space<semaphore_mem>>) src(%arg8 : memref<80x128xf32, #tpu.memory_space<vmem>>) dst(%dma_wait3A_98 : memref<10240x128xf32, #tpu.memory_space<vmem_shared>>)
        tpu.yield
      }) : () -> ()
      %lt3A = arith.constant 31 : i32
      %lt3A_76 = arith.cmpi slt, %scan3A_59, %lt3A : i32
      %convert_element_type3A = arith.extui %lt3A_76 : i1 to i32
      %cond3A = arith.constant 0 : i32
      %cond3A_77 = arith.cmpi ne, %convert_element_type3A, %cond3A : i32
      scf.if %cond3A_77 {
        %add3A_87 = arith.constant 2 : i32
        %add3A_88 = arith.addi %mul3A_62, %add3A_87 : i32
        %dma_start3A_89 = arith.constant 0 : i32
        %dma_start3A_90 = tpu.memref_slice %arg6[%add3A_88, %dma_start3A_89] : memref<64x80xi32, #tpu.memory_space<vmem>> -> memref<1x80xi32, #tpu.memory_space<vmem>>
        %dma_start3A_91 = tpu.memref_squeeze %dma_start3A_90 : memref<1x80xi32, #tpu.memory_space<vmem>> -> memref<80xi32, #tpu.memory_space<vmem>>
        %dma_start3A_92 = arith.constant 0 : i32
        %dma_start3A_93 = arith.constant 0 : i32
        %dma_start3A_94 = tpu.memref_slice %arg2[%dma_start3A_92, %dma_start3A_93] : memref<10000x128xf32, #tpu.memory_space<hbm>> -> memref<10000x128xf32, #tpu.memory_space<hbm>>
        tpu.enqueue_indirect_dma source(%dma_start3A_94 : memref<10000x128xf32, #tpu.memory_space<hbm>>) target(%arg8 : memref<80x128xf32, #tpu.memory_space<vmem>>) offsets(%dma_start3A_91 : memref<80xi32, #tpu.memory_space<vmem>>) semaphore(%arg12 : memref<!tpu.dma_semaphore, #tpu.memory_space<semaphore_mem>>)
      } else {
      }
      %add3A_78 = arith.constant 1 : i32
      %add3A_79 = arith.addi %mul3A_62, %add3A_78 : i32
      %dma_wait3A_80 = arith.constant 0 : i32
      %dma_wait3A_81 = tpu.memref_slice %arg6[%add3A_79, %dma_wait3A_80] : memref<64x80xi32, #tpu.memory_space<vmem>> -> memref<1x80xi32, #tpu.memory_space<vmem>>
      %dma_wait3A_82 = tpu.memref_squeeze %dma_wait3A_81 : memref<1x80xi32, #tpu.memory_space<vmem>> -> memref<80xi32, #tpu.memory_space<vmem>>
      %dma_wait3A_83 = arith.constant 0 : i32
      %dma_wait3A_84 = arith.constant 0 : i32
      %dma_wait3A_85 = tpu.memref_slice %arg2[%dma_wait3A_83, %dma_wait3A_84] : memref<10000x128xf32, #tpu.memory_space<hbm>> -> memref<10000x128xf32, #tpu.memory_space<hbm>>
      tpu.wait_indirect_dma semaphore(%arg13 : memref<!tpu.dma_semaphore, #tpu.memory_space<semaphore_mem>>) src(%dma_wait3A_85 : memref<10000x128xf32, #tpu.memory_space<hbm>>) dst(%arg9 : memref<80x128xf32, #tpu.memory_space<vmem>>)
      "tpu.region"() ({
        %run_scoped3A = tpu.sem_alloc : memref<!tpu.dma_semaphore, #tpu.memory_space<semaphore_mem>>
        %dma_start3A_87 = arith.constant 0 : i32
        %dma_start3A_88 = tpu.memref_slice %arg7[%add3A_79, %dma_start3A_87] : memref<64x80xi32, #tpu.memory_space<vmem>> -> memref<1x80xi32, #tpu.memory_space<vmem>>
        %dma_start3A_89 = tpu.memref_squeeze %dma_start3A_88 : memref<1x80xi32, #tpu.memory_space<vmem>> -> memref<80xi32, #tpu.memory_space<vmem>>
        %dma_start3A_90 = arith.constant 0 : i32
        %dma_start3A_91 = arith.constant 0 : i32
        %dma_start3A_92 = tpu.memref_slice %arg11[%dma_start3A_90, %dma_start3A_91] : memref<10240x128xf32, #tpu.memory_space<vmem_shared>> -> memref<10240x128xf32, #tpu.memory_space<vmem_shared>>
        tpu.enqueue_indirect_dma source(%arg9 : memref<80x128xf32, #tpu.memory_space<vmem>>) target(%dma_start3A_92 : memref<10240x128xf32, #tpu.memory_space<vmem_shared>>) offsets(%dma_start3A_89 : memref<80xi32, #tpu.memory_space<vmem>>) semaphore(%run_scoped3A : memref<!tpu.dma_semaphore, #tpu.memory_space<semaphore_mem>>) {add = true}
        %dma_wait3A_93 = arith.constant 0 : i32
        %dma_wait3A_94 = tpu.memref_slice %arg7[%add3A_79, %dma_wait3A_93] : memref<64x80xi32, #tpu.memory_space<vmem>> -> memref<1x80xi32, #tpu.memory_space<vmem>>
        %dma_wait3A_95 = tpu.memref_squeeze %dma_wait3A_94 : memref<1x80xi32, #tpu.memory_space<vmem>> -> memref<80xi32, #tpu.memory_space<vmem>>
        %dma_wait3A_96 = arith.constant 0 : i32
        %dma_wait3A_97 = arith.constant 0 : i32
        %dma_wait3A_98 = tpu.memref_slice %arg11[%dma_wait3A_96, %dma_wait3A_97] : memref<10240x128xf32, #tpu.memory_space<vmem_shared>> -> memref<10240x128xf32, #tpu.memory_space<vmem_shared>>
        tpu.wait_indirect_dma semaphore(%run_scoped3A : memref<!tpu.dma_semaphore, #tpu.memory_space<semaphore_mem>>) src(%arg9 : memref<80x128xf32, #tpu.memory_space<vmem>>) dst(%dma_wait3A_98 : memref<10240x128xf32, #tpu.memory_space<vmem_shared>>)
        tpu.yield
      }) : () -> ()
      %scan3A_86 = arith.constant 0 : i32
      scf.yield %scan3A_86 : i32
    }
    %scan3A_39 = arith.constant 32 : i32
    %mul3A_40 = arith.constant 64 : i32
    %mul3A_41 = arith.muli %add3A, %mul3A_40 : i32
    %add3A_42 = arith.constant 2048 : i32
    %add3A_43 = arith.addi %add3A_42, %mul3A_41 : i32
    "tpu.region"() ({
      %run_scoped3A = tpu.sem_alloc : memref<!tpu.dma_semaphore, #tpu.memory_space<semaphore_mem>>
      %dma_start3A_59 = arith.constant 0 : i32
      %dma_start3A_60 = tpu.memref_slice %arg3[%add3A_43, %dma_start3A_59] : memref<4096x80xi32, #tpu.memory_space<hbm>> -> memref<64x80xi32, #tpu.memory_space<hbm>>
      %dma_start3A_61 = arith.constant 0 : i32
      %dma_start3A_62 = tpu.memref_slice %arg3[%add3A_43, %dma_start3A_61] : memref<4096x80xi32, #tpu.memory_space<hbm>> -> memref<64x80xi32, #tpu.memory_space<hbm>>
      tpu.enqueue_dma source(%dma_start3A_62 : memref<64x80xi32, #tpu.memory_space<hbm>>) target(%arg6 : memref<64x80xi32, #tpu.memory_space<vmem>>) target_semaphore(%run_scoped3A : memref<!tpu.dma_semaphore, #tpu.memory_space<semaphore_mem>>)
      %dma_wait3A = arith.constant 0 : i32
      %dma_wait3A_63 = tpu.memref_slice %arg3[%add3A_43, %dma_wait3A] : memref<4096x80xi32, #tpu.memory_space<hbm>> -> memref<64x80xi32, #tpu.memory_space<hbm>>
      %dma_wait3A_64 = arith.constant 0 : i32
      %dma_wait3A_65 = tpu.memref_slice %arg3[%add3A_43, %dma_wait3A_64] : memref<4096x80xi32, #tpu.memory_space<hbm>> -> memref<64x80xi32, #tpu.memory_space<hbm>>
      tpu.wait_dma2 semaphore(%run_scoped3A : memref<!tpu.dma_semaphore, #tpu.memory_space<semaphore_mem>>) src(%dma_wait3A_65 : memref<64x80xi32, #tpu.memory_space<hbm>>) dst(%arg6 : memref<64x80xi32, #tpu.memory_space<vmem>>)
      tpu.yield
    }) : () -> ()
    "tpu.region"() ({
      %run_scoped3A = tpu.sem_alloc : memref<!tpu.dma_semaphore, #tpu.memory_space<semaphore_mem>>
      %dma_start3A_59 = arith.constant 0 : i32
      %dma_start3A_60 = tpu.memref_slice %arg4[%add3A_43, %dma_start3A_59] : memref<4096x80xi32, #tpu.memory_space<hbm>> -> memref<64x80xi32, #tpu.memory_space<hbm>>
      %dma_start3A_61 = arith.constant 0 : i32
      %dma_start3A_62 = tpu.memref_slice %arg4[%add3A_43, %dma_start3A_61] : memref<4096x80xi32, #tpu.memory_space<hbm>> -> memref<64x80xi32, #tpu.memory_space<hbm>>
      tpu.enqueue_dma source(%dma_start3A_62 : memref<64x80xi32, #tpu.memory_space<hbm>>) target(%arg7 : memref<64x80xi32, #tpu.memory_space<vmem>>) target_semaphore(%run_scoped3A : memref<!tpu.dma_semaphore, #tpu.memory_space<semaphore_mem>>)
      %dma_wait3A = arith.constant 0 : i32
      %dma_wait3A_63 = tpu.memref_slice %arg4[%add3A_43, %dma_wait3A] : memref<4096x80xi32, #tpu.memory_space<hbm>> -> memref<64x80xi32, #tpu.memory_space<hbm>>
      %dma_wait3A_64 = arith.constant 0 : i32
      %dma_wait3A_65 = tpu.memref_slice %arg4[%add3A_43, %dma_wait3A_64] : memref<4096x80xi32, #tpu.memory_space<hbm>> -> memref<64x80xi32, #tpu.memory_space<hbm>>
      tpu.wait_dma2 semaphore(%run_scoped3A : memref<!tpu.dma_semaphore, #tpu.memory_space<semaphore_mem>>) src(%dma_wait3A_65 : memref<64x80xi32, #tpu.memory_space<hbm>>) dst(%arg7 : memref<64x80xi32, #tpu.memory_space<vmem>>)
      tpu.yield
    }) : () -> ()
    %dma_start3A_44 = arith.constant 0 : i32
    %dma_start3A_45 = arith.constant 0 : i32
    %dma_start3A_46 = tpu.memref_slice %arg6[%dma_start3A_44, %dma_start3A_45] : memref<64x80xi32, #tpu.memory_space<vmem>> -> memref<1x80xi32, #tpu.memory_space<vmem>>
    %dma_start3A_47 = tpu.memref_squeeze %dma_start3A_46 : memref<1x80xi32, #tpu.memory_space<vmem>> -> memref<80xi32, #tpu.memory_space<vmem>>
    %dma_start3A_48 = arith.constant 0 : i32
    %dma_start3A_49 = arith.constant 0 : i32
    %dma_start3A_50 = tpu.memref_slice %arg2[%dma_start3A_48, %dma_start3A_49] : memref<10000x128xf32, #tpu.memory_space<hbm>> -> memref<10000x128xf32, #tpu.memory_space<hbm>>
    tpu.enqueue_indirect_dma source(%dma_start3A_50 : memref<10000x128xf32, #tpu.memory_space<hbm>>) target(%arg8 : memref<80x128xf32, #tpu.memory_space<vmem>>) offsets(%dma_start3A_47 : memref<80xi32, #tpu.memory_space<vmem>>) semaphore(%arg12 : memref<!tpu.dma_semaphore, #tpu.memory_space<semaphore_mem>>)
    %scan3A_51 = arith.constant 0 : i32
    %scan3A_52 = arith.constant 0 : i32
    %scan3A_53 = arith.constant 32 : i32
    %scan3A_54 = arith.addi %scan3A_52, %scan3A_53 : i32
    %scan3A_55 = arith.constant 1 : i32
    %scan3A_56 = scf.for %scan3A_59 = %scan3A_52 to %scan3A_54 step %scan3A_55 iter_args(%scan3A_60 = %scan3A_51) -> (i32)  : i32 {
      %mul3A_61 = arith.constant 2 : i32
      %mul3A_62 = arith.muli %mul3A_61, %scan3A_59 : i32
      %add3A_63 = arith.constant 1 : i32
      %add3A_64 = arith.addi %mul3A_62, %add3A_63 : i32
      %dma_start3A_65 = arith.constant 0 : i32
      %dma_start3A_66 = tpu.memref_slice %arg6[%add3A_64, %dma_start3A_65] : memref<64x80xi32, #tpu.memory_space<vmem>> -> memref<1x80xi32, #tpu.memory_space<vmem>>
      %dma_start3A_67 = tpu.memref_squeeze %dma_start3A_66 : memref<1x80xi32, #tpu.memory_space<vmem>> -> memref<80xi32, #tpu.memory_space<vmem>>
      %dma_start3A_68 = arith.constant 0 : i32
      %dma_start3A_69 = arith.constant 0 : i32
      %dma_start3A_70 = tpu.memref_slice %arg2[%dma_start3A_68, %dma_start3A_69] : memref<10000x128xf32, #tpu.memory_space<hbm>> -> memref<10000x128xf32, #tpu.memory_space<hbm>>
      tpu.enqueue_indirect_dma source(%dma_start3A_70 : memref<10000x128xf32, #tpu.memory_space<hbm>>) target(%arg9 : memref<80x128xf32, #tpu.memory_space<vmem>>) offsets(%dma_start3A_67 : memref<80xi32, #tpu.memory_space<vmem>>) semaphore(%arg13 : memref<!tpu.dma_semaphore, #tpu.memory_space<semaphore_mem>>)
      %dma_wait3A = arith.constant 0 : i32
      %dma_wait3A_71 = tpu.memref_slice %arg6[%mul3A_62, %dma_wait3A] : memref<64x80xi32, #tpu.memory_space<vmem>> -> memref<1x80xi32, #tpu.memory_space<vmem>>
      %dma_wait3A_72 = tpu.memref_squeeze %dma_wait3A_71 : memref<1x80xi32, #tpu.memory_space<vmem>> -> memref<80xi32, #tpu.memory_space<vmem>>
      %dma_wait3A_73 = arith.constant 0 : i32
      %dma_wait3A_74 = arith.constant 0 : i32
      %dma_wait3A_75 = tpu.memref_slice %arg2[%dma_wait3A_73, %dma_wait3A_74] : memref<10000x128xf32, #tpu.memory_space<hbm>> -> memref<10000x128xf32, #tpu.memory_space<hbm>>
      tpu.wait_indirect_dma semaphore(%arg12 : memref<!tpu.dma_semaphore, #tpu.memory_space<semaphore_mem>>) src(%dma_wait3A_75 : memref<10000x128xf32, #tpu.memory_space<hbm>>) dst(%arg8 : memref<80x128xf32, #tpu.memory_space<vmem>>)
      "tpu.region"() ({
        %run_scoped3A = tpu.sem_alloc : memref<!tpu.dma_semaphore, #tpu.memory_space<semaphore_mem>>
        %dma_start3A_87 = arith.constant 0 : i32
        %dma_start3A_88 = tpu.memref_slice %arg7[%mul3A_62, %dma_start3A_87] : memref<64x80xi32, #tpu.memory_space<vmem>> -> memref<1x80xi32, #tpu.memory_space<vmem>>
        %dma_start3A_89 = tpu.memref_squeeze %dma_start3A_88 : memref<1x80xi32, #tpu.memory_space<vmem>> -> memref<80xi32, #tpu.memory_space<vmem>>
        %dma_start3A_90 = arith.constant 0 : i32
        %dma_start3A_91 = arith.constant 0 : i32
        %dma_start3A_92 = tpu.memref_slice %arg11[%dma_start3A_90, %dma_start3A_91] : memref<10240x128xf32, #tpu.memory_space<vmem_shared>> -> memref<10240x128xf32, #tpu.memory_space<vmem_shared>>
        tpu.enqueue_indirect_dma source(%arg8 : memref<80x128xf32, #tpu.memory_space<vmem>>) target(%dma_start3A_92 : memref<10240x128xf32, #tpu.memory_space<vmem_shared>>) offsets(%dma_start3A_89 : memref<80xi32, #tpu.memory_space<vmem>>) semaphore(%run_scoped3A : memref<!tpu.dma_semaphore, #tpu.memory_space<semaphore_mem>>) {add = true}
        %dma_wait3A_93 = arith.constant 0 : i32
        %dma_wait3A_94 = tpu.memref_slice %arg7[%mul3A_62, %dma_wait3A_93] : memref<64x80xi32, #tpu.memory_space<vmem>> -> memref<1x80xi32, #tpu.memory_space<vmem>>
        %dma_wait3A_95 = tpu.memref_squeeze %dma_wait3A_94 : memref<1x80xi32, #tpu.memory_space<vmem>> -> memref<80xi32, #tpu.memory_space<vmem>>
        %dma_wait3A_96 = arith.constant 0 : i32
        %dma_wait3A_97 = arith.constant 0 : i32
        %dma_wait3A_98 = tpu.memref_slice %arg11[%dma_wait3A_96, %dma_wait3A_97] : memref<10240x128xf32, #tpu.memory_space<vmem_shared>> -> memref<10240x128xf32, #tpu.memory_space<vmem_shared>>
        tpu.wait_indirect_dma semaphore(%run_scoped3A : memref<!tpu.dma_semaphore, #tpu.memory_space<semaphore_mem>>) src(%arg8 : memref<80x128xf32, #tpu.memory_space<vmem>>) dst(%dma_wait3A_98 : memref<10240x128xf32, #tpu.memory_space<vmem_shared>>)
        tpu.yield
      }) : () -> ()
      %lt3A = arith.constant 31 : i32
      %lt3A_76 = arith.cmpi slt, %scan3A_59, %lt3A : i32
      %convert_element_type3A = arith.extui %lt3A_76 : i1 to i32
      %cond3A = arith.constant 0 : i32
      %cond3A_77 = arith.cmpi ne, %convert_element_type3A, %cond3A : i32
      scf.if %cond3A_77 {
        %add3A_87 = arith.constant 2 : i32
        %add3A_88 = arith.addi %mul3A_62, %add3A_87 : i32
        %dma_start3A_89 = arith.constant 0 : i32
        %dma_start3A_90 = tpu.memref_slice %arg6[%add3A_88, %dma_start3A_89] : memref<64x80xi32, #tpu.memory_space<vmem>> -> memref<1x80xi32, #tpu.memory_space<vmem>>
        %dma_start3A_91 = tpu.memref_squeeze %dma_start3A_90 : memref<1x80xi32, #tpu.memory_space<vmem>> -> memref<80xi32, #tpu.memory_space<vmem>>
        %dma_start3A_92 = arith.constant 0 : i32
        %dma_start3A_93 = arith.constant 0 : i32
        %dma_start3A_94 = tpu.memref_slice %arg2[%dma_start3A_92, %dma_start3A_93] : memref<10000x128xf32, #tpu.memory_space<hbm>> -> memref<10000x128xf32, #tpu.memory_space<hbm>>
        tpu.enqueue_indirect_dma source(%dma_start3A_94 : memref<10000x128xf32, #tpu.memory_space<hbm>>) target(%arg8 : memref<80x128xf32, #tpu.memory_space<vmem>>) offsets(%dma_start3A_91 : memref<80xi32, #tpu.memory_space<vmem>>) semaphore(%arg12 : memref<!tpu.dma_semaphore, #tpu.memory_space<semaphore_mem>>)
      } else {
      }
      %add3A_78 = arith.constant 1 : i32
      %add3A_79 = arith.addi %mul3A_62, %add3A_78 : i32
      %dma_wait3A_80 = arith.constant 0 : i32
      %dma_wait3A_81 = tpu.memref_slice %arg6[%add3A_79, %dma_wait3A_80] : memref<64x80xi32, #tpu.memory_space<vmem>> -> memref<1x80xi32, #tpu.memory_space<vmem>>
      %dma_wait3A_82 = tpu.memref_squeeze %dma_wait3A_81 : memref<1x80xi32, #tpu.memory_space<vmem>> -> memref<80xi32, #tpu.memory_space<vmem>>
      %dma_wait3A_83 = arith.constant 0 : i32
      %dma_wait3A_84 = arith.constant 0 : i32
      %dma_wait3A_85 = tpu.memref_slice %arg2[%dma_wait3A_83, %dma_wait3A_84] : memref<10000x128xf32, #tpu.memory_space<hbm>> -> memref<10000x128xf32, #tpu.memory_space<hbm>>
      tpu.wait_indirect_dma semaphore(%arg13 : memref<!tpu.dma_semaphore, #tpu.memory_space<semaphore_mem>>) src(%dma_wait3A_85 : memref<10000x128xf32, #tpu.memory_space<hbm>>) dst(%arg9 : memref<80x128xf32, #tpu.memory_space<vmem>>)
      "tpu.region"() ({
        %run_scoped3A = tpu.sem_alloc : memref<!tpu.dma_semaphore, #tpu.memory_space<semaphore_mem>>
        %dma_start3A_87 = arith.constant 0 : i32
        %dma_start3A_88 = tpu.memref_slice %arg7[%add3A_79, %dma_start3A_87] : memref<64x80xi32, #tpu.memory_space<vmem>> -> memref<1x80xi32, #tpu.memory_space<vmem>>
        %dma_start3A_89 = tpu.memref_squeeze %dma_start3A_88 : memref<1x80xi32, #tpu.memory_space<vmem>> -> memref<80xi32, #tpu.memory_space<vmem>>
        %dma_start3A_90 = arith.constant 0 : i32
        %dma_start3A_91 = arith.constant 0 : i32
        %dma_start3A_92 = tpu.memref_slice %arg11[%dma_start3A_90, %dma_start3A_91] : memref<10240x128xf32, #tpu.memory_space<vmem_shared>> -> memref<10240x128xf32, #tpu.memory_space<vmem_shared>>
        tpu.enqueue_indirect_dma source(%arg9 : memref<80x128xf32, #tpu.memory_space<vmem>>) target(%dma_start3A_92 : memref<10240x128xf32, #tpu.memory_space<vmem_shared>>) offsets(%dma_start3A_89 : memref<80xi32, #tpu.memory_space<vmem>>) semaphore(%run_scoped3A : memref<!tpu.dma_semaphore, #tpu.memory_space<semaphore_mem>>) {add = true}
        %dma_wait3A_93 = arith.constant 0 : i32
        %dma_wait3A_94 = tpu.memref_slice %arg7[%add3A_79, %dma_wait3A_93] : memref<64x80xi32, #tpu.memory_space<vmem>> -> memref<1x80xi32, #tpu.memory_space<vmem>>
        %dma_wait3A_95 = tpu.memref_squeeze %dma_wait3A_94 : memref<1x80xi32, #tpu.memory_space<vmem>> -> memref<80xi32, #tpu.memory_space<vmem>>
        %dma_wait3A_96 = arith.constant 0 : i32
        %dma_wait3A_97 = arith.constant 0 : i32
        %dma_wait3A_98 = tpu.memref_slice %arg11[%dma_wait3A_96, %dma_wait3A_97] : memref<10240x128xf32, #tpu.memory_space<vmem_shared>> -> memref<10240x128xf32, #tpu.memory_space<vmem_shared>>
        tpu.wait_indirect_dma semaphore(%run_scoped3A : memref<!tpu.dma_semaphore, #tpu.memory_space<semaphore_mem>>) src(%arg9 : memref<80x128xf32, #tpu.memory_space<vmem>>) dst(%dma_wait3A_98 : memref<10240x128xf32, #tpu.memory_space<vmem_shared>>)
        tpu.yield
      }) : () -> ()
      %scan3A_86 = arith.constant 0 : i32
      scf.yield %scan3A_86 : i32
    }
    %scan3A_57 = arith.constant 32 : i32
    %barrier3A_58 = arith.constant 0 : index
    tpu.barrier barrier_id(%barrier3A_58)
    "tpu.region"() ({
      %run_scoped3A = tpu.sem_alloc : memref<!tpu.dma_semaphore, #tpu.memory_space<semaphore_mem>>
      %dma_start3A_59 = arith.constant 0 : i32
      %dma_start3A_60 = tpu.memref_slice %arg5[%arg0, %mul3A_8, %dma_start3A_59] : memref<2x10240x128xf32, #tpu.memory_space<hbm>> -> memref<1x640x128xf32, #tpu.memory_space<hbm>>
      %dma_start3A_61 = tpu.memref_squeeze %dma_start3A_60 : memref<1x640x128xf32, #tpu.memory_space<hbm>> -> memref<640x128xf32, #tpu.memory_space<hbm>>
      %dma_start3A_62 = arith.constant 0 : i32
      %dma_start3A_63 = tpu.memref_slice %arg11[%mul3A_8, %dma_start3A_62] : memref<10240x128xf32, #tpu.memory_space<vmem_shared>> -> memref<640x128xf32, #tpu.memory_space<vmem_shared>>
      tpu.enqueue_dma source(%dma_start3A_63 : memref<640x128xf32, #tpu.memory_space<vmem_shared>>) target(%dma_start3A_61 : memref<640x128xf32, #tpu.memory_space<hbm>>) target_semaphore(%run_scoped3A : memref<!tpu.dma_semaphore, #tpu.memory_space<semaphore_mem>>)
      %dma_wait3A = arith.constant 0 : i32
      %dma_wait3A_64 = tpu.memref_slice %arg5[%arg0, %mul3A_8, %dma_wait3A] : memref<2x10240x128xf32, #tpu.memory_space<hbm>> -> memref<1x640x128xf32, #tpu.memory_space<hbm>>
      %dma_wait3A_65 = tpu.memref_squeeze %dma_wait3A_64 : memref<1x640x128xf32, #tpu.memory_space<hbm>> -> memref<640x128xf32, #tpu.memory_space<hbm>>
      %dma_wait3A_66 = arith.constant 0 : i32
      %dma_wait3A_67 = tpu.memref_slice %arg11[%mul3A_8, %dma_wait3A_66] : memref<10240x128xf32, #tpu.memory_space<vmem_shared>> -> memref<640x128xf32, #tpu.memory_space<vmem_shared>>
      tpu.wait_dma2 semaphore(%run_scoped3A : memref<!tpu.dma_semaphore, #tpu.memory_space<semaphore_mem>>) src(%dma_wait3A_67 : memref<640x128xf32, #tpu.memory_space<vmem_shared>>) dst(%dma_wait3A_65 : memref<640x128xf32, #tpu.memory_space<hbm>>)
      tpu.yield
    }) : () -> ()
    return
  }
}

module attributes {stable_mosaic.version = 14 : i64} {
  func.func @body(%arg0: memref<10000x128xf32, #tpu.memory_space<vmem>>, %arg1: memref<128x256xf32, #tpu.memory_space<vmem>>, %arg2: memref<10000x128xf32, #tpu.memory_space<vmem>>, %arg3: memref<10000x128xf32, #tpu.memory_space<vmem>>) attributes {dimension_semantics = [], scalar_prefetch = 0 : i64, scratch_operands = 0 : i64, tpu.core_type = #tpu.core_type<tc>} {
    %get3A = arith.constant 0 : index
    %get3A_0 = arith.constant 0 : index
    %get3A_1 = vector.load %arg0[%get3A, %get3A_0] : memref<10000x128xf32, #tpu.memory_space<vmem>>, vector<10000x128xf32>
    %get3A_2 = arith.constant 0 : index
    %get3A_3 = arith.constant 0 : index
    %get3A_4 = vector.load %arg1[%get3A_2, %get3A_3] : memref<128x256xf32, #tpu.memory_space<vmem>>, vector<128x256xf32>
    %dot_general3A = arith.constant dense<0.000000e+00> : vector<10000x256xf32>
    %dot_general3A_5 = tpu.matmul %get3A_1, %get3A_4, %dot_general3A {dimension_numbers = #tpu.dot_dimension_numbers<[1], [0], [0], [1], [0, 0, 1, 1], [], []>, transpose_lhs_hint = false} : vector<10000x128xf32>, vector<128x256xf32>, vector<10000x256xf32> -> vector<10000x256xf32>
    %slice3A = vector.extract_strided_slice %dot_general3A_5 {offsets = [0, 0], sizes = [10000, 128], strides = [1, 1]} : vector<10000x256xf32> to vector<10000x128xf32>
    %swap3A = arith.constant 0 : index
    %swap3A_6 = arith.constant 0 : index
    %swap3A_7 = vector.load %arg2[%swap3A, %swap3A_6] : memref<10000x128xf32, #tpu.memory_space<vmem>>, vector<10000x128xf32>
    tpu.vector_store %arg2[%swap3A, %swap3A_6], %slice3A {strides = array<i32>} : memref<10000x128xf32, #tpu.memory_space<vmem>>, vector<10000x128xf32>,
    %slice3A_8 = vector.extract_strided_slice %dot_general3A_5 {offsets = [0, 128], sizes = [10000, 128], strides = [1, 1]} : vector<10000x256xf32> to vector<10000x128xf32>
    %swap3A_9 = arith.constant 0 : index
    %swap3A_10 = arith.constant 0 : index
    %swap3A_11 = vector.load %arg3[%swap3A_9, %swap3A_10] : memref<10000x128xf32, #tpu.memory_space<vmem>>, vector<10000x128xf32>
    tpu.vector_store %arg3[%swap3A_9, %swap3A_10], %slice3A_8 {strides = array<i32>} : memref<10000x128xf32, #tpu.memory_space<vmem>>, vector<10000x128xf32>,
    return
  }
}

module attributes {stable_mosaic.version = 14 : i64} {
  func.func @body(%arg0: memref<2x10000x128xf32, #tpu.memory_space<vmem>>, %arg1: memref<2x10000x128xf32, #tpu.memory_space<vmem>>, %arg2: memref<2x10000x128xf32, #tpu.memory_space<vmem>>, %arg3: memref<10000x128xf32, #tpu.memory_space<vmem>>, %arg4: memref<1x128xf32, #tpu.memory_space<vmem>>, %arg5: memref<128x256xf32, #tpu.memory_space<vmem>>, %arg6: memref<10000x128xf32, #tpu.memory_space<vmem>>, %arg7: memref<10000x128xf32, #tpu.memory_space<vmem>>, %arg8: memref<10000x1xf32, #tpu.memory_space<vmem>>) attributes {dimension_semantics = [], scalar_prefetch = 0 : i64, scratch_operands = 0 : i64, tpu.core_type = #tpu.core_type<tc>} {
    %get3A = arith.constant 0 : index
    %get3A_0 = arith.constant 0 : index
    %get3A_1 = arith.constant 0 : index
    %get3A_2 = vector.load %arg2[%get3A, %get3A_0, %get3A_1] : memref<2x10000x128xf32, #tpu.memory_space<vmem>>, vector<1x10000x1xf32>
    %get3A_3 = vector.shape_cast %get3A_2 : vector<1x10000x1xf32> to vector<10000x1xf32>
    %get3A_4 = arith.constant 1 : index
    %get3A_5 = arith.constant 0 : index
    %get3A_6 = arith.constant 0 : index
    %get3A_7 = vector.load %arg2[%get3A_4, %get3A_5, %get3A_6] : memref<2x10000x128xf32, #tpu.memory_space<vmem>>, vector<1x10000x1xf32>
    %get3A_8 = vector.shape_cast %get3A_7 : vector<1x10000x1xf32> to vector<10000x1xf32>
    %add3A = arith.addf %get3A_3, %get3A_8 : vector<10000x1xf32>
    %max3A = arith.constant 1.000000e+00 : f32
    %max3A_9 = vector.broadcast %max3A : f32 to vector<10000x1xf32>
    %max3A_10 = arith.maximumf %add3A, %max3A_9 : vector<10000x1xf32>
    %get3A_11 = arith.constant 0 : index
    %get3A_12 = arith.constant 0 : index
    %get3A_13 = arith.constant 0 : index
    %get3A_14 = vector.load %arg0[%get3A_11, %get3A_12, %get3A_13] : memref<2x10000x128xf32, #tpu.memory_space<vmem>>, vector<1x10000x128xf32>
    %get3A_15 = vector.shape_cast %get3A_14 : vector<1x10000x128xf32> to vector<10000x128xf32>
    %get3A_16 = arith.constant 1 : index
    %get3A_17 = arith.constant 0 : index
    %get3A_18 = arith.constant 0 : index
    %get3A_19 = vector.load %arg0[%get3A_16, %get3A_17, %get3A_18] : memref<2x10000x128xf32, #tpu.memory_space<vmem>>, vector<1x10000x128xf32>
    %get3A_20 = vector.shape_cast %get3A_19 : vector<1x10000x128xf32> to vector<10000x128xf32>
    %add3A_21 = arith.addf %get3A_15, %get3A_20 : vector<10000x128xf32>
    %get3A_22 = arith.constant 0 : index
    %get3A_23 = arith.constant 0 : index
    %get3A_24 = arith.constant 0 : index
    %get3A_25 = vector.load %arg1[%get3A_22, %get3A_23, %get3A_24] : memref<2x10000x128xf32, #tpu.memory_space<vmem>>, vector<1x10000x128xf32>
    %get3A_26 = vector.shape_cast %get3A_25 : vector<1x10000x128xf32> to vector<10000x128xf32>
    %add3A_27 = arith.addf %add3A_21, %get3A_26 : vector<10000x128xf32>
    %get3A_28 = arith.constant 1 : index
    %get3A_29 = arith.constant 0 : index
    %get3A_30 = arith.constant 0 : index
    %get3A_31 = vector.load %arg1[%get3A_28, %get3A_29, %get3A_30] : memref<2x10000x128xf32, #tpu.memory_space<vmem>>, vector<1x10000x128xf32>
    %get3A_32 = vector.shape_cast %get3A_31 : vector<1x10000x128xf32> to vector<10000x128xf32>
    %add3A_33 = arith.addf %add3A_27, %get3A_32 : vector<10000x128xf32>
    %div3A = vector.broadcast %max3A_10 : vector<10000x1xf32> to vector<10000x128xf32>
    %div3A_34 = arith.divf %add3A_33, %div3A : vector<10000x128xf32>
    %get3A_35 = arith.constant 0 : index
    %get3A_36 = arith.constant 0 : index
    %get3A_37 = vector.load %arg3[%get3A_35, %get3A_36] : memref<10000x128xf32, #tpu.memory_space<vmem>>, vector<10000x128xf32>
    %add3A_38 = arith.addf %div3A_34, %get3A_37 : vector<10000x128xf32>
    %get3A_39 = arith.constant 0 : index
    %get3A_40 = arith.constant 0 : index
    %get3A_41 = vector.load %arg4[%get3A_39, %get3A_40] : memref<1x128xf32, #tpu.memory_space<vmem>>, vector<1x128xf32>
    %add3A_42 = vector.broadcast %get3A_41 : vector<1x128xf32> to vector<10000x128xf32>
    %add3A_43 = arith.addf %add3A_38, %add3A_42 : vector<10000x128xf32>
    %max3A_44 = arith.constant 0.000000e+00 : f32
    %max3A_45 = vector.broadcast %max3A_44 : f32 to vector<10000x128xf32>
    %max3A_46 = arith.maximumf %add3A_43, %max3A_45 : vector<10000x128xf32>
    %get3A_47 = arith.constant 0 : index
    %get3A_48 = arith.constant 0 : index
    %get3A_49 = vector.load %arg5[%get3A_47, %get3A_48] : memref<128x256xf32, #tpu.memory_space<vmem>>, vector<128x256xf32>
    %dot_general3A = arith.constant dense<0.000000e+00> : vector<10000x256xf32>
    %dot_general3A_50 = tpu.matmul %max3A_46, %get3A_49, %dot_general3A {dimension_numbers = #tpu.dot_dimension_numbers<[1], [0], [0], [1], [0, 0, 1, 1], [], []>, transpose_lhs_hint = false} : vector<10000x128xf32>, vector<128x256xf32>, vector<10000x256xf32> -> vector<10000x256xf32>
    %slice3A = vector.extract_strided_slice %dot_general3A_50 {offsets = [0, 0], sizes = [10000, 128], strides = [1, 1]} : vector<10000x256xf32> to vector<10000x128xf32>
    %swap3A = arith.constant 0 : index
    %swap3A_51 = arith.constant 0 : index
    %swap3A_52 = vector.load %arg6[%swap3A, %swap3A_51] : memref<10000x128xf32, #tpu.memory_space<vmem>>, vector<10000x128xf32>
    tpu.vector_store %arg6[%swap3A, %swap3A_51], %slice3A {strides = array<i32>} : memref<10000x128xf32, #tpu.memory_space<vmem>>, vector<10000x128xf32>,
    %slice3A_53 = vector.extract_strided_slice %dot_general3A_50 {offsets = [0, 128], sizes = [10000, 128], strides = [1, 1]} : vector<10000x256xf32> to vector<10000x128xf32>
    %swap3A_54 = arith.constant 0 : index
    %swap3A_55 = arith.constant 0 : index
    %swap3A_56 = vector.load %arg7[%swap3A_54, %swap3A_55] : memref<10000x128xf32, #tpu.memory_space<vmem>>, vector<10000x128xf32>
    tpu.vector_store %arg7[%swap3A_54, %swap3A_55], %slice3A_53 {strides = array<i32>} : memref<10000x128xf32, #tpu.memory_space<vmem>>, vector<10000x128xf32>,
    %swap3A_57 = arith.constant 0 : index
    %swap3A_58 = arith.constant 0 : index
    %swap3A_59 = vector.load %arg8[%swap3A_57, %swap3A_58] : memref<10000x1xf32, #tpu.memory_space<vmem>>, vector<10000x1xf32>
    tpu.vector_store %arg8[%swap3A_57, %swap3A_58], %max3A_10 {strides = array<i32>} : memref<10000x1xf32, #tpu.memory_space<vmem>>, vector<10000x1xf32>,
    return
  }
}

module attributes {stable_mosaic.version = 14 : i64} {
  func.func @body(%arg0: memref<2x10000x128xf32, #tpu.memory_space<vmem>>, %arg1: memref<2x10000x128xf32, #tpu.memory_space<vmem>>, %arg2: memref<10000x1xf32, #tpu.memory_space<vmem>>, %arg3: memref<10000x128xf32, #tpu.memory_space<vmem>>, %arg4: memref<1x128xf32, #tpu.memory_space<vmem>>, %arg5: memref<10000x128xf32, #tpu.memory_space<vmem>>) attributes {dimension_semantics = [], scalar_prefetch = 0 : i64, scratch_operands = 0 : i64, tpu.core_type = #tpu.core_type<tc>} {
    %get3A = arith.constant 0 : index
    %get3A_0 = arith.constant 0 : index
    %get3A_1 = arith.constant 0 : index
    %get3A_2 = vector.load %arg0[%get3A, %get3A_0, %get3A_1] : memref<2x10000x128xf32, #tpu.memory_space<vmem>>, vector<1x10000x128xf32>
    %get3A_3 = vector.shape_cast %get3A_2 : vector<1x10000x128xf32> to vector<10000x128xf32>
    %get3A_4 = arith.constant 1 : index
    %get3A_5 = arith.constant 0 : index
    %get3A_6 = arith.constant 0 : index
    %get3A_7 = vector.load %arg0[%get3A_4, %get3A_5, %get3A_6] : memref<2x10000x128xf32, #tpu.memory_space<vmem>>, vector<1x10000x128xf32>
    %get3A_8 = vector.shape_cast %get3A_7 : vector<1x10000x128xf32> to vector<10000x128xf32>
    %add3A = arith.addf %get3A_3, %get3A_8 : vector<10000x128xf32>
    %get3A_9 = arith.constant 0 : index
    %get3A_10 = arith.constant 0 : index
    %get3A_11 = arith.constant 0 : index
    %get3A_12 = vector.load %arg1[%get3A_9, %get3A_10, %get3A_11] : memref<2x10000x128xf32, #tpu.memory_space<vmem>>, vector<1x10000x128xf32>
    %get3A_13 = vector.shape_cast %get3A_12 : vector<1x10000x128xf32> to vector<10000x128xf32>
    %add3A_14 = arith.addf %add3A, %get3A_13 : vector<10000x128xf32>
    %get3A_15 = arith.constant 1 : index
    %get3A_16 = arith.constant 0 : index
    %get3A_17 = arith.constant 0 : index
    %get3A_18 = vector.load %arg1[%get3A_15, %get3A_16, %get3A_17] : memref<2x10000x128xf32, #tpu.memory_space<vmem>>, vector<1x10000x128xf32>
    %get3A_19 = vector.shape_cast %get3A_18 : vector<1x10000x128xf32> to vector<10000x128xf32>
    %add3A_20 = arith.addf %add3A_14, %get3A_19 : vector<10000x128xf32>
    %get3A_21 = arith.constant 0 : index
    %get3A_22 = arith.constant 0 : index
    %get3A_23 = vector.load %arg2[%get3A_21, %get3A_22] : memref<10000x1xf32, #tpu.memory_space<vmem>>, vector<10000x1xf32>
    %div3A = vector.broadcast %get3A_23 : vector<10000x1xf32> to vector<10000x128xf32>
    %div3A_24 = arith.divf %add3A_20, %div3A : vector<10000x128xf32>
    %get3A_25 = arith.constant 0 : index
    %get3A_26 = arith.constant 0 : index
    %get3A_27 = vector.load %arg3[%get3A_25, %get3A_26] : memref<10000x128xf32, #tpu.memory_space<vmem>>, vector<10000x128xf32>
    %add3A_28 = arith.addf %div3A_24, %get3A_27 : vector<10000x128xf32>
    %get3A_29 = arith.constant 0 : index
    %get3A_30 = arith.constant 0 : index
    %get3A_31 = vector.load %arg4[%get3A_29, %get3A_30] : memref<1x128xf32, #tpu.memory_space<vmem>>, vector<1x128xf32>
    %add3A_32 = vector.broadcast %get3A_31 : vector<1x128xf32> to vector<10000x128xf32>
    %add3A_33 = arith.addf %add3A_28, %add3A_32 : vector<10000x128xf32>
    %swap3A = arith.constant 0 : index
    %swap3A_34 = arith.constant 0 : index
    %swap3A_35 = vector.load %arg5[%swap3A, %swap3A_34] : memref<10000x128xf32, #tpu.memory_space<vmem>>, vector<10000x128xf32>
    tpu.vector_store %arg5[%swap3A, %swap3A_34], %add3A_33 {strides = array<i32>} : memref<10000x128xf32, #tpu.memory_space<vmem>>, vector<10000x128xf32>,
    return
  }
}

</mosaic_0001>

<sc_bundles>
// kernel: kernel.11.cloned.1.call-start
scs
__scs_entry_jumppad:
0x0: {  	(pc) =	sbr.rel $0x88, $3  }
0x1: {  	(tag) =	ssettag $0x0;
	lr =	simm.s32 $0x1  }
0x2: {  	[smem:$0x3F99] =	sst lr;
	_ =	strace $0xD0000000  }
0x3: {  	_ = 	snop  }
0x4: {  	_ = 	snop  }
0x5: {  	_ = 	snop  }
0x6: {  	_ = 	snop  }
0x7: {  	_ = 	snop  }
__scs_overlays_trampoline_lowered:
0x8: {  	[smem:$0x3FA8] =	sst s0  }
0x9: {  	[smem:$0x3FA9] =	sst s1  }
0xa: {  	[smem:$0x3FAA] =	sst s2  }
0xb: {  	[smem:$0x3FAB] =	sst s3  }
0xc: {  	[smem:$0x3FAC] =	sst s4  }
0xd: {  	[smem:$0x3FAD] =	sst s5  }
0xe: {  	[smem:$0x3FAE] =	sst s6  }
0xf: {  	[smem:$0x3FAF] =	sst s7  }
0x10: {  	[smem:$0x3FB0] =	sst s8  }
0x11: {  	[smem:$0x3FB1] =	sst s9;
	s0 =	simm.s32 @!p0 $0x0  }
0x12: {  	s1 =	sld [smem:$0x3F97];
	s0 =	simm.s32 @p0 $0x1  }
0x13: {  	[smem:$0x3FB2] =	sst s0;
	s0 =	simm.s32 @!p1 $0x0  }
0x14: {  	s2 =	sld [smem:$0x3F96];
	s0 =	simm.s32 @p1 $0x1  }
0x15: {  	[smem:$0x3FB3] =	sst s0;
	s0 =	simm.s32 @!p2 $0x0  }
0x16: {  	s3 =	sld [smem:$0x3FDB];
	s0 =	simm.s32 @p2 $0x1  }
0x17: {  	s4 =	simm.s32 $0x1BF5;
	[smem:$0x3FB5] =	sst s0  }
0x18: {  	s0 =	sld [smem:$0x3F98];
	_ =	swait.ge [sflag:s4], $0x0  }
0x19: {  	s7 =	sld [smem:$0x3F99]  }
0x1a: {  	s8 =	sadd.s32 $0xFFFFE003, lr  }
0x1b: {  	s9 =	sadd.s32 $0xFFFFFEF7, lr;
	s5 =	simm.s32 $0xFFFFFFFF;
	p2 =	slt.u32 s8, $0xFFFFF086  }
0x1c: {  	p1 =	slt.u32 s9, $0xF7A;
	s5 =	simm.s32 @!p2 $0x0  }
0x1d: {  	s5 =	simm.s32 @p1 $0x1;
	p0 =	seq.s32 s7, s2  }
0x1e: {  	s7 =	smul.u32 @!p0 $0xF7A, s2;
	p2 =	seq.s32 @!p0 s5, $0x0  }
0x1f: {  	s9 =	smul.u32 $0xF7A, s1;
	s8 =	simm.s32 @!p0 $0x1BF5;
	p2 =	por !p2, p0  }
0x20: {  	[sflag:s8] =	ssyncset.s32 @!p0 $0xFFFFF086;
	s6 =	sadd.s32 @!p0 s3, s7;
	s7 =	simm.s32 @!p0 $0x108  }
0x21: {  	s3 =	sadd.s32 s3, s9;
	s6 =	sadd.s32 @!p0 $0x88, s6;
	s7 =	simm.s32 @p2 $0x1082  }
0x22: {  	[simem:s7], [sflag:s8] =	dma.local @!p0 [hbm:s6], $0xF7A  }
0x23: {  	s9 =	sor.u32 $0xD0000000, s2;
	s6 =	simm.s32 $0x108;
	_ =	swait.ge @!p0 [sflag:s8], $0x0  }
0x24: {  	s3 =	sadd.s32 $0x88, s3;
	s6 =	simm.s32 @!p1 $0x1082;
	[sflag:s4] =	ssyncset.s32 $0xFFFFF086  }
0x25: {  	[simem:s6], [sflag:s4] =	dma.local [hbm:s3], $0xF7A  }
0x26: {  	[smem:$0x3F99] =	sst s1;
	(tag) =	ssettag s2;
	_ =	strace s9  }
0x27: {  	s1 =	sld [smem:$0x3FA9]  }
0x28: {  	s2 =	sld [smem:$0x3FAA]  }
0x29: {  	s4 =	sld [smem:$0x3FAC]  }
0x2a: {  	p0 =	seq.s32 s5, $0x0;
	s5 =	sld [smem:$0x3FAD]  }
0x2b: {  	s6 =	sld [smem:$0x3FAE]  }
0x2c: {  	s7 =	sld [smem:$0x3FAF]  }
0x2d: {  	s3 =	simm.s32 $0x108;
	s8 =	sld [smem:$0x3FB0]  }
0x2e: {  	s3 =	simm.s32 @!p0 $0x1082;
	s9 =	sld [smem:$0x3FB1]  }
0x2f: {  	lr =	sadd.s32 s0, s3;
	s0 =	sld [smem:$0x3FA8]  }
0x30: {  	s3 =	sld [smem:$0x3FAB]  }
0x31: {  	[smem:$0x3FB4] =	sst s10  }
0x32: {  	s10 =	sld [smem:$0x3FB2];
	_ =	sdelay $0x3  }
0x33: {  	p0 =	seq.s32 s10, $0x1;
	s10 =	sld [smem:$0x3FB4];
	_ =	sdelay $0x3  }
0x34: {  	[smem:$0x3FB4] =	sst s10  }
0x35: {  	s10 =	sld [smem:$0x3FB3];
	_ =	sdelay $0x3  }
0x36: {  	p1 =	seq.s32 s10, $0x1;
	s10 =	sld [smem:$0x3FB4];
	_ =	sdelay $0x3  }
0x37: {  	[smem:$0x3FB4] =	sst s10  }
0x38: {  	s10 =	sld [smem:$0x3FB5]  }
0x39: {  	_ = 	snop;
	(pc) =	sbr.ind lr, $3  }
0x3a: {  	_ = 	snop  }
0x3b: {  	_ = 	snop  }
0x3c: {  	p2 =	seq.s32 s10, $0x1;
	s10 =	sld [smem:$0x3FB4]  }
0x3d: {  	_ =	shalt  }
0x3e: {  	_ =	shalt  }
0x3f: {  	_ =	shalt  }
0x40: {  	_ =	shalt  }
0x41: {  	_ =	shalt  }
0x42: {  	_ =	shalt  }
0x43: {  	_ =	shalt  }
0x44: {  	_ =	shalt  }
0x45: {  	_ =	shalt  }
0x46: {  	_ =	shalt  }
0x47: {  	_ =	shalt  }
0x48: {  	_ =	shalt  }
0x49: {  	_ =	shalt  }
0x4a: {  	_ =	shalt  }
0x4b: {  	_ =	shalt  }
0x4c: {  	_ =	shalt  }
0x4d: {  	_ =	shalt  }
0x4e: {  	_ =	shalt  }
0x4f: {  	_ =	shalt  }
0x50: {  	_ =	shalt  }
0x51: {  	_ =	shalt  }
0x52: {  	_ =	shalt  }
0x53: {  	_ =	shalt  }
0x54: {  	_ =	shalt  }
0x55: {  	_ =	shalt  }
0x56: {  	_ =	shalt  }
0x57: {  	_ =	shalt  }
0x58: {  	_ =	shalt  }
0x59: {  	_ =	shalt  }
0x5a: {  	_ =	shalt  }
0x5b: {  	_ =	shalt  }
0x5c: {  	_ =	shalt  }
0x5d: {  	_ =	shalt  }
0x5e: {  	_ =	shalt  }
0x5f: {  	_ =	shalt  }
0x60: {  	_ =	shalt  }
0x61: {  	_ =	shalt  }
0x62: {  	_ =	shalt  }
0x63: {  	_ =	shalt  }
0x64: {  	_ =	shalt  }
0x65: {  	_ =	shalt  }
0x66: {  	_ =	shalt  }
0x67: {  	_ =	shalt  }
0x68: {  	_ =	shalt  }
0x69: {  	_ =	shalt  }
0x6a: {  	_ =	shalt  }
0x6b: {  	_ =	shalt  }
0x6c: {  	_ =	shalt  }
0x6d: {  	_ =	shalt  }
0x6e: {  	_ =	shalt  }
0x6f: {  	_ =	shalt  }
0x70: {  	_ =	shalt  }
0x71: {  	_ =	shalt  }
0x72: {  	_ =	shalt  }
0x73: {  	_ =	shalt  }
0x74: {  	_ =	shalt  }
0x75: {  	_ =	shalt  }
0x76: {  	_ =	shalt  }
0x77: {  	_ =	shalt  }
0x78: {  	_ =	shalt  }
0x79: {  	_ =	shalt  }
0x7a: {  	_ =	shalt  }
0x7b: {  	_ =	shalt  }
0x7c: {  	_ =	shalt  }
0x7d: {  	_ =	shalt  }
0x7e: {  	_ =	shalt  }
0x7f: {  	_ =	shalt  }
0x80: {  	_ =	shalt  }
0x81: {  	_ =	shalt  }
0x82: {  	_ =	shalt  }
0x83: {  	_ =	shalt  }
0x84: {  	_ =	shalt  }
0x85: {  	_ =	shalt  }
0x86: {  	_ =	shalt  }
0x87: {  	_ =	shalt  }
.Lfunc_end0:
.L_simem_size_0:
called_computation.1_lowered:
.L_overlay_start_0:
0x88: {  	s2 =	sld [smem:$0x3FD9]  }
0x89: {  	s3 =	sld [smem:$0x3FFE];
	_ =	sdelay $0x1  }
0x8a: {  	s1 =	srdreg.scid  }
0x8b: {  	s0 =	sand.u32 $0x1, s1  }
0x8c: {  	s17 =	sshll.u32 s0, $0xA;
	s2 =	sadd.s32 s3, s2  }
0x8d: {  	s2 =	sadd.s32 s2, s17  }
0x8e: {  	[smem:$0x3FC0] =	sst s2  }
0x8f: {  	_ = 	snop  }
0x90: {  	s2 =	sld [smem:$0x3FD0];
	(tm) =	ssettm $0x1  }
0x91: {  	s18 =	sld [smem:$0x3FFB];
	_ =	sdelay $0x3  }
0x92: {  	_ =	strace s18  }
0x93: {  	s3 =	sld [smem:$0x3FFC];
	_ =	sdelay $0x3  }
0x94: {  	_ =	strace s3  }
0x95: {  	s3 =	sld [smem:$0x3FFD];
	_ =	sdelay $0x3  }
0x96: {  	_ =	strace s3  }
0x97: {  	_ =	strace $0x8FFFFFFF  }
0x98: {  	s19 =	sld [smem:$0x3FDB];
	_ =	sdelay $0x1  }
0x99: {  	s4 =	simm.s32 $_scs_section_size  }
0x9a: {  	s5 =	simm.s32 $_size__tile_overlayer_lowered;
	s6 =	simm.s32 $_tile_overlayer_lowered  }
0x9b: {  	s22 =	simm.s32 $0x1BFF;
	s21 =	sshll.u32 s6, $0x1;
	s3 =	sadd.s32 s4, s19  }
0x9c: {  	s7 =	simm.s32 $0x0;
	s20 =	sshll.u32 s5, $0x1;
	s5 =	sadd.s32 s21, s3  }
0x9d: {  	[timem:s7], [sflag:s22] =	dma.local [hbm:s5], s20  }
0x9e: {  	_ =	swait.ge [sflag:s22], s20  }
0x9f: {  	s4 =	ssub.s32 $0x0, s20;
	[sflag:s22] =	ssyncset.done $0x0  }
0xa0: {  	[sflag:s22] =	ssyncadd.s32 s4;
	_ =	sdelay $0x1  }
0xa1: {  	s23 =	simm.s32 $0x1B8B  }
0xa2: {  	_ =	swait.ge [sflag:s23], $0x1  }
0xa3: {  	[sflag:s23] =	ssyncset.done $0x0  }
0xa4: {  	s25 =	simm.s32 $0x1B8E;
	s24 =	sld [smem:$0x3FFE];
	[sflag:s23] =	ssyncadd.s32 $0xFFFFFFFF  }
0xa5: {  	s26 =	simm.s32 $execute0_lowered;
	[smem:$0x3FD2] =	sst s25  }
0xa6: {  	s5 =	sshll.u32 s26, $0x1;
	_ =	strace $0x80000046;
	[dreg:$0x1] =	wrdreg $0xFFFFFFFF  }
0xa7: {  	s28 =	simm.s32 $_size_execute0_lowered;
	s3 =	sadd.s32 s3, s5;
	[dreg:$0x0] =	wrdreg $0x0  }
0xa8: {  	s5 =	sshll.u32 s28, $0x1;
	[dreg:$0x2] =	wrdreg s3  }
0xa9: {  	[dreg:$0x3] =	wrdreg s5  }
0xaa: {  	[dreg:$0x4] =	wrdreg $0xC0  }
0xab: {  	_ =	task [dreg:s7], $0x5FFFF  }
0xac: {  	[dreg:$0x1] =	wrdreg $0xFFFFFFFF  }
0xad: {  	[dreg:$0x0] =	wrdreg $0x60  }
0xae: {  	[dreg:$0x2] =	wrdreg s2  }
0xaf: {  	[dreg:$0x3] =	wrdreg s24  }
0xb0: {  	[dreg:$0x4] =	wrdreg $0xB8000  }
0xb1: {  	[dreg:$0x5] =	wrdreg $0xA  }
0xb2: {  	_ =	task.clear_ibuf [dreg:s7], $0x6FFFF;
	_ =	strace $0x90000046  }
0xb3: {  	s29 =	simm.s32 $0xA;
	_ =	strace $0x80000048  }
0xb4: {  	_ =	swait.ge [sflag:s29], $0x1  }
0xb5: {  	[sflag:s29] =	ssyncadd.s32 $0xFFFFFFFF  }
0xb6: {  	_ =	strace $0x90000048  }
0xb7: {  	_ =	sfence  }
0xb8: {  	s30 =	sld [smem:$0x0];
	_ =	sdelay $0x2  }
0xb9: {  	s31 =	sshll.u32 s1, $0xD;
	s1 =	sshrl.u32 s1, $0x2  }
0xba: {  	s3 =	sand.u32 $0x4000, s31;
	s1 =	sadd.s32 s1, s30  }
0xbb: {  	s0 =	sor.u32 s3, s0;
	s1 =	sshll.u32 s1, $0x11  }
0xbc: {  	s0 =	sor.u32 s1, s0  }
0xbd: {  	s0 =	sadd.s32 $0x8F2B, s0  }
0xbe: {  	[sflag:s0] =	ssyncadd.remote.s32 $0x1  }
0xbf: {  	_ =	sfence.sel $0xFFFF  }
0xc0: {  	[dreg:$0x0] =	wrdreg $0xFFFFFFFF;
	(pc) =	sbr.abs _section_cstart, $3  }
0xc1: {  	[dreg:$0x1] =	wrdreg $0xFFFFFFFF  }
0xc2: {  	_ =	task.clear_ibuf [dreg:s7], $0x2FFFF;
	_ =	strace $0x9FFFFFFF  }
0xc3: {  	(tm) =	ssettm $0x7FFFFFFF  }
tec
execute0_lowered:
.L_overlay_start_1:
0x0: {  	(tag) =	ssettag $0x1  }
0x1: {  	s0 =	rddreg [dreg:$0x0]  }
0x2: {  	s1 =	rddreg [dreg:$0x1]  }
0x3: {  	s2 =	srdreg.scid;
	s3 =	rddreg [dreg:$0x2]  }
0x4: {  	s24 =	stileid.u32;
	s4 =	simm.s32 $0x0;
	s19 =	simm.s32 $0x9000  }
0x5: {  	s20 =	simm.s32 $0x3;
	s21 =	simm.s32 $0x2000;
	s22 =	simm.s32 $0x50  }
0x6: {  	s23 =	simm.s32 $0x4000;
	s28 =	simm.s32 $0x1F80;
	s29 =	simm.s32 $0x3F00  }
0x7: {  	s30 =	simm.s32 $0x3F80;
	s11 =	sand.u32 $0x1, s2;
	s6 =	smul.u32 $0x14000, s24  }
0x8: {  	[smem:$0x7FF] =	sst s4;
	s7 =	smul.u32 $0x50000, s24;
	s15 =	sadd.s32 $0x2400, s1  }
0x9: {  	s16 =	sadd.s32 $0x12400, s1;
	s14 =	sshll.u32 s24, $0xA;
	s24 =	simm.s32 $0x6800  }
0xa: {  	s5 =	smul.u32 $0x140000, s11;
	_ =	strace $0x80000047;
	s25 =	ssub.s32 $0x2, s11  }
0xb: {  	s13 =	sshll.u32 s11, $0xE;
	s7 =	sshrl.u32 s7, $0x2;
	s9 =	sshrl.u32 s25, $0x1  }
0xc: {  	s17 =	sor.u32 s14, s13;
	s5 =	sadd.s32 s6, s5;
	s18 =	ssub.s32 s25, s9  }
0xd: {  	s13 =	sadd.s32 s15, s17;
	s14 =	sadd.s32 s16, s17;
	s17 =	sor.u32 $0x8000, s17  }
0xe: {  	s25 =	simm.s32 $0x1;
	s8 =	sshrl.u32 s5, $0x3;
	s5 =	sadd.s32 s7, s3  }
0xf: {  	s15 =	sadd.s32 s15, s17;
	s16 =	sadd.s32 s16, s17;
	s18 =	smax.u32 s18, $0x1  }
0x10: {  	s1 =	sadd.s32 s8, s1;
	s26 =	sadd.s32 $0x2800, s5;
	s31 =	sadd.s32 $0x5000, s5  }
0x11: {  	s8 =	sadd.s32 $0x7800, s5;
	s9 =	sadd.s32 $0xA000, s5;
	s10 =	sadd.s32 $0xC800, s5  }
0x12: {  	s11 =	sadd.s32 $0xF000, s5;
	s12 =	sadd.s32 $0x11800, s5;
	[dreg:$0x4] =	wrdreg s26  }
0x13: {  	v0 =	vimm.f32 $0.0e+00;
	[dreg:$0x5] =	wrdreg s31;
	s17 =	sadd.s32 $0x22400, s1;
	s26 =	simm.s32 $0x2  }
.LBB2_1:
0x14: {  	s31 =	simm.s32 $0x70;
	s1 =	simm.s32 $0x3C0  }
.LBB2_2:
0x15: {  	p0 =	sne.s32 s1, $0x9FC0;
	[tilespmem:s31+$0x9000] =	vst v0  }
0x16: {  	[tilespmem:s31+$0x8F90] =	vst v0  }
0x17: {  	[tilespmem:s31+$0x8FA0] =	vst v0  }
.Ltmp0:
0x18: {  	[tilespmem:s31+$0x8FB0] =	vst v0;
	(pc) =	sbr.rel @p0 .LBB2_2-.Ltmp0, $4  }
0x19: {  	[tilespmem:s31+$0x8FC0] =	vst v0  }
0x1a: {  	[tilespmem:s31+$0x8FD0] =	vst v0  }
0x1b: {  	[tilespmem:s31+$0x8FE0] =	vst v0  }
0x1c: {  	[tilespmem:s31+$0x8FF0] =	vst v0;
	s31 =	sshra.s32 s1, $0x2;
	s1 =	sadd.s32 $0x200, s1  }
0x1d: {  	[tilespmem:s31+$0x9000] =	vst v0  }
0x1e: {  	[tilespmem:s31+$0x8F90] =	vst v0  }
0x1f: {  	[tilespmem:s31+$0x8FA0] =	vst v0  }
0x20: {  	[tilespmem:s31+$0x8FB0] =	vst v0  }
0x21: {  	[tilespmem:s31+$0x8FC0] =	vst v0  }
0x22: {  	[tilespmem:s31+$0x8FD0] =	vst v0  }
0x23: {  	[tilespmem:s31+$0x8FE0] =	vst v0  }
0x24: {  	[tilespmem:s31+$0x8FF0] =	vst v0  }
0x25: {  	[spmem:s5] =	stream.linear.scatter [tilespmem:s19], [sflag:$0x3], $0x2800, $0x38;
	[tilespmem:$0x1F800] =	vst v63  }
0x26: {  	_ =	swait.ge [sflag:s20], $0x2800  }
0x27: {  	[sflag:s20] =	ssyncset.done $0x0  }
0x28: {  	s1 =	rddreg [dreg:$0x4];
	[sflag:s20] =	ssyncadd.s32 $0xFFFFD800  }
0x29: {  	[spmem:s1] =	stream.linear.scatter [tilespmem:s19], [sflag:$0x3], $0x2800, $0x38;
	[tilespmem:$0x1F800] =	vst v63  }
0x2a: {  	_ =	swait.ge [sflag:s20], $0x2800  }
0x2b: {  	[sflag:s20] =	ssyncset.done $0x0  }
0x2c: {  	s2 =	rddreg [dreg:$0x5];
	[sflag:s20] =	ssyncadd.s32 $0xFFFFD800  }
0x2d: {  	[spmem:s2] =	stream.linear.scatter [tilespmem:s19], [sflag:$0x3], $0x2800, $0x38;
	[tilespmem:$0x1F800] =	vst v63  }
0x2e: {  	_ =	swait.ge [sflag:s20], $0x2800  }
0x2f: {  	[sflag:s20] =	ssyncset.done $0x0  }
0x30: {  	[sflag:s20] =	ssyncadd.s32 $0xFFFFD800  }
0x31: {  	[spmem:s8] =	stream.linear.scatter [tilespmem:s19], [sflag:$0x3], $0x2800, $0x38;
	[tilespmem:$0x1F800] =	vst v63  }
0x32: {  	_ =	swait.ge [sflag:s20], $0x2800  }
0x33: {  	[sflag:s20] =	ssyncset.done $0x0  }
0x34: {  	[sflag:s20] =	ssyncadd.s32 $0xFFFFD800  }
0x35: {  	[spmem:s9] =	stream.linear.scatter [tilespmem:s19], [sflag:$0x3], $0x2800, $0x38;
	[tilespmem:$0x1F800] =	vst v63  }
0x36: {  	_ =	swait.ge [sflag:s20], $0x2800  }
0x37: {  	[sflag:s20] =	ssyncset.done $0x0  }
0x38: {  	[sflag:s20] =	ssyncadd.s32 $0xFFFFD800  }
0x39: {  	[spmem:s10] =	stream.linear.scatter [tilespmem:s19], [sflag:$0x3], $0x2800, $0x38;
	[tilespmem:$0x1F800] =	vst v63  }
0x3a: {  	_ =	swait.ge [sflag:s20], $0x2800  }
0x3b: {  	[sflag:s20] =	ssyncset.done $0x0  }
0x3c: {  	[sflag:s20] =	ssyncadd.s32 $0xFFFFD800  }
0x3d: {  	[spmem:s11] =	stream.linear.scatter [tilespmem:s19], [sflag:$0x3], $0x2800, $0x38;
	[tilespmem:$0x1F800] =	vst v63  }
0x3e: {  	_ =	swait.ge [sflag:s20], $0x2800  }
0x3f: {  	[sflag:s20] =	ssyncset.done $0x0  }
0x40: {  	[sflag:s20] =	ssyncadd.s32 $0xFFFFD800  }
0x41: {  	[spmem:s12] =	stream.linear.scatter [tilespmem:s19], [sflag:$0x3], $0x2800, $0x38;
	[tilespmem:$0x1F800] =	vst v63  }
0x42: {  	_ =	swait.ge [sflag:s20], $0x2800  }
0x43: {  	[sflag:s20] =	ssyncset.done $0x0  }
0x44: {  	[sflag:s20] =	ssyncadd.s32 $0xFFFFD800  }
0x45: {  	s6 =	simm.s32 $0x0;
	[bflag:$0x0] =	sbarrier.arrive $0xFFFF  }
0x46: {  	[tilespmem:s6], [sflag:$0x3] =	stream.linear.gather [hbm4b:s13+s6], $0x2000, $0x38;
	[tilespmem:$0x1F800] =	vst v63  }
0x47: {  	_ =	swait.ge [sflag:s20], $0x2000  }
0x48: {  	[sflag:s20] =	ssyncset.done $0x0  }
0x49: {  	[sflag:s20] =	ssyncadd.s32 $0xFFFFE000  }
0x4a: {  	[tilespmem:s21], [sflag:$0x3] =	stream.linear.gather [hbm4b:s14+s6], $0x2000, $0x38;
	[tilespmem:$0x1F800] =	vst v63  }
0x4b: {  	_ =	swait.ge [sflag:s20], $0x2000  }
0x4c: {  	[sflag:s20] =	ssyncset.done $0x0  }
0x4d: {  	[sflag:s20] =	ssyncadd.s32 $0xFFFFE000  }
0x4e: {  	[tilespmem:s23], [sflag:$0x1] =	stream.indirect.gather [hbm4b:s0+s22], $0x80, s6, s22, $0xb8;
	[tilespmem:$0x1F800] =	vst v63  }
0x4f: {  	s7 =	simm.s32 $0x80  }
0x50: {  	[tilespmem:s24], [sflag:$0x2] =	stream.indirect.gather [hbm4b:s0+s22], $0x80, s7, s22, $0xb8;
	[tilespmem:$0x1F800] =	vst v63  }
0x51: {  	_ =	swait.ge [sflag:s25], $0x2800  }
0x52: {  	[sflag:s25] =	ssyncset.done $0x0  }
0x53: {  	s2 =	simm.s32 $0x2000;
	[sflag:s25] =	ssyncadd.s32 $0xFFFFD800  }
0x54: {  	[spmem:s3] =	stream.indirect.scatter.add.f32 [tilespmem:s23], [sflag:$0x3], $0x80, s2, s22, $0xb8;
	[tilespmem:$0x1F800] =	vst v63  }
0x55: {  	_ =	swait.ge [sflag:s20], $0x2800  }
0x56: {  	[sflag:s20] =	ssyncset.done $0x0  }
0x57: {  	s6 =	simm.s32 $0x100;
	[sflag:s20] =	ssyncadd.s32 $0xFFFFD800  }
0x58: {  	[tilespmem:s23], [sflag:$0x1] =	stream.indirect.gather [hbm4b:s0+s22], $0x80, s6, s22, $0xb8;
	[tilespmem:$0x1F800] =	vst v63  }
0x59: {  	_ =	swait.ge [sflag:s26], $0x2800  }
0x5a: {  	[sflag:s26] =	ssyncset.done $0x0  }
0x5b: {  	s7 =	simm.s32 $0x2080;
	[sflag:s26] =	ssyncadd.s32 $0xFFFFD800  }
0x5c: {  	[spmem:s3] =	stream.indirect.scatter.add.f32 [tilespmem:s24], [sflag:$0x3], $0x80, s7, s22, $0xb8;
	[tilespmem:$0x1F800] =	vst v63  }
0x5d: {  	_ =	swait.ge [sflag:s20], $0x2800  }
0x5e: {  	s31 =	simm.s32 $0x100;
	s1 =	simm.s32 $0x800;
	[sflag:s20] =	ssyncset.done $0x0  }
.LBB2_4:
0x5f: {  	s2 =	sadd.s32 $0x80, s31  }
0x60: {  	[sflag:s20] =	ssyncadd.s32 $0xFFFFD800;
	s6 =	smov.u32 s1;
	s7 =	sadd.s32 $0x400, s1  }
0x61: {  	[tilespmem:s24], [sflag:$0x2] =	stream.indirect.gather [hbm4b:s0+s22], $0x80, s2, s22, $0xb8;
	[tilespmem:$0x1F800] =	vst v63  }
0x62: {  	p0 =	sne.s32 s1, $0x7800;
	_ =	swait.ge [sflag:s25], $0x2800  }
0x63: {  	[sflag:s25] =	ssyncset.done $0x0  }
0x64: {  	s1 =	sadd.s32 $0x2000, s31;
	[sflag:s25] =	ssyncadd.s32 $0xFFFFD800  }
0x65: {  	[spmem:s3] =	stream.indirect.scatter.add.f32 [tilespmem:s23], [sflag:$0x3], $0x80, s1, s22, $0xb8;
	[tilespmem:$0x1F800] =	vst v63  }
0x66: {  	_ =	swait.ge [sflag:s20], $0x2800  }
0x67: {  	[sflag:s20] =	ssyncset.done $0x0  }
0x68: {  	s1 =	sadd.s32 $0x100, s31;
	[sflag:s20] =	ssyncadd.s32 $0xFFFFD800  }
0x69: {  	[tilespmem:s23], [sflag:$0x1] =	stream.indirect.gather [hbm4b:s0+s22], $0x80, s1, s22, $0xb8;
	[tilespmem:$0x1F800] =	vst v63  }
0x6a: {  	_ =	swait.ge [sflag:s26], $0x2800  }
.Ltmp1:
0x6b: {  	[sflag:s26] =	ssyncset.done $0x0;
	(pc) =	sbr.rel @p0 .LBB2_4-.Ltmp1, $4  }
0x6c: {  	s1 =	sadd.s32 $0x2080, s31;
	[sflag:s26] =	ssyncadd.s32 $0xFFFFD800  }
0x6d: {  	[spmem:s3] =	stream.indirect.scatter.add.f32 [tilespmem:s24], [sflag:$0x3], $0x80, s1, s22, $0xb8;
	[tilespmem:$0x1F800] =	vst v63  }
0x6e: {  	_ =	swait.ge [sflag:s20], $0x2800  }
0x6f: {  	s31 =	sshra.s32 s6, $0x2;
	s1 =	smov.u32 s7;
	[sflag:s20] =	ssyncset.done $0x0  }
0x70: {  	s1 =	sadd.s32 $0x80, s31;
	[sflag:s20] =	ssyncadd.s32 $0xFFFFD800  }
0x71: {  	[tilespmem:s24], [sflag:$0x2] =	stream.indirect.gather [hbm4b:s0+s22], $0x80, s1, s22, $0xb8;
	[tilespmem:$0x1F800] =	vst v63  }
0x72: {  	_ =	swait.ge [sflag:s25], $0x2800  }
0x73: {  	[sflag:s25] =	ssyncset.done $0x0  }
0x74: {  	s6 =	sadd.s32 $0x2000, s31;
	[sflag:s25] =	ssyncadd.s32 $0xFFFFD800  }
0x75: {  	[spmem:s3] =	stream.indirect.scatter.add.f32 [tilespmem:s23], [sflag:$0x3], $0x80, s6, s22, $0xb8;
	[tilespmem:$0x1F800] =	vst v63  }
0x76: {  	_ =	swait.ge [sflag:s20], $0x2800  }
0x77: {  	[sflag:s20] =	ssyncset.done $0x0  }
0x78: {  	s7 =	sadd.s32 $0x100, s31;
	[sflag:s20] =	ssyncadd.s32 $0xFFFFD800  }
0x79: {  	[tilespmem:s23], [sflag:$0x1] =	stream.indirect.gather [hbm4b:s0+s22], $0x80, s7, s22, $0xb8;
	[tilespmem:$0x1F800] =	vst v63  }
0x7a: {  	_ =	swait.ge [sflag:s26], $0x2800  }
0x7b: {  	[sflag:s26] =	ssyncset.done $0x0  }
0x7c: {  	s2 =	sadd.s32 $0x2080, s31;
	[sflag:s26] =	ssyncadd.s32 $0xFFFFD800  }
0x7d: {  	[spmem:s3] =	stream.indirect.scatter.add.f32 [tilespmem:s24], [sflag:$0x3], $0x80, s2, s22, $0xb8;
	[tilespmem:$0x1F800] =	vst v63  }
0x7e: {  	_ =	swait.ge [sflag:s20], $0x2800  }
0x7f: {  	[sflag:s20] =	ssyncset.done $0x0  }
0x80: {  	[sflag:s20] =	ssyncadd.s32 $0xFFFFD800  }
0x81: {  	[tilespmem:s24], [sflag:$0x2] =	stream.indirect.gather [hbm4b:s0+s22], $0x80, s28, s22, $0xb8;
	[tilespmem:$0x1F800] =	vst v63  }
0x82: {  	_ =	swait.ge [sflag:s25], $0x2800  }
0x83: {  	[sflag:s25] =	ssyncset.done $0x0  }
0x84: {  	[sflag:s25] =	ssyncadd.s32 $0xFFFFD800  }
0x85: {  	[spmem:s3] =	stream.indirect.scatter.add.f32 [tilespmem:s23], [sflag:$0x3], $0x80, s29, s22, $0xb8;
	[tilespmem:$0x1F800] =	vst v63  }
0x86: {  	_ =	swait.ge [sflag:s20], $0x2800  }
0x87: {  	[sflag:s20] =	ssyncset.done $0x0  }
0x88: {  	[sflag:s20] =	ssyncadd.s32 $0xFFFFD800  }
0x89: {  	_ =	swait.ge [sflag:s26], $0x2800  }
0x8a: {  	[sflag:s26] =	ssyncset.done $0x0  }
0x8b: {  	[sflag:s26] =	ssyncadd.s32 $0xFFFFD800  }
0x8c: {  	[spmem:s3] =	stream.indirect.scatter.add.f32 [tilespmem:s24], [sflag:$0x3], $0x80, s30, s22, $0xb8;
	[tilespmem:$0x1F800] =	vst v63  }
0x8d: {  	_ =	swait.ge [sflag:s20], $0x2800  }
0x8e: {  	[sflag:s20] =	ssyncset.done $0x0  }
0x8f: {  	s6 =	simm.s32 $0x0;
	[sflag:s20] =	ssyncadd.s32 $0xFFFFD800  }
0x90: {  	[tilespmem:s6], [sflag:$0x3] =	stream.linear.gather [hbm4b:s15+s6], $0x2000, $0x38;
	[tilespmem:$0x1F800] =	vst v63  }
0x91: {  	_ =	swait.ge [sflag:s20], $0x2000  }
0x92: {  	[sflag:s20] =	ssyncset.done $0x0  }
0x93: {  	[sflag:s20] =	ssyncadd.s32 $0xFFFFE000  }
0x94: {  	[tilespmem:s21], [sflag:$0x3] =	stream.linear.gather [hbm4b:s16+s6], $0x2000, $0x38;
	[tilespmem:$0x1F800] =	vst v63  }
0x95: {  	_ =	swait.ge [sflag:s20], $0x2000  }
0x96: {  	[sflag:s20] =	ssyncset.done $0x0  }
0x97: {  	[sflag:s20] =	ssyncadd.s32 $0xFFFFE000  }
0x98: {  	[tilespmem:s23], [sflag:$0x1] =	stream.indirect.gather [hbm4b:s0+s22], $0x80, s6, s22, $0xb8;
	[tilespmem:$0x1F800] =	vst v63  }
0x99: {  	s7 =	simm.s32 $0x80  }
0x9a: {  	[tilespmem:s24], [sflag:$0x2] =	stream.indirect.gather [hbm4b:s0+s22], $0x80, s7, s22, $0xb8;
	[tilespmem:$0x1F800] =	vst v63  }
0x9b: {  	_ =	swait.ge [sflag:s25], $0x2800  }
0x9c: {  	[sflag:s25] =	ssyncset.done $0x0  }
0x9d: {  	s2 =	simm.s32 $0x2000;
	[sflag:s25] =	ssyncadd.s32 $0xFFFFD800  }
0x9e: {  	[spmem:s3] =	stream.indirect.scatter.add.f32 [tilespmem:s23], [sflag:$0x3], $0x80, s2, s22, $0xb8;
	[tilespmem:$0x1F800] =	vst v63  }
0x9f: {  	_ =	swait.ge [sflag:s20], $0x2800  }
0xa0: {  	[sflag:s20] =	ssyncset.done $0x0  }
0xa1: {  	s6 =	simm.s32 $0x100;
	[sflag:s20] =	ssyncadd.s32 $0xFFFFD800  }
0xa2: {  	[tilespmem:s23], [sflag:$0x1] =	stream.indirect.gather [hbm4b:s0+s22], $0x80, s6, s22, $0xb8;
	[tilespmem:$0x1F800] =	vst v63  }
0xa3: {  	_ =	swait.ge [sflag:s26], $0x2800  }
0xa4: {  	[sflag:s26] =	ssyncset.done $0x0  }
0xa5: {  	s7 =	simm.s32 $0x2080;
	[sflag:s26] =	ssyncadd.s32 $0xFFFFD800  }
0xa6: {  	[spmem:s3] =	stream.indirect.scatter.add.f32 [tilespmem:s24], [sflag:$0x3], $0x80, s7, s22, $0xb8;
	[tilespmem:$0x1F800] =	vst v63  }
0xa7: {  	_ =	swait.ge [sflag:s20], $0x2800  }
0xa8: {  	s31 =	simm.s32 $0x100;
	s1 =	simm.s32 $0x800;
	[sflag:s20] =	ssyncset.done $0x0  }
.LBB2_6:
0xa9: {  	s2 =	sadd.s32 $0x80, s31  }
0xaa: {  	[sflag:s20] =	ssyncadd.s32 $0xFFFFD800;
	s6 =	smov.u32 s1;
	s7 =	sadd.s32 $0x400, s1  }
0xab: {  	[tilespmem:s24], [sflag:$0x2] =	stream.indirect.gather [hbm4b:s0+s22], $0x80, s2, s22, $0xb8;
	[tilespmem:$0x1F800] =	vst v63  }
0xac: {  	p0 =	sne.s32 s1, $0x7800;
	_ =	swait.ge [sflag:s25], $0x2800  }
0xad: {  	[sflag:s25] =	ssyncset.done $0x0  }
0xae: {  	s1 =	sadd.s32 $0x2000, s31;
	[sflag:s25] =	ssyncadd.s32 $0xFFFFD800  }
0xaf: {  	[spmem:s3] =	stream.indirect.scatter.add.f32 [tilespmem:s23], [sflag:$0x3], $0x80, s1, s22, $0xb8;
	[tilespmem:$0x1F800] =	vst v63  }
0xb0: {  	_ =	swait.ge [sflag:s20], $0x2800  }
0xb1: {  	[sflag:s20] =	ssyncset.done $0x0  }
0xb2: {  	s1 =	sadd.s32 $0x100, s31;
	[sflag:s20] =	ssyncadd.s32 $0xFFFFD800  }
0xb3: {  	[tilespmem:s23], [sflag:$0x1] =	stream.indirect.gather [hbm4b:s0+s22], $0x80, s1, s22, $0xb8;
	[tilespmem:$0x1F800] =	vst v63  }
0xb4: {  	_ =	swait.ge [sflag:s26], $0x2800  }
.Ltmp2:
0xb5: {  	[sflag:s26] =	ssyncset.done $0x0;
	(pc) =	sbr.rel @p0 .LBB2_6-.Ltmp2, $4  }
0xb6: {  	s1 =	sadd.s32 $0x2080, s31;
	[sflag:s26] =	ssyncadd.s32 $0xFFFFD800  }
0xb7: {  	[spmem:s3] =	stream.indirect.scatter.add.f32 [tilespmem:s24], [sflag:$0x3], $0x80, s1, s22, $0xb8;
	[tilespmem:$0x1F800] =	vst v63  }
0xb8: {  	_ =	swait.ge [sflag:s20], $0x2800  }
0xb9: {  	s31 =	sshra.s32 s6, $0x2;
	s1 =	smov.u32 s7;
	[sflag:s20] =	ssyncset.done $0x0  }
0xba: {  	s1 =	sadd.s32 $0x80, s31;
	[sflag:s20] =	ssyncadd.s32 $0xFFFFD800  }
0xbb: {  	[tilespmem:s24], [sflag:$0x2] =	stream.indirect.gather [hbm4b:s0+s22], $0x80, s1, s22, $0xb8;
	[tilespmem:$0x1F800] =	vst v63  }
0xbc: {  	_ =	swait.ge [sflag:s25], $0x2800  }
0xbd: {  	[sflag:s25] =	ssyncset.done $0x0  }
0xbe: {  	s2 =	sadd.s32 $0x2000, s31;
	[sflag:s25] =	ssyncadd.s32 $0xFFFFD800  }
0xbf: {  	[spmem:s3] =	stream.indirect.scatter.add.f32 [tilespmem:s23], [sflag:$0x3], $0x80, s2, s22, $0xb8;
	[tilespmem:$0x1F800] =	vst v63  }
0xc0: {  	_ =	swait.ge [sflag:s20], $0x2800  }
0xc1: {  	[sflag:s20] =	ssyncset.done $0x0  }
0xc2: {  	s6 =	sadd.s32 $0x100, s31;
	[sflag:s20] =	ssyncadd.s32 $0xFFFFD800  }
0xc3: {  	[tilespmem:s23], [sflag:$0x1] =	stream.indirect.gather [hbm4b:s0+s22], $0x80, s6, s22, $0xb8;
	[tilespmem:$0x1F800] =	vst v63  }
0xc4: {  	_ =	swait.ge [sflag:s26], $0x2800  }
0xc5: {  	[sflag:s26] =	ssyncset.done $0x0  }
0xc6: {  	s7 =	sadd.s32 $0x2080, s31;
	[sflag:s26] =	ssyncadd.s32 $0xFFFFD800  }
0xc7: {  	[spmem:s3] =	stream.indirect.scatter.add.f32 [tilespmem:s24], [sflag:$0x3], $0x80, s7, s22, $0xb8;
	[tilespmem:$0x1F800] =	vst v63  }
0xc8: {  	_ =	swait.ge [sflag:s20], $0x2800  }
0xc9: {  	[sflag:s20] =	ssyncset.done $0x0  }
0xca: {  	[sflag:s20] =	ssyncadd.s32 $0xFFFFD800  }
0xcb: {  	[tilespmem:s24], [sflag:$0x2] =	stream.indirect.gather [hbm4b:s0+s22], $0x80, s28, s22, $0xb8;
	[tilespmem:$0x1F800] =	vst v63  }
0xcc: {  	_ =	swait.ge [sflag:s25], $0x2800  }
0xcd: {  	[sflag:s25] =	ssyncset.done $0x0  }
0xce: {  	[sflag:s25] =	ssyncadd.s32 $0xFFFFD800  }
0xcf: {  	[spmem:s3] =	stream.indirect.scatter.add.f32 [tilespmem:s23], [sflag:$0x3], $0x80, s29, s22, $0xb8;
	[tilespmem:$0x1F800] =	vst v63  }
0xd0: {  	_ =	swait.ge [sflag:s20], $0x2800  }
0xd1: {  	[sflag:s20] =	ssyncset.done $0x0  }
0xd2: {  	[sflag:s20] =	ssyncadd.s32 $0xFFFFD800  }
0xd3: {  	_ =	swait.ge [sflag:s26], $0x2800  }
0xd4: {  	[sflag:s26] =	ssyncset.done $0x0  }
0xd5: {  	[sflag:s26] =	ssyncadd.s32 $0xFFFFD800  }
0xd6: {  	[spmem:s3] =	stream.indirect.scatter.add.f32 [tilespmem:s24], [sflag:$0x3], $0x80, s30, s22, $0xb8;
	[tilespmem:$0x1F800] =	vst v63  }
0xd7: {  	s31 =	stileid.u32;
	_ =	swait.ge [sflag:s20], $0x2800  }
0xd8: {  	s4 =	sadd.s32 $0x1, s4;
	s1 =	sshll.u32 s31, $0x6;
	[sflag:s20] =	ssyncset.done $0x0  }
0xd9: {  	p0 =	sne.s32 s4, s18;
	s1 =	sor.u32 $0x1C03, s1;
	[sflag:s20] =	ssyncadd.s32 $0xFFFFD800  }
.Ltmp3:
0xda: {  	s2 =	sshrl.u32 s5, $0x3;
	[bflag:$0x0] =	sbarrier.arrive $0xFFFF;
	(pc) =	sbr.rel @p0 .LBB2_1-.Ltmp3, $4  }
0xdb: {  	[hbm:s17], [sflag:s1] =	dma.local [spmem:s2], $0x2800  }
0xdc: {  	_ =	swait.ge [sflag:s20], $0x2800  }
0xdd: {  	[sflag:s20] =	ssyncset.done $0x0  }
0xde: {  	[sflag:s20] =	ssyncadd.s32 $0xFFFFD800  }
0xdf: {  	_ =	sfence.sel $0x180000  }
0xe0: {  	[bflag:$0x0] =	sbarrier.arrive $0xFFFF  }
0xe1: {  	_ =	strace $0x90000047  }
0xe2: {  	s0 =	stileid.u32;
	[bflag:$0x2] =	sbarrier.arrive $0xFFFF  }
0xe3: {  	p0 =	sne.s32 s0, $0x0;
	s0 =	rddreg [dreg:$0x3]  }
0xe4: {  	s0 =	sadd.s32 @!p0 $0x100000, s0  }
0xe5: {  	[sflag:s0] =	ssyncadd.tile.s32 @!p0 $0x1;
	_ =	shalt  }
.Lfunc_end2:
_tile_overlayer_lowered:
.L_overlay_start_2:
0xe6: {  	(tag) =	ssettag $0x2  }
0xe7: {  	s0 =	rddreg [dreg:$0x0];
	s2 =	stileid.u32  }
0xe8: {  	s1 =	rddreg [dreg:$0x1];
	p0 =	sne.s32 s2, $0x0  }
0xe9: {  	s3 =	rddreg [dreg:$0x2];
	[bflag:$0x3] =	sbarrier.arrive $0xFFFF;
	s2 =	simm.s32 @!p0 $0x1C03  }
0xea: {  	[timem:s3], [sflag:s2] =	dma.local @!p0 [hbm:s0], s1  }
0xeb: {  	s0 =	simm.s32 @!p0 $0x3  }
0xec: {  	_ =	swait.ge @!p0 [sflag:s0], s1  }
0xed: {  	s1 =	ssub.s32 @!p0 $0x0, s1;
	[sflag:s0] =	ssyncset.done @!p0 $0x0  }
0xee: {  	[sflag:s0] =	ssyncadd.s32 @!p0 s1  }
0xef: {  	[bflag:$0x3] =	sbarrier.arrive $0xFFFF  }
0xf0: {  	_ =	shalt  }

// kernel: kernel.14.cloned.1.call-start
scs
__scs_entry_jumppad:
0x0: {  	(pc) =	sbr.rel $0x88, $3  }
0x1: {  	(tag) =	ssettag $0x0;
	lr =	simm.s32 $0x1  }
0x2: {  	[smem:$0x3F99] =	sst lr;
	_ =	strace $0xD0000000  }
0x3: {  	_ = 	snop  }
0x4: {  	_ = 	snop  }
0x5: {  	_ = 	snop  }
0x6: {  	_ = 	snop  }
0x7: {  	_ = 	snop  }
__scs_overlays_trampoline_lowered:
0x8: {  	[smem:$0x3FA8] =	sst s0  }
0x9: {  	[smem:$0x3FA9] =	sst s1  }
0xa: {  	[smem:$0x3FAA] =	sst s2  }
0xb: {  	[smem:$0x3FAB] =	sst s3  }
0xc: {  	[smem:$0x3FAC] =	sst s4  }
0xd: {  	[smem:$0x3FAD] =	sst s5  }
0xe: {  	[smem:$0x3FAE] =	sst s6  }
0xf: {  	[smem:$0x3FAF] =	sst s7  }
0x10: {  	[smem:$0x3FB0] =	sst s8  }
0x11: {  	[smem:$0x3FB1] =	sst s9;
	s0 =	simm.s32 @!p0 $0x0  }
0x12: {  	s1 =	sld [smem:$0x3F97];
	s0 =	simm.s32 @p0 $0x1  }
0x13: {  	[smem:$0x3FB2] =	sst s0;
	s0 =	simm.s32 @!p1 $0x0  }
0x14: {  	s2 =	sld [smem:$0x3F96];
	s0 =	simm.s32 @p1 $0x1  }
0x15: {  	[smem:$0x3FB3] =	sst s0;
	s0 =	simm.s32 @!p2 $0x0  }
0x16: {  	s3 =	sld [smem:$0x3FDB];
	s0 =	simm.s32 @p2 $0x1  }
0x17: {  	s4 =	simm.s32 $0x1BF5;
	[smem:$0x3FB5] =	sst s0  }
0x18: {  	s0 =	sld [smem:$0x3F98];
	_ =	swait.ge [sflag:s4], $0x0  }
0x19: {  	s7 =	sld [smem:$0x3F99]  }
0x1a: {  	s8 =	sadd.s32 $0xFFFFE003, lr  }
0x1b: {  	s9 =	sadd.s32 $0xFFFFFEF7, lr;
	s5 =	simm.s32 $0xFFFFFFFF;
	p2 =	slt.u32 s8, $0xFFFFF086  }
0x1c: {  	p1 =	slt.u32 s9, $0xF7A;
	s5 =	simm.s32 @!p2 $0x0  }
0x1d: {  	s5 =	simm.s32 @p1 $0x1;
	p0 =	seq.s32 s7, s2  }
0x1e: {  	s7 =	smul.u32 @!p0 $0xF7A, s2;
	p2 =	seq.s32 @!p0 s5, $0x0  }
0x1f: {  	s9 =	smul.u32 $0xF7A, s1;
	s8 =	simm.s32 @!p0 $0x1BF5;
	p2 =	por !p2, p0  }
0x20: {  	[sflag:s8] =	ssyncset.s32 @!p0 $0xFFFFF086;
	s6 =	sadd.s32 @!p0 s3, s7;
	s7 =	simm.s32 @!p0 $0x108  }
0x21: {  	s3 =	sadd.s32 s3, s9;
	s6 =	sadd.s32 @!p0 $0x88, s6;
	s7 =	simm.s32 @p2 $0x1082  }
0x22: {  	[simem:s7], [sflag:s8] =	dma.local @!p0 [hbm:s6], $0xF7A  }
0x23: {  	s9 =	sor.u32 $0xD0000000, s2;
	s6 =	simm.s32 $0x108;
	_ =	swait.ge @!p0 [sflag:s8], $0x0  }
0x24: {  	s3 =	sadd.s32 $0x88, s3;
	s6 =	simm.s32 @!p1 $0x1082;
	[sflag:s4] =	ssyncset.s32 $0xFFFFF086  }
0x25: {  	[simem:s6], [sflag:s4] =	dma.local [hbm:s3], $0xF7A  }
0x26: {  	[smem:$0x3F99] =	sst s1;
	(tag) =	ssettag s2;
	_ =	strace s9  }
0x27: {  	s1 =	sld [smem:$0x3FA9]  }
0x28: {  	s2 =	sld [smem:$0x3FAA]  }
0x29: {  	s4 =	sld [smem:$0x3FAC]  }
0x2a: {  	p0 =	seq.s32 s5, $0x0;
	s5 =	sld [smem:$0x3FAD]  }
0x2b: {  	s6 =	sld [smem:$0x3FAE]  }
0x2c: {  	s7 =	sld [smem:$0x3FAF]  }
0x2d: {  	s3 =	simm.s32 $0x108;
	s8 =	sld [smem:$0x3FB0]  }
0x2e: {  	s3 =	simm.s32 @!p0 $0x1082;
	s9 =	sld [smem:$0x3FB1]  }
0x2f: {  	lr =	sadd.s32 s0, s3;
	s0 =	sld [smem:$0x3FA8]  }
0x30: {  	s3 =	sld [smem:$0x3FAB]  }
0x31: {  	[smem:$0x3FB4] =	sst s10  }
0x32: {  	s10 =	sld [smem:$0x3FB2];
	_ =	sdelay $0x3  }
0x33: {  	p0 =	seq.s32 s10, $0x1;
	s10 =	sld [smem:$0x3FB4];
	_ =	sdelay $0x3  }
0x34: {  	[smem:$0x3FB4] =	sst s10  }
0x35: {  	s10 =	sld [smem:$0x3FB3];
	_ =	sdelay $0x3  }
0x36: {  	p1 =	seq.s32 s10, $0x1;
	s10 =	sld [smem:$0x3FB4];
	_ =	sdelay $0x3  }
0x37: {  	[smem:$0x3FB4] =	sst s10  }
0x38: {  	s10 =	sld [smem:$0x3FB5]  }
0x39: {  	_ = 	snop;
	(pc) =	sbr.ind lr, $3  }
0x3a: {  	_ = 	snop  }
0x3b: {  	_ = 	snop  }
0x3c: {  	p2 =	seq.s32 s10, $0x1;
	s10 =	sld [smem:$0x3FB4]  }
0x3d: {  	_ =	shalt  }
0x3e: {  	_ =	shalt  }
0x3f: {  	_ =	shalt  }
0x40: {  	_ =	shalt  }
0x41: {  	_ =	shalt  }
0x42: {  	_ =	shalt  }
0x43: {  	_ =	shalt  }
0x44: {  	_ =	shalt  }
0x45: {  	_ =	shalt  }
0x46: {  	_ =	shalt  }
0x47: {  	_ =	shalt  }
0x48: {  	_ =	shalt  }
0x49: {  	_ =	shalt  }
0x4a: {  	_ =	shalt  }
0x4b: {  	_ =	shalt  }
0x4c: {  	_ =	shalt  }
0x4d: {  	_ =	shalt  }
0x4e: {  	_ =	shalt  }
0x4f: {  	_ =	shalt  }
0x50: {  	_ =	shalt  }
0x51: {  	_ =	shalt  }
0x52: {  	_ =	shalt  }
0x53: {  	_ =	shalt  }
0x54: {  	_ =	shalt  }
0x55: {  	_ =	shalt  }
0x56: {  	_ =	shalt  }
0x57: {  	_ =	shalt  }
0x58: {  	_ =	shalt  }
0x59: {  	_ =	shalt  }
0x5a: {  	_ =	shalt  }
0x5b: {  	_ =	shalt  }
0x5c: {  	_ =	shalt  }
0x5d: {  	_ =	shalt  }
0x5e: {  	_ =	shalt  }
0x5f: {  	_ =	shalt  }
0x60: {  	_ =	shalt  }
0x61: {  	_ =	shalt  }
0x62: {  	_ =	shalt  }
0x63: {  	_ =	shalt  }
0x64: {  	_ =	shalt  }
0x65: {  	_ =	shalt  }
0x66: {  	_ =	shalt  }
0x67: {  	_ =	shalt  }
0x68: {  	_ =	shalt  }
0x69: {  	_ =	shalt  }
0x6a: {  	_ =	shalt  }
0x6b: {  	_ =	shalt  }
0x6c: {  	_ =	shalt  }
0x6d: {  	_ =	shalt  }
0x6e: {  	_ =	shalt  }
0x6f: {  	_ =	shalt  }
0x70: {  	_ =	shalt  }
0x71: {  	_ =	shalt  }
0x72: {  	_ =	shalt  }
0x73: {  	_ =	shalt  }
0x74: {  	_ =	shalt  }
0x75: {  	_ =	shalt  }
0x76: {  	_ =	shalt  }
0x77: {  	_ =	shalt  }
0x78: {  	_ =	shalt  }
0x79: {  	_ =	shalt  }
0x7a: {  	_ =	shalt  }
0x7b: {  	_ =	shalt  }
0x7c: {  	_ =	shalt  }
0x7d: {  	_ =	shalt  }
0x7e: {  	_ =	shalt  }
0x7f: {  	_ =	shalt  }
0x80: {  	_ =	shalt  }
0x81: {  	_ =	shalt  }
0x82: {  	_ =	shalt  }
0x83: {  	_ =	shalt  }
0x84: {  	_ =	shalt  }
0x85: {  	_ =	shalt  }
0x86: {  	_ =	shalt  }
0x87: {  	_ =	shalt  }
.Lfunc_end0:
.L_simem_size_0:
called_computation.2_lowered:
.L_overlay_start_0:
0x88: {  	s2 =	sld [smem:$0x3FD9]  }
0x89: {  	s3 =	sld [smem:$0x3FFE];
	_ =	sdelay $0x1  }
0x8a: {  	s1 =	srdreg.scid  }
0x8b: {  	s0 =	sand.u32 $0x1, s1  }
0x8c: {  	s17 =	sshll.u32 s0, $0xA;
	s2 =	sadd.s32 s3, s2  }
0x8d: {  	s2 =	sadd.s32 s2, s17  }
0x8e: {  	[smem:$0x3FC0] =	sst s2  }
0x8f: {  	_ = 	snop  }
0x90: {  	s2 =	sld [smem:$0x3FD0];
	(tm) =	ssettm $0x1  }
0x91: {  	s18 =	sld [smem:$0x3FFB];
	_ =	sdelay $0x3  }
0x92: {  	_ =	strace s18  }
0x93: {  	s3 =	sld [smem:$0x3FFC];
	_ =	sdelay $0x3  }
0x94: {  	_ =	strace s3  }
0x95: {  	s3 =	sld [smem:$0x3FFD];
	_ =	sdelay $0x3  }
0x96: {  	_ =	strace s3  }
0x97: {  	_ =	strace $0x8FFFFFFF  }
0x98: {  	s19 =	sld [smem:$0x3FDB];
	_ =	sdelay $0x1  }
0x99: {  	s4 =	simm.s32 $_scs_section_size  }
0x9a: {  	s5 =	simm.s32 $_size__tile_overlayer_lowered;
	s6 =	simm.s32 $_tile_overlayer_lowered  }
0x9b: {  	s22 =	simm.s32 $0x1BFF;
	s21 =	sshll.u32 s6, $0x1;
	s3 =	sadd.s32 s4, s19  }
0x9c: {  	s7 =	simm.s32 $0x0;
	s20 =	sshll.u32 s5, $0x1;
	s5 =	sadd.s32 s21, s3  }
0x9d: {  	[timem:s7], [sflag:s22] =	dma.local [hbm:s5], s20  }
0x9e: {  	_ =	swait.ge [sflag:s22], s20  }
0x9f: {  	s4 =	ssub.s32 $0x0, s20;
	[sflag:s22] =	ssyncset.done $0x0  }
0xa0: {  	[sflag:s22] =	ssyncadd.s32 s4;
	_ =	sdelay $0x1  }
0xa1: {  	s23 =	simm.s32 $0x1B8B  }
0xa2: {  	_ =	swait.ge [sflag:s23], $0x1  }
0xa3: {  	[sflag:s23] =	ssyncset.done $0x0  }
0xa4: {  	s25 =	simm.s32 $0x1B8E;
	s24 =	sld [smem:$0x3FFE];
	[sflag:s23] =	ssyncadd.s32 $0xFFFFFFFF  }
0xa5: {  	s26 =	simm.s32 $execute0_lowered;
	[smem:$0x3FD2] =	sst s25  }
0xa6: {  	s5 =	sshll.u32 s26, $0x1;
	_ =	strace $0x8000004C;
	[dreg:$0x1] =	wrdreg $0xFFFFFFFF  }
0xa7: {  	s28 =	simm.s32 $_size_execute0_lowered;
	s3 =	sadd.s32 s3, s5;
	[dreg:$0x0] =	wrdreg $0x0  }
0xa8: {  	s5 =	sshll.u32 s28, $0x1;
	[dreg:$0x2] =	wrdreg s3  }
0xa9: {  	[dreg:$0x3] =	wrdreg s5  }
0xaa: {  	[dreg:$0x4] =	wrdreg $0xC0  }
0xab: {  	_ =	task [dreg:s7], $0x5FFFF  }
0xac: {  	[dreg:$0x1] =	wrdreg $0xFFFFFFFF  }
0xad: {  	[dreg:$0x0] =	wrdreg $0x60  }
0xae: {  	[dreg:$0x2] =	wrdreg s2  }
0xaf: {  	[dreg:$0x3] =	wrdreg s24  }
0xb0: {  	[dreg:$0x4] =	wrdreg $0xB8000  }
0xb1: {  	[dreg:$0x5] =	wrdreg $0x9  }
0xb2: {  	_ =	task.clear_ibuf [dreg:s7], $0x6FFFF;
	_ =	strace $0x9000004C  }
0xb3: {  	s29 =	simm.s32 $0x9;
	_ =	strace $0x8000004E  }
0xb4: {  	_ =	swait.ge [sflag:s29], $0x1  }
0xb5: {  	[sflag:s29] =	ssyncadd.s32 $0xFFFFFFFF  }
0xb6: {  	_ =	strace $0x9000004E  }
0xb7: {  	_ =	sfence  }
0xb8: {  	s30 =	sld [smem:$0x0];
	_ =	sdelay $0x2  }
0xb9: {  	s31 =	sshll.u32 s1, $0xD;
	s1 =	sshrl.u32 s1, $0x2  }
0xba: {  	s3 =	sand.u32 $0x4000, s31;
	s1 =	sadd.s32 s1, s30  }
0xbb: {  	s0 =	sor.u32 s3, s0;
	s1 =	sshll.u32 s1, $0x11  }
0xbc: {  	s0 =	sor.u32 s1, s0  }
0xbd: {  	s0 =	sadd.s32 $0x8F2B, s0  }
0xbe: {  	[sflag:s0] =	ssyncadd.remote.s32 $0x1  }
0xbf: {  	_ =	sfence.sel $0xFFFF  }
0xc0: {  	[dreg:$0x0] =	wrdreg $0xFFFFFFFF;
	(pc) =	sbr.abs _section_cstart, $3  }
0xc1: {  	[dreg:$0x1] =	wrdreg $0xFFFFFFFF  }
0xc2: {  	_ =	task.clear_ibuf [dreg:s7], $0x2FFFF;
	_ =	strace $0x9FFFFFFF  }
0xc3: {  	(tm) =	ssettm $0x7FFFFFFF  }
tec
execute0_lowered:
.L_overlay_start_1:
0x0: {  	(tag) =	ssettag $0x1  }
0x1: {  	s0 =	rddreg [dreg:$0x0]  }
0x2: {  	s1 =	rddreg [dreg:$0x1]  }
0x3: {  	s2 =	srdreg.scid;
	s3 =	rddreg [dreg:$0x2]  }
0x4: {  	s24 =	stileid.u32;
	s4 =	simm.s32 $0x0;
	s19 =	simm.s32 $0x9000  }
0x5: {  	s20 =	simm.s32 $0x3;
	s21 =	simm.s32 $0x2000;
	s22 =	simm.s32 $0x50  }
0x6: {  	s23 =	simm.s32 $0x4000;
	s28 =	simm.s32 $0x1F80;
	s29 =	simm.s32 $0x3F00  }
0x7: {  	s30 =	simm.s32 $0x3F80;
	s11 =	sand.u32 $0x1, s2;
	s6 =	smul.u32 $0x14000, s24  }
0x8: {  	[smem:$0x7FF] =	sst s4;
	s7 =	smul.u32 $0x50000, s24;
	s15 =	sadd.s32 $0x2400, s1  }
0x9: {  	s16 =	sadd.s32 $0x12400, s1;
	s14 =	sshll.u32 s24, $0xA;
	s24 =	simm.s32 $0x6800  }
0xa: {  	s5 =	smul.u32 $0x140000, s11;
	_ =	strace $0x8000004D;
	s25 =	ssub.s32 $0x2, s11  }
0xb: {  	s13 =	sshll.u32 s11, $0xE;
	s7 =	sshrl.u32 s7, $0x2;
	s9 =	sshrl.u32 s25, $0x1  }
0xc: {  	s17 =	sor.u32 s14, s13;
	s5 =	sadd.s32 s6, s5;
	s18 =	ssub.s32 s25, s9  }
0xd: {  	s13 =	sadd.s32 s15, s17;
	s14 =	sadd.s32 s16, s17;
	s17 =	sor.u32 $0x8000, s17  }
0xe: {  	s25 =	simm.s32 $0x1;
	s8 =	sshrl.u32 s5, $0x3;
	s5 =	sadd.s32 s7, s3  }
0xf: {  	s15 =	sadd.s32 s15, s17;
	s16 =	sadd.s32 s16, s17;
	s18 =	smax.u32 s18, $0x1  }
0x10: {  	s1 =	sadd.s32 s8, s1;
	s26 =	sadd.s32 $0x2800, s5;
	s31 =	sadd.s32 $0x5000, s5  }
0x11: {  	s8 =	sadd.s32 $0x7800, s5;
	s9 =	sadd.s32 $0xA000, s5;
	s10 =	sadd.s32 $0xC800, s5  }
0x12: {  	s11 =	sadd.s32 $0xF000, s5;
	s12 =	sadd.s32 $0x11800, s5;
	[dreg:$0x4] =	wrdreg s26  }
0x13: {  	v0 =	vimm.f32 $0.0e+00;
	[dreg:$0x5] =	wrdreg s31;
	s17 =	sadd.s32 $0x22400, s1;
	s26 =	simm.s32 $0x2  }
.LBB2_1:
0x14: {  	s31 =	simm.s32 $0x70;
	s1 =	simm.s32 $0x3C0  }
.LBB2_2:
0x15: {  	p0 =	sne.s32 s1, $0x9FC0;
	[tilespmem:s31+$0x9000] =	vst v0  }
0x16: {  	[tilespmem:s31+$0x8F90] =	vst v0  }
0x17: {  	[tilespmem:s31+$0x8FA0] =	vst v0  }
.Ltmp0:
0x18: {  	[tilespmem:s31+$0x8FB0] =	vst v0;
	(pc) =	sbr.rel @p0 .LBB2_2-.Ltmp0, $4  }
0x19: {  	[tilespmem:s31+$0x8FC0] =	vst v0  }
0x1a: {  	[tilespmem:s31+$0x8FD0] =	vst v0  }
0x1b: {  	[tilespmem:s31+$0x8FE0] =	vst v0  }
0x1c: {  	[tilespmem:s31+$0x8FF0] =	vst v0;
	s31 =	sshra.s32 s1, $0x2;
	s1 =	sadd.s32 $0x200, s1  }
0x1d: {  	[tilespmem:s31+$0x9000] =	vst v0  }
0x1e: {  	[tilespmem:s31+$0x8F90] =	vst v0  }
0x1f: {  	[tilespmem:s31+$0x8FA0] =	vst v0  }
0x20: {  	[tilespmem:s31+$0x8FB0] =	vst v0  }
0x21: {  	[tilespmem:s31+$0x8FC0] =	vst v0  }
0x22: {  	[tilespmem:s31+$0x8FD0] =	vst v0  }
0x23: {  	[tilespmem:s31+$0x8FE0] =	vst v0  }
0x24: {  	[tilespmem:s31+$0x8FF0] =	vst v0  }
0x25: {  	[spmem:s5] =	stream.linear.scatter [tilespmem:s19], [sflag:$0x3], $0x2800, $0x38;
	[tilespmem:$0x1F800] =	vst v63  }
0x26: {  	_ =	swait.ge [sflag:s20], $0x2800  }
0x27: {  	[sflag:s20] =	ssyncset.done $0x0  }
0x28: {  	s1 =	rddreg [dreg:$0x4];
	[sflag:s20] =	ssyncadd.s32 $0xFFFFD800  }
0x29: {  	[spmem:s1] =	stream.linear.scatter [tilespmem:s19], [sflag:$0x3], $0x2800, $0x38;
	[tilespmem:$0x1F800] =	vst v63  }
0x2a: {  	_ =	swait.ge [sflag:s20], $0x2800  }
0x2b: {  	[sflag:s20] =	ssyncset.done $0x0  }
0x2c: {  	s2 =	rddreg [dreg:$0x5];
	[sflag:s20] =	ssyncadd.s32 $0xFFFFD800  }
0x2d: {  	[spmem:s2] =	stream.linear.scatter [tilespmem:s19], [sflag:$0x3], $0x2800, $0x38;
	[tilespmem:$0x1F800] =	vst v63  }
0x2e: {  	_ =	swait.ge [sflag:s20], $0x2800  }
0x2f: {  	[sflag:s20] =	ssyncset.done $0x0  }
0x30: {  	[sflag:s20] =	ssyncadd.s32 $0xFFFFD800  }
0x31: {  	[spmem:s8] =	stream.linear.scatter [tilespmem:s19], [sflag:$0x3], $0x2800, $0x38;
	[tilespmem:$0x1F800] =	vst v63  }
0x32: {  	_ =	swait.ge [sflag:s20], $0x2800  }
0x33: {  	[sflag:s20] =	ssyncset.done $0x0  }
0x34: {  	[sflag:s20] =	ssyncadd.s32 $0xFFFFD800  }
0x35: {  	[spmem:s9] =	stream.linear.scatter [tilespmem:s19], [sflag:$0x3], $0x2800, $0x38;
	[tilespmem:$0x1F800] =	vst v63  }
0x36: {  	_ =	swait.ge [sflag:s20], $0x2800  }
0x37: {  	[sflag:s20] =	ssyncset.done $0x0  }
0x38: {  	[sflag:s20] =	ssyncadd.s32 $0xFFFFD800  }
0x39: {  	[spmem:s10] =	stream.linear.scatter [tilespmem:s19], [sflag:$0x3], $0x2800, $0x38;
	[tilespmem:$0x1F800] =	vst v63  }
0x3a: {  	_ =	swait.ge [sflag:s20], $0x2800  }
0x3b: {  	[sflag:s20] =	ssyncset.done $0x0  }
0x3c: {  	[sflag:s20] =	ssyncadd.s32 $0xFFFFD800  }
0x3d: {  	[spmem:s11] =	stream.linear.scatter [tilespmem:s19], [sflag:$0x3], $0x2800, $0x38;
	[tilespmem:$0x1F800] =	vst v63  }
0x3e: {  	_ =	swait.ge [sflag:s20], $0x2800  }
0x3f: {  	[sflag:s20] =	ssyncset.done $0x0  }
0x40: {  	[sflag:s20] =	ssyncadd.s32 $0xFFFFD800  }
0x41: {  	[spmem:s12] =	stream.linear.scatter [tilespmem:s19], [sflag:$0x3], $0x2800, $0x38;
	[tilespmem:$0x1F800] =	vst v63  }
0x42: {  	_ =	swait.ge [sflag:s20], $0x2800  }
0x43: {  	[sflag:s20] =	ssyncset.done $0x0  }
0x44: {  	[sflag:s20] =	ssyncadd.s32 $0xFFFFD800  }
0x45: {  	s6 =	simm.s32 $0x0;
	[bflag:$0x0] =	sbarrier.arrive $0xFFFF  }
0x46: {  	[tilespmem:s6], [sflag:$0x3] =	stream.linear.gather [hbm4b:s13+s6], $0x2000, $0x38;
	[tilespmem:$0x1F800] =	vst v63  }
0x47: {  	_ =	swait.ge [sflag:s20], $0x2000  }
0x48: {  	[sflag:s20] =	ssyncset.done $0x0  }
0x49: {  	[sflag:s20] =	ssyncadd.s32 $0xFFFFE000  }
0x4a: {  	[tilespmem:s21], [sflag:$0x3] =	stream.linear.gather [hbm4b:s14+s6], $0x2000, $0x38;
	[tilespmem:$0x1F800] =	vst v63  }
0x4b: {  	_ =	swait.ge [sflag:s20], $0x2000  }
0x4c: {  	[sflag:s20] =	ssyncset.done $0x0  }
0x4d: {  	[sflag:s20] =	ssyncadd.s32 $0xFFFFE000  }
0x4e: {  	[tilespmem:s23], [sflag:$0x1] =	stream.indirect.gather [hbm4b:s0+s22], $0x80, s6, s22, $0xb8;
	[tilespmem:$0x1F800] =	vst v63  }
0x4f: {  	s7 =	simm.s32 $0x80  }
0x50: {  	[tilespmem:s24], [sflag:$0x2] =	stream.indirect.gather [hbm4b:s0+s22], $0x80, s7, s22, $0xb8;
	[tilespmem:$0x1F800] =	vst v63  }
0x51: {  	_ =	swait.ge [sflag:s25], $0x2800  }
0x52: {  	[sflag:s25] =	ssyncset.done $0x0  }
0x53: {  	s2 =	simm.s32 $0x2000;
	[sflag:s25] =	ssyncadd.s32 $0xFFFFD800  }
0x54: {  	[spmem:s3] =	stream.indirect.scatter.add.f32 [tilespmem:s23], [sflag:$0x3], $0x80, s2, s22, $0xb8;
	[tilespmem:$0x1F800] =	vst v63  }
0x55: {  	_ =	swait.ge [sflag:s20], $0x2800  }
0x56: {  	[sflag:s20] =	ssyncset.done $0x0  }
0x57: {  	s6 =	simm.s32 $0x100;
	[sflag:s20] =	ssyncadd.s32 $0xFFFFD800  }
0x58: {  	[tilespmem:s23], [sflag:$0x1] =	stream.indirect.gather [hbm4b:s0+s22], $0x80, s6, s22, $0xb8;
	[tilespmem:$0x1F800] =	vst v63  }
0x59: {  	_ =	swait.ge [sflag:s26], $0x2800  }
0x5a: {  	[sflag:s26] =	ssyncset.done $0x0  }
0x5b: {  	s7 =	simm.s32 $0x2080;
	[sflag:s26] =	ssyncadd.s32 $0xFFFFD800  }
0x5c: {  	[spmem:s3] =	stream.indirect.scatter.add.f32 [tilespmem:s24], [sflag:$0x3], $0x80, s7, s22, $0xb8;
	[tilespmem:$0x1F800] =	vst v63  }
0x5d: {  	_ =	swait.ge [sflag:s20], $0x2800  }
0x5e: {  	s31 =	simm.s32 $0x100;
	s1 =	simm.s32 $0x800;
	[sflag:s20] =	ssyncset.done $0x0  }
.LBB2_4:
0x5f: {  	s2 =	sadd.s32 $0x80, s31  }
0x60: {  	[sflag:s20] =	ssyncadd.s32 $0xFFFFD800;
	s6 =	smov.u32 s1;
	s7 =	sadd.s32 $0x400, s1  }
0x61: {  	[tilespmem:s24], [sflag:$0x2] =	stream.indirect.gather [hbm4b:s0+s22], $0x80, s2, s22, $0xb8;
	[tilespmem:$0x1F800] =	vst v63  }
0x62: {  	p0 =	sne.s32 s1, $0x7800;
	_ =	swait.ge [sflag:s25], $0x2800  }
0x63: {  	[sflag:s25] =	ssyncset.done $0x0  }
0x64: {  	s1 =	sadd.s32 $0x2000, s31;
	[sflag:s25] =	ssyncadd.s32 $0xFFFFD800  }
0x65: {  	[spmem:s3] =	stream.indirect.scatter.add.f32 [tilespmem:s23], [sflag:$0x3], $0x80, s1, s22, $0xb8;
	[tilespmem:$0x1F800] =	vst v63  }
0x66: {  	_ =	swait.ge [sflag:s20], $0x2800  }
0x67: {  	[sflag:s20] =	ssyncset.done $0x0  }
0x68: {  	s1 =	sadd.s32 $0x100, s31;
	[sflag:s20] =	ssyncadd.s32 $0xFFFFD800  }
0x69: {  	[tilespmem:s23], [sflag:$0x1] =	stream.indirect.gather [hbm4b:s0+s22], $0x80, s1, s22, $0xb8;
	[tilespmem:$0x1F800] =	vst v63  }
0x6a: {  	_ =	swait.ge [sflag:s26], $0x2800  }
.Ltmp1:
0x6b: {  	[sflag:s26] =	ssyncset.done $0x0;
	(pc) =	sbr.rel @p0 .LBB2_4-.Ltmp1, $4  }
0x6c: {  	s1 =	sadd.s32 $0x2080, s31;
	[sflag:s26] =	ssyncadd.s32 $0xFFFFD800  }
0x6d: {  	[spmem:s3] =	stream.indirect.scatter.add.f32 [tilespmem:s24], [sflag:$0x3], $0x80, s1, s22, $0xb8;
	[tilespmem:$0x1F800] =	vst v63  }
0x6e: {  	_ =	swait.ge [sflag:s20], $0x2800  }
0x6f: {  	s31 =	sshra.s32 s6, $0x2;
	s1 =	smov.u32 s7;
	[sflag:s20] =	ssyncset.done $0x0  }
0x70: {  	s1 =	sadd.s32 $0x80, s31;
	[sflag:s20] =	ssyncadd.s32 $0xFFFFD800  }
0x71: {  	[tilespmem:s24], [sflag:$0x2] =	stream.indirect.gather [hbm4b:s0+s22], $0x80, s1, s22, $0xb8;
	[tilespmem:$0x1F800] =	vst v63  }
0x72: {  	_ =	swait.ge [sflag:s25], $0x2800  }
0x73: {  	[sflag:s25] =	ssyncset.done $0x0  }
0x74: {  	s6 =	sadd.s32 $0x2000, s31;
	[sflag:s25] =	ssyncadd.s32 $0xFFFFD800  }
0x75: {  	[spmem:s3] =	stream.indirect.scatter.add.f32 [tilespmem:s23], [sflag:$0x3], $0x80, s6, s22, $0xb8;
	[tilespmem:$0x1F800] =	vst v63  }
0x76: {  	_ =	swait.ge [sflag:s20], $0x2800  }
0x77: {  	[sflag:s20] =	ssyncset.done $0x0  }
0x78: {  	s7 =	sadd.s32 $0x100, s31;
	[sflag:s20] =	ssyncadd.s32 $0xFFFFD800  }
0x79: {  	[tilespmem:s23], [sflag:$0x1] =	stream.indirect.gather [hbm4b:s0+s22], $0x80, s7, s22, $0xb8;
	[tilespmem:$0x1F800] =	vst v63  }
0x7a: {  	_ =	swait.ge [sflag:s26], $0x2800  }
0x7b: {  	[sflag:s26] =	ssyncset.done $0x0  }
0x7c: {  	s2 =	sadd.s32 $0x2080, s31;
	[sflag:s26] =	ssyncadd.s32 $0xFFFFD800  }
0x7d: {  	[spmem:s3] =	stream.indirect.scatter.add.f32 [tilespmem:s24], [sflag:$0x3], $0x80, s2, s22, $0xb8;
	[tilespmem:$0x1F800] =	vst v63  }
0x7e: {  	_ =	swait.ge [sflag:s20], $0x2800  }
0x7f: {  	[sflag:s20] =	ssyncset.done $0x0  }
0x80: {  	[sflag:s20] =	ssyncadd.s32 $0xFFFFD800  }
0x81: {  	[tilespmem:s24], [sflag:$0x2] =	stream.indirect.gather [hbm4b:s0+s22], $0x80, s28, s22, $0xb8;
	[tilespmem:$0x1F800] =	vst v63  }
0x82: {  	_ =	swait.ge [sflag:s25], $0x2800  }
0x83: {  	[sflag:s25] =	ssyncset.done $0x0  }
0x84: {  	[sflag:s25] =	ssyncadd.s32 $0xFFFFD800  }
0x85: {  	[spmem:s3] =	stream.indirect.scatter.add.f32 [tilespmem:s23], [sflag:$0x3], $0x80, s29, s22, $0xb8;
	[tilespmem:$0x1F800] =	vst v63  }
0x86: {  	_ =	swait.ge [sflag:s20], $0x2800  }
0x87: {  	[sflag:s20] =	ssyncset.done $0x0  }
0x88: {  	[sflag:s20] =	ssyncadd.s32 $0xFFFFD800  }
0x89: {  	_ =	swait.ge [sflag:s26], $0x2800  }
0x8a: {  	[sflag:s26] =	ssyncset.done $0x0  }
0x8b: {  	[sflag:s26] =	ssyncadd.s32 $0xFFFFD800  }
0x8c: {  	[spmem:s3] =	stream.indirect.scatter.add.f32 [tilespmem:s24], [sflag:$0x3], $0x80, s30, s22, $0xb8;
	[tilespmem:$0x1F800] =	vst v63  }
0x8d: {  	_ =	swait.ge [sflag:s20], $0x2800  }
0x8e: {  	[sflag:s20] =	ssyncset.done $0x0  }
0x8f: {  	s6 =	simm.s32 $0x0;
	[sflag:s20] =	ssyncadd.s32 $0xFFFFD800  }
0x90: {  	[tilespmem:s6], [sflag:$0x3] =	stream.linear.gather [hbm4b:s15+s6], $0x2000, $0x38;
	[tilespmem:$0x1F800] =	vst v63  }
0x91: {  	_ =	swait.ge [sflag:s20], $0x2000  }
0x92: {  	[sflag:s20] =	ssyncset.done $0x0  }
0x93: {  	[sflag:s20] =	ssyncadd.s32 $0xFFFFE000  }
0x94: {  	[tilespmem:s21], [sflag:$0x3] =	stream.linear.gather [hbm4b:s16+s6], $0x2000, $0x38;
	[tilespmem:$0x1F800] =	vst v63  }
0x95: {  	_ =	swait.ge [sflag:s20], $0x2000  }
0x96: {  	[sflag:s20] =	ssyncset.done $0x0  }
0x97: {  	[sflag:s20] =	ssyncadd.s32 $0xFFFFE000  }
0x98: {  	[tilespmem:s23], [sflag:$0x1] =	stream.indirect.gather [hbm4b:s0+s22], $0x80, s6, s22, $0xb8;
	[tilespmem:$0x1F800] =	vst v63  }
0x99: {  	s7 =	simm.s32 $0x80  }
0x9a: {  	[tilespmem:s24], [sflag:$0x2] =	stream.indirect.gather [hbm4b:s0+s22], $0x80, s7, s22, $0xb8;
	[tilespmem:$0x1F800] =	vst v63  }
0x9b: {  	_ =	swait.ge [sflag:s25], $0x2800  }
0x9c: {  	[sflag:s25] =	ssyncset.done $0x0  }
0x9d: {  	s2 =	simm.s32 $0x2000;
	[sflag:s25] =	ssyncadd.s32 $0xFFFFD800  }
0x9e: {  	[spmem:s3] =	stream.indirect.scatter.add.f32 [tilespmem:s23], [sflag:$0x3], $0x80, s2, s22, $0xb8;
	[tilespmem:$0x1F800] =	vst v63  }
0x9f: {  	_ =	swait.ge [sflag:s20], $0x2800  }
0xa0: {  	[sflag:s20] =	ssyncset.done $0x0  }
0xa1: {  	s6 =	simm.s32 $0x100;
	[sflag:s20] =	ssyncadd.s32 $0xFFFFD800  }
0xa2: {  	[tilespmem:s23], [sflag:$0x1] =	stream.indirect.gather [hbm4b:s0+s22], $0x80, s6, s22, $0xb8;
	[tilespmem:$0x1F800] =	vst v63  }
0xa3: {  	_ =	swait.ge [sflag:s26], $0x2800  }
0xa4: {  	[sflag:s26] =	ssyncset.done $0x0  }
0xa5: {  	s7 =	simm.s32 $0x2080;
	[sflag:s26] =	ssyncadd.s32 $0xFFFFD800  }
0xa6: {  	[spmem:s3] =	stream.indirect.scatter.add.f32 [tilespmem:s24], [sflag:$0x3], $0x80, s7, s22, $0xb8;
	[tilespmem:$0x1F800] =	vst v63  }
0xa7: {  	_ =	swait.ge [sflag:s20], $0x2800  }
0xa8: {  	s31 =	simm.s32 $0x100;
	s1 =	simm.s32 $0x800;
	[sflag:s20] =	ssyncset.done $0x0  }
.LBB2_6:
0xa9: {  	s2 =	sadd.s32 $0x80, s31  }
0xaa: {  	[sflag:s20] =	ssyncadd.s32 $0xFFFFD800;
	s6 =	smov.u32 s1;
	s7 =	sadd.s32 $0x400, s1  }
0xab: {  	[tilespmem:s24], [sflag:$0x2] =	stream.indirect.gather [hbm4b:s0+s22], $0x80, s2, s22, $0xb8;
	[tilespmem:$0x1F800] =	vst v63  }
0xac: {  	p0 =	sne.s32 s1, $0x7800;
	_ =	swait.ge [sflag:s25], $0x2800  }
0xad: {  	[sflag:s25] =	ssyncset.done $0x0  }
0xae: {  	s1 =	sadd.s32 $0x2000, s31;
	[sflag:s25] =	ssyncadd.s32 $0xFFFFD800  }
0xaf: {  	[spmem:s3] =	stream.indirect.scatter.add.f32 [tilespmem:s23], [sflag:$0x3], $0x80, s1, s22, $0xb8;
	[tilespmem:$0x1F800] =	vst v63  }
0xb0: {  	_ =	swait.ge [sflag:s20], $0x2800  }
0xb1: {  	[sflag:s20] =	ssyncset.done $0x0  }
0xb2: {  	s1 =	sadd.s32 $0x100, s31;
	[sflag:s20] =	ssyncadd.s32 $0xFFFFD800  }
0xb3: {  	[tilespmem:s23], [sflag:$0x1] =	stream.indirect.gather [hbm4b:s0+s22], $0x80, s1, s22, $0xb8;
	[tilespmem:$0x1F800] =	vst v63  }
0xb4: {  	_ =	swait.ge [sflag:s26], $0x2800  }
.Ltmp2:
0xb5: {  	[sflag:s26] =	ssyncset.done $0x0;
	(pc) =	sbr.rel @p0 .LBB2_6-.Ltmp2, $4  }
0xb6: {  	s1 =	sadd.s32 $0x2080, s31;
	[sflag:s26] =	ssyncadd.s32 $0xFFFFD800  }
0xb7: {  	[spmem:s3] =	stream.indirect.scatter.add.f32 [tilespmem:s24], [sflag:$0x3], $0x80, s1, s22, $0xb8;
	[tilespmem:$0x1F800] =	vst v63  }
0xb8: {  	_ =	swait.ge [sflag:s20], $0x2800  }
0xb9: {  	s31 =	sshra.s32 s6, $0x2;
	s1 =	smov.u32 s7;
	[sflag:s20] =	ssyncset.done $0x0  }
0xba: {  	s1 =	sadd.s32 $0x80, s31;
	[sflag:s20] =	ssyncadd.s32 $0xFFFFD800  }
0xbb: {  	[tilespmem:s24], [sflag:$0x2] =	stream.indirect.gather [hbm4b:s0+s22], $0x80, s1, s22, $0xb8;
	[tilespmem:$0x1F800] =	vst v63  }
0xbc: {  	_ =	swait.ge [sflag:s25], $0x2800  }
0xbd: {  	[sflag:s25] =	ssyncset.done $0x0  }
0xbe: {  	s2 =	sadd.s32 $0x2000, s31;
	[sflag:s25] =	ssyncadd.s32 $0xFFFFD800  }
0xbf: {  	[spmem:s3] =	stream.indirect.scatter.add.f32 [tilespmem:s23], [sflag:$0x3], $0x80, s2, s22, $0xb8;
	[tilespmem:$0x1F800] =	vst v63  }
0xc0: {  	_ =	swait.ge [sflag:s20], $0x2800  }
0xc1: {  	[sflag:s20] =	ssyncset.done $0x0  }
0xc2: {  	s6 =	sadd.s32 $0x100, s31;
	[sflag:s20] =	ssyncadd.s32 $0xFFFFD800  }
0xc3: {  	[tilespmem:s23], [sflag:$0x1] =	stream.indirect.gather [hbm4b:s0+s22], $0x80, s6, s22, $0xb8;
	[tilespmem:$0x1F800] =	vst v63  }
0xc4: {  	_ =	swait.ge [sflag:s26], $0x2800  }
0xc5: {  	[sflag:s26] =	ssyncset.done $0x0  }
0xc6: {  	s7 =	sadd.s32 $0x2080, s31;
	[sflag:s26] =	ssyncadd.s32 $0xFFFFD800  }
0xc7: {  	[spmem:s3] =	stream.indirect.scatter.add.f32 [tilespmem:s24], [sflag:$0x3], $0x80, s7, s22, $0xb8;
	[tilespmem:$0x1F800] =	vst v63  }
0xc8: {  	_ =	swait.ge [sflag:s20], $0x2800  }
0xc9: {  	[sflag:s20] =	ssyncset.done $0x0  }
0xca: {  	[sflag:s20] =	ssyncadd.s32 $0xFFFFD800  }
0xcb: {  	[tilespmem:s24], [sflag:$0x2] =	stream.indirect.gather [hbm4b:s0+s22], $0x80, s28, s22, $0xb8;
	[tilespmem:$0x1F800] =	vst v63  }
0xcc: {  	_ =	swait.ge [sflag:s25], $0x2800  }
0xcd: {  	[sflag:s25] =	ssyncset.done $0x0  }
0xce: {  	[sflag:s25] =	ssyncadd.s32 $0xFFFFD800  }
0xcf: {  	[spmem:s3] =	stream.indirect.scatter.add.f32 [tilespmem:s23], [sflag:$0x3], $0x80, s29, s22, $0xb8;
	[tilespmem:$0x1F800] =	vst v63  }
0xd0: {  	_ =	swait.ge [sflag:s20], $0x2800  }
0xd1: {  	[sflag:s20] =	ssyncset.done $0x0  }
0xd2: {  	[sflag:s20] =	ssyncadd.s32 $0xFFFFD800  }
0xd3: {  	_ =	swait.ge [sflag:s26], $0x2800  }
0xd4: {  	[sflag:s26] =	ssyncset.done $0x0  }
0xd5: {  	[sflag:s26] =	ssyncadd.s32 $0xFFFFD800  }
0xd6: {  	[spmem:s3] =	stream.indirect.scatter.add.f32 [tilespmem:s24], [sflag:$0x3], $0x80, s30, s22, $0xb8;
	[tilespmem:$0x1F800] =	vst v63  }
0xd7: {  	s31 =	stileid.u32;
	_ =	swait.ge [sflag:s20], $0x2800  }
0xd8: {  	s4 =	sadd.s32 $0x1, s4;
	s1 =	sshll.u32 s31, $0x6;
	[sflag:s20] =	ssyncset.done $0x0  }
0xd9: {  	p0 =	sne.s32 s4, s18;
	s1 =	sor.u32 $0x1C03, s1;
	[sflag:s20] =	ssyncadd.s32 $0xFFFFD800  }
.Ltmp3:
0xda: {  	s2 =	sshrl.u32 s5, $0x3;
	[bflag:$0x0] =	sbarrier.arrive $0xFFFF;
	(pc) =	sbr.rel @p0 .LBB2_1-.Ltmp3, $4  }
0xdb: {  	[hbm:s17], [sflag:s1] =	dma.local [spmem:s2], $0x2800  }
0xdc: {  	_ =	swait.ge [sflag:s20], $0x2800  }
0xdd: {  	[sflag:s20] =	ssyncset.done $0x0  }
0xde: {  	[sflag:s20] =	ssyncadd.s32 $0xFFFFD800  }
0xdf: {  	_ =	sfence.sel $0x180000  }
0xe0: {  	[bflag:$0x0] =	sbarrier.arrive $0xFFFF  }
0xe1: {  	_ =	strace $0x9000004D  }
0xe2: {  	s0 =	stileid.u32;
	[bflag:$0x2] =	sbarrier.arrive $0xFFFF  }
0xe3: {  	p0 =	sne.s32 s0, $0x0;
	s0 =	rddreg [dreg:$0x3]  }
0xe4: {  	s0 =	sadd.s32 @!p0 $0x100000, s0  }
0xe5: {  	[sflag:s0] =	ssyncadd.tile.s32 @!p0 $0x1;
	_ =	shalt  }
.Lfunc_end2:
_tile_overlayer_lowered:
.L_overlay_start_2:
0xe6: {  	(tag) =	ssettag $0x2  }
0xe7: {  	s0 =	rddreg [dreg:$0x0];
	s2 =	stileid.u32  }
0xe8: {  	s1 =	rddreg [dreg:$0x1];
	p0 =	sne.s32 s2, $0x0  }
0xe9: {  	s3 =	rddreg [dreg:$0x2];
	[bflag:$0x3] =	sbarrier.arrive $0xFFFF;
	s2 =	simm.s32 @!p0 $0x1C03  }
0xea: {  	[timem:s3], [sflag:s2] =	dma.local @!p0 [hbm:s0], s1  }
0xeb: {  	s0 =	simm.s32 @!p0 $0x3  }
0xec: {  	_ =	swait.ge @!p0 [sflag:s0], s1  }
0xed: {  	s1 =	ssub.s32 @!p0 $0x0, s1;
	[sflag:s0] =	ssyncset.done @!p0 $0x0  }
0xee: {  	[sflag:s0] =	ssyncadd.s32 @!p0 s1  }
0xef: {  	[bflag:$0x3] =	sbarrier.arrive $0xFFFF  }
0xf0: {  	_ =	shalt  }

// kernel: kernel.8.cloned.1.call-start
scs
__scs_entry_jumppad:
0x0: {  	(pc) =	sbr.rel $0x88, $3  }
0x1: {  	(tag) =	ssettag $0x0;
	lr =	simm.s32 $0x1  }
0x2: {  	[smem:$0x3F99] =	sst lr;
	_ =	strace $0xD0000000  }
0x3: {  	_ = 	snop  }
0x4: {  	_ = 	snop  }
0x5: {  	_ = 	snop  }
0x6: {  	_ = 	snop  }
0x7: {  	_ = 	snop  }
__scs_overlays_trampoline_lowered:
0x8: {  	[smem:$0x3FA8] =	sst s0  }
0x9: {  	[smem:$0x3FA9] =	sst s1  }
0xa: {  	[smem:$0x3FAA] =	sst s2  }
0xb: {  	[smem:$0x3FAB] =	sst s3  }
0xc: {  	[smem:$0x3FAC] =	sst s4  }
0xd: {  	[smem:$0x3FAD] =	sst s5  }
0xe: {  	[smem:$0x3FAE] =	sst s6  }
0xf: {  	[smem:$0x3FAF] =	sst s7  }
0x10: {  	[smem:$0x3FB0] =	sst s8  }
0x11: {  	[smem:$0x3FB1] =	sst s9;
	s0 =	simm.s32 @!p0 $0x0  }
0x12: {  	s1 =	sld [smem:$0x3F97];
	s0 =	simm.s32 @p0 $0x1  }
0x13: {  	[smem:$0x3FB2] =	sst s0;
	s0 =	simm.s32 @!p1 $0x0  }
0x14: {  	s2 =	sld [smem:$0x3F96];
	s0 =	simm.s32 @p1 $0x1  }
0x15: {  	[smem:$0x3FB3] =	sst s0;
	s0 =	simm.s32 @!p2 $0x0  }
0x16: {  	s3 =	sld [smem:$0x3FDB];
	s0 =	simm.s32 @p2 $0x1  }
0x17: {  	s4 =	simm.s32 $0x1BF5;
	[smem:$0x3FB5] =	sst s0  }
0x18: {  	s0 =	sld [smem:$0x3F98];
	_ =	swait.ge [sflag:s4], $0x0  }
0x19: {  	s7 =	sld [smem:$0x3F99]  }
0x1a: {  	s8 =	sadd.s32 $0xFFFFE003, lr  }
0x1b: {  	s9 =	sadd.s32 $0xFFFFFEF7, lr;
	s5 =	simm.s32 $0xFFFFFFFF;
	p2 =	slt.u32 s8, $0xFFFFF086  }
0x1c: {  	p1 =	slt.u32 s9, $0xF7A;
	s5 =	simm.s32 @!p2 $0x0  }
0x1d: {  	s5 =	simm.s32 @p1 $0x1;
	p0 =	seq.s32 s7, s2  }
0x1e: {  	s7 =	smul.u32 @!p0 $0xF7A, s2;
	p2 =	seq.s32 @!p0 s5, $0x0  }
0x1f: {  	s9 =	smul.u32 $0xF7A, s1;
	s8 =	simm.s32 @!p0 $0x1BF5;
	p2 =	por !p2, p0  }
0x20: {  	[sflag:s8] =	ssyncset.s32 @!p0 $0xFFFFF086;
	s6 =	sadd.s32 @!p0 s3, s7;
	s7 =	simm.s32 @!p0 $0x108  }
0x21: {  	s3 =	sadd.s32 s3, s9;
	s6 =	sadd.s32 @!p0 $0x88, s6;
	s7 =	simm.s32 @p2 $0x1082  }
0x22: {  	[simem:s7], [sflag:s8] =	dma.local @!p0 [hbm:s6], $0xF7A  }
0x23: {  	s9 =	sor.u32 $0xD0000000, s2;
	s6 =	simm.s32 $0x108;
	_ =	swait.ge @!p0 [sflag:s8], $0x0  }
0x24: {  	s3 =	sadd.s32 $0x88, s3;
	s6 =	simm.s32 @!p1 $0x1082;
	[sflag:s4] =	ssyncset.s32 $0xFFFFF086  }
0x25: {  	[simem:s6], [sflag:s4] =	dma.local [hbm:s3], $0xF7A  }
0x26: {  	[smem:$0x3F99] =	sst s1;
	(tag) =	ssettag s2;
	_ =	strace s9  }
0x27: {  	s1 =	sld [smem:$0x3FA9]  }
0x28: {  	s2 =	sld [smem:$0x3FAA]  }
0x29: {  	s4 =	sld [smem:$0x3FAC]  }
0x2a: {  	p0 =	seq.s32 s5, $0x0;
	s5 =	sld [smem:$0x3FAD]  }
0x2b: {  	s6 =	sld [smem:$0x3FAE]  }
0x2c: {  	s7 =	sld [smem:$0x3FAF]  }
0x2d: {  	s3 =	simm.s32 $0x108;
	s8 =	sld [smem:$0x3FB0]  }
0x2e: {  	s3 =	simm.s32 @!p0 $0x1082;
	s9 =	sld [smem:$0x3FB1]  }
0x2f: {  	lr =	sadd.s32 s0, s3;
	s0 =	sld [smem:$0x3FA8]  }
0x30: {  	s3 =	sld [smem:$0x3FAB]  }
0x31: {  	[smem:$0x3FB4] =	sst s10  }
0x32: {  	s10 =	sld [smem:$0x3FB2];
	_ =	sdelay $0x3  }
0x33: {  	p0 =	seq.s32 s10, $0x1;
	s10 =	sld [smem:$0x3FB4];
	_ =	sdelay $0x3  }
0x34: {  	[smem:$0x3FB4] =	sst s10  }
0x35: {  	s10 =	sld [smem:$0x3FB3];
	_ =	sdelay $0x3  }
0x36: {  	p1 =	seq.s32 s10, $0x1;
	s10 =	sld [smem:$0x3FB4];
	_ =	sdelay $0x3  }
0x37: {  	[smem:$0x3FB4] =	sst s10  }
0x38: {  	s10 =	sld [smem:$0x3FB5]  }
0x39: {  	_ = 	snop;
	(pc) =	sbr.ind lr, $3  }
0x3a: {  	_ = 	snop  }
0x3b: {  	_ = 	snop  }
0x3c: {  	p2 =	seq.s32 s10, $0x1;
	s10 =	sld [smem:$0x3FB4]  }
0x3d: {  	_ =	shalt  }
0x3e: {  	_ =	shalt  }
0x3f: {  	_ =	shalt  }
0x40: {  	_ =	shalt  }
0x41: {  	_ =	shalt  }
0x42: {  	_ =	shalt  }
0x43: {  	_ =	shalt  }
0x44: {  	_ =	shalt  }
0x45: {  	_ =	shalt  }
0x46: {  	_ =	shalt  }
0x47: {  	_ =	shalt  }
0x48: {  	_ =	shalt  }
0x49: {  	_ =	shalt  }
0x4a: {  	_ =	shalt  }
0x4b: {  	_ =	shalt  }
0x4c: {  	_ =	shalt  }
0x4d: {  	_ =	shalt  }
0x4e: {  	_ =	shalt  }
0x4f: {  	_ =	shalt  }
0x50: {  	_ =	shalt  }
0x51: {  	_ =	shalt  }
0x52: {  	_ =	shalt  }
0x53: {  	_ =	shalt  }
0x54: {  	_ =	shalt  }
0x55: {  	_ =	shalt  }
0x56: {  	_ =	shalt  }
0x57: {  	_ =	shalt  }
0x58: {  	_ =	shalt  }
0x59: {  	_ =	shalt  }
0x5a: {  	_ =	shalt  }
0x5b: {  	_ =	shalt  }
0x5c: {  	_ =	shalt  }
0x5d: {  	_ =	shalt  }
0x5e: {  	_ =	shalt  }
0x5f: {  	_ =	shalt  }
0x60: {  	_ =	shalt  }
0x61: {  	_ =	shalt  }
0x62: {  	_ =	shalt  }
0x63: {  	_ =	shalt  }
0x64: {  	_ =	shalt  }
0x65: {  	_ =	shalt  }
0x66: {  	_ =	shalt  }
0x67: {  	_ =	shalt  }
0x68: {  	_ =	shalt  }
0x69: {  	_ =	shalt  }
0x6a: {  	_ =	shalt  }
0x6b: {  	_ =	shalt  }
0x6c: {  	_ =	shalt  }
0x6d: {  	_ =	shalt  }
0x6e: {  	_ =	shalt  }
0x6f: {  	_ =	shalt  }
0x70: {  	_ =	shalt  }
0x71: {  	_ =	shalt  }
0x72: {  	_ =	shalt  }
0x73: {  	_ =	shalt  }
0x74: {  	_ =	shalt  }
0x75: {  	_ =	shalt  }
0x76: {  	_ =	shalt  }
0x77: {  	_ =	shalt  }
0x78: {  	_ =	shalt  }
0x79: {  	_ =	shalt  }
0x7a: {  	_ =	shalt  }
0x7b: {  	_ =	shalt  }
0x7c: {  	_ =	shalt  }
0x7d: {  	_ =	shalt  }
0x7e: {  	_ =	shalt  }
0x7f: {  	_ =	shalt  }
0x80: {  	_ =	shalt  }
0x81: {  	_ =	shalt  }
0x82: {  	_ =	shalt  }
0x83: {  	_ =	shalt  }
0x84: {  	_ =	shalt  }
0x85: {  	_ =	shalt  }
0x86: {  	_ =	shalt  }
0x87: {  	_ =	shalt  }
.Lfunc_end0:
.L_simem_size_0:
called_computation_lowered:
.L_overlay_start_0:
0x88: {  	s2 =	sld [smem:$0x3FD9]  }
0x89: {  	s3 =	sld [smem:$0x3FFE];
	_ =	sdelay $0x1  }
0x8a: {  	s1 =	srdreg.scid  }
0x8b: {  	s0 =	sand.u32 $0x1, s1  }
0x8c: {  	s17 =	sshll.u32 s0, $0xA;
	s2 =	sadd.s32 s3, s2  }
0x8d: {  	s2 =	sadd.s32 s2, s17  }
0x8e: {  	[smem:$0x3FC0] =	sst s2  }
0x8f: {  	_ = 	snop  }
0x90: {  	(tm) =	ssettm $0x1  }
0x91: {  	s18 =	sld [smem:$0x3FFB];
	_ =	sdelay $0x3  }
0x92: {  	_ =	strace s18  }
0x93: {  	s2 =	sld [smem:$0x3FFC];
	_ =	sdelay $0x3  }
0x94: {  	_ =	strace s2  }
0x95: {  	s2 =	sld [smem:$0x3FFD];
	_ =	sdelay $0x3  }
0x96: {  	_ =	strace s2  }
0x97: {  	_ =	strace $0x8FFFFFFF  }
0x98: {  	s19 =	sld [smem:$0x3FDB];
	_ =	sdelay $0x1  }
0x99: {  	s20 =	simm.s32 $_scs_section_size  }
0x9a: {  	s4 =	simm.s32 $_size__tile_overlayer_lowered;
	s5 =	simm.s32 $_tile_overlayer_lowered  }
0x9b: {  	s6 =	simm.s32 $0x1BFF;
	s21 =	sshll.u32 s5, $0x1;
	s3 =	sadd.s32 s20, s19  }
0x9c: {  	s22 =	simm.s32 $0x0;
	s4 =	sshll.u32 s4, $0x1;
	s5 =	sadd.s32 s21, s3  }
0x9d: {  	[timem:s22], [sflag:s6] =	dma.local [hbm:s5], s4  }
0x9e: {  	_ =	swait.ge [sflag:s6], s4  }
0x9f: {  	s4 =	ssub.s32 $0x0, s4;
	[sflag:s6] =	ssyncset.done $0x0  }
0xa0: {  	[sflag:s6] =	ssyncadd.s32 s4;
	_ =	sdelay $0x1  }
0xa1: {  	s23 =	simm.s32 $0x1B8B  }
0xa2: {  	_ =	swait.ge [sflag:s23], $0x1  }
0xa3: {  	[sflag:s23] =	ssyncset.done $0x0  }
0xa4: {  	[sflag:s23] =	ssyncadd.s32 $0xFFFFFFFF  }
0xa5: {  	s4 =	sld [smem:$0x0]  }
0xa6: {  	s5 =	sand.u32 $0xFFFFFFFE, s1  }
0xa7: {  	p0 =	sne.s32 s1, s5  }
0xa8: {  	s5 =	sshll.u32 @p0 s5, $0xE  }
0xa9: {  	s5 =	sadd.s32 @p0 $0x11B8D, s5;
	s6 =	sshll.u32 @p0 s4, $0x11  }
0xaa: {  	s5 =	sor.u32 @p0 s6, s5  }
0xab: {  	[sflag:s5] =	ssyncadd.remote.s32 @p0 $0x1;
	_ =	sdelay $0x1  }
0xac: {  	s5 =	simm.s32 @p0 $0x1B8D  }
0xad: {  	_ =	swait.eq @p0 [sflag:s5], $0x1  }
0xae: {  	[sflag:s5] =	ssyncadd.s32 @p0 $0xFFFFFFFF  }
0xaf: {  	s6 =	sshll.u32 @!p0 s1, $0xE  }
0xb0: {  	s6 =	sor.u32 @!p0 $0x4000, s6;
	s5 =	simm.s32 @!p0 $0x1B8D  }
0xb1: {  	s4 =	sshll.u32 @!p0 s4, $0x11;
	s6 =	sadd.s32 @!p0 $0x11B8D, s6;
	_ =	swait.eq @!p0 [sflag:s5], $0x1  }
0xb2: {  	s4 =	sor.u32 @!p0 s4, s6;
	[sflag:s5] =	ssyncadd.s32 @!p0 $0xFFFFFFFF  }
0xb3: {  	s25 =	simm.s32 $0x1B8E;
	s24 =	sld [smem:$0x3FFE];
	[sflag:s4] =	ssyncadd.remote.s32 @!p0 $0x1  }
0xb4: {  	s26 =	simm.s32 $execute0_lowered;
	[smem:$0x3FD2] =	sst s25  }
0xb5: {  	s5 =	sshll.u32 s26, $0x1;
	_ =	strace $0x80000049;
	[dreg:$0x1] =	wrdreg $0xFFFFFFFF  }
0xb6: {  	s28 =	simm.s32 $_size_execute0_lowered;
	s3 =	sadd.s32 s3, s5;
	[dreg:$0x0] =	wrdreg $0x0  }
0xb7: {  	s5 =	sshll.u32 s28, $0x1;
	[dreg:$0x2] =	wrdreg s3  }
0xb8: {  	[dreg:$0x3] =	wrdreg s5  }
0xb9: {  	[dreg:$0x4] =	wrdreg $0xC0  }
0xba: {  	_ =	task [dreg:s22], $0x5FFFF  }
0xbb: {  	[dreg:$0x1] =	wrdreg $0xFFFFFFFF  }
0xbc: {  	[dreg:$0x0] =	wrdreg $0x60  }
0xbd: {  	[dreg:$0x2] =	wrdreg s24  }
0xbe: {  	[dreg:$0x3] =	wrdreg $0x90000  }
0xbf: {  	[dreg:$0x4] =	wrdreg $0x9  }
0xc0: {  	_ =	task.clear_ibuf [dreg:s22], $0x5FFFF;
	_ =	strace $0x90000049  }
0xc1: {  	s29 =	simm.s32 $0x9;
	_ =	strace $0x8000004B  }
0xc2: {  	_ =	swait.ge [sflag:s29], $0x1  }
0xc3: {  	[sflag:s29] =	ssyncadd.s32 $0xFFFFFFFF  }
0xc4: {  	_ =	strace $0x9000004B  }
0xc5: {  	_ =	sfence  }
0xc6: {  	s30 =	sld [smem:$0x0];
	_ =	sdelay $0x2  }
0xc7: {  	s31 =	sshll.u32 s1, $0xD;
	s1 =	sshrl.u32 s1, $0x2  }
0xc8: {  	s4 =	sand.u32 $0x4000, s31;
	s1 =	sadd.s32 s1, s30  }
0xc9: {  	s0 =	sor.u32 s4, s0;
	s1 =	sshll.u32 s1, $0x11  }
0xca: {  	s0 =	sor.u32 s1, s0  }
0xcb: {  	s0 =	sadd.s32 $0x8F2B, s0  }
0xcc: {  	[sflag:s0] =	ssyncadd.remote.s32 $0x1  }
0xcd: {  	_ =	sfence.sel $0xFFFF  }
0xce: {  	[dreg:$0x0] =	wrdreg $0xFFFFFFFF;
	(pc) =	sbr.abs _section_cstart, $3  }
0xcf: {  	[dreg:$0x1] =	wrdreg $0xFFFFFFFF  }
0xd0: {  	_ =	task.clear_ibuf [dreg:s22], $0x2FFFF;
	_ =	strace $0x9FFFFFFF  }
0xd1: {  	(tm) =	ssettm $0x7FFFFFFF  }
tec
execute0_lowered:
.L_overlay_start_1:
0x0: {  	(tag) =	ssettag $0x1  }
0x1: {  	s4 =	rddreg [dreg:$0x0]  }
0x2: {  	s0 =	srdreg.scid;
	s2 =	rddreg [dreg:$0x1]  }
0x3: {  	s1 =	stileid.u32;
	s3 =	simm.s32 $0x0;
	s15 =	simm.s32 $0x1  }
0x4: {  	s16 =	simm.s32 $0x6800;
	s17 =	simm.s32 $0x50;
	s18 =	simm.s32 $0x4000  }
0x5: {  	s5 =	sand.u32 $0x1, s0;
	s0 =	rddreg [dreg:$0x2];
	s7 =	smul.u32 $0x14000, s1  }
0x6: {  	s21 =	simm.s32 $0x0;
	[smem:$0x7FF] =	sst s3;
	s8 =	smul.u32 $0x50000, s1  }
0x7: {  	s29 =	sshll.u32 s1, $0xB;
	s19 =	sshll.u32 s1, $0x6;
	s6 =	smul.u32 $0x140000, s5  }
0x8: {  	_ =	strace $0x8000004A;
	s30 =	ssub.s32 $0x2, s5;
	s5 =	sshll.u32 s5, $0xF  }
0x9: {  	s19 =	sor.u32 $0x1C01, s19;
	s31 =	sshrl.u32 s30, $0x1;
	s8 =	sshrl.u32 s8, $0x2  }
0xa: {  	s6 =	sadd.s32 s7, s6;
	s7 =	sadd.s32 s29, s4;
	s14 =	ssub.s32 s30, s31  }
0xb: {  	s6 =	sshrl.u32 s6, $0x3;
	s5 =	sadd.s32 s5, s7;
	s14 =	smax.u32 s14, $0x1  }
0xc: {  	s13 =	sadd.s32 s6, s4;
	s4 =	sadd.s32 s8, s2;
	s5 =	sadd.s32 $0x72400, s5  }
0xd: {  	s6 =	sadd.s32 $0x2800, s4;
	s7 =	sadd.s32 $0x5000, s4;
	s8 =	sadd.s32 $0x7800, s4  }
0xe: {  	s9 =	sadd.s32 $0xA000, s4;
	s10 =	sadd.s32 $0xC800, s4;
	s11 =	sadd.s32 $0xF000, s4  }
0xf: {  	v0 =	vimm.f32 $0.0e+00;
	v1 =	vimm.f32 $1.000000000e+00;
	s12 =	sadd.s32 $0x11800, s4;
	s13 =	sadd.s32 $0x82400, s13;
	s20 =	sshrl.u32 s4, $0x3  }
.LBB2_1:
0x10: {  	[tilespmem:s3], [sflag:$0x1] =	stream.linear.gather [hbm4b:s5+s3], $0x4000, $0x38;
	[tilespmem:$0x1D000] =	vst v63  }
0x11: {  	_ =	swait.ge [sflag:s15], $0x4000  }
0x12: {  	[sflag:s15] =	ssyncset.done $0x0  }
0x13: {  	s22 =	simm.s32 $0x70;
	s23 =	simm.s32 $0x3C0;
	[sflag:s15] =	ssyncadd.s32 $0xFFFFC000  }
.LBB2_2:
0x14: {  	p0 =	sne.s32 s23, $0x9FC0;
	[tilespmem:s22+$0x6800] =	vst v0  }
0x15: {  	[tilespmem:s22+$0x6790] =	vst v0  }
0x16: {  	[tilespmem:s22+$0x67A0] =	vst v0  }
.Ltmp0:
0x17: {  	[tilespmem:s22+$0x67B0] =	vst v0;
	(pc) =	sbr.rel @p0 .LBB2_2-.Ltmp0, $4  }
0x18: {  	[tilespmem:s22+$0x67C0] =	vst v0  }
0x19: {  	[tilespmem:s22+$0x67D0] =	vst v0  }
0x1a: {  	[tilespmem:s22+$0x67E0] =	vst v0  }
0x1b: {  	[tilespmem:s22+$0x67F0] =	vst v0;
	s22 =	sshra.s32 s23, $0x2;
	s23 =	sadd.s32 $0x200, s23  }
0x1c: {  	[tilespmem:s22+$0x6800] =	vst v0  }
0x1d: {  	[tilespmem:s22+$0x6790] =	vst v0  }
0x1e: {  	[tilespmem:s22+$0x67A0] =	vst v0  }
0x1f: {  	[tilespmem:s22+$0x67B0] =	vst v0  }
0x20: {  	[tilespmem:s22+$0x67C0] =	vst v0  }
0x21: {  	[tilespmem:s22+$0x67D0] =	vst v0  }
0x22: {  	[tilespmem:s22+$0x67E0] =	vst v0  }
0x23: {  	[tilespmem:s22+$0x67F0] =	vst v0  }
0x24: {  	[spmem:s4] =	stream.linear.scatter [tilespmem:s16], [sflag:$0x1], $0x2800, $0x38;
	[tilespmem:$0x1D000] =	vst v63  }
0x25: {  	_ =	swait.ge [sflag:s15], $0x2800  }
0x26: {  	[sflag:s15] =	ssyncset.done $0x0  }
0x27: {  	[sflag:s15] =	ssyncadd.s32 $0xFFFFD800  }
0x28: {  	[spmem:s6] =	stream.linear.scatter [tilespmem:s16], [sflag:$0x1], $0x2800, $0x38;
	[tilespmem:$0x1D000] =	vst v63  }
0x29: {  	_ =	swait.ge [sflag:s15], $0x2800  }
0x2a: {  	[sflag:s15] =	ssyncset.done $0x0  }
0x2b: {  	[sflag:s15] =	ssyncadd.s32 $0xFFFFD800  }
0x2c: {  	[spmem:s7] =	stream.linear.scatter [tilespmem:s16], [sflag:$0x1], $0x2800, $0x38;
	[tilespmem:$0x1D000] =	vst v63  }
0x2d: {  	_ =	swait.ge [sflag:s15], $0x2800  }
0x2e: {  	[sflag:s15] =	ssyncset.done $0x0  }
0x2f: {  	[sflag:s15] =	ssyncadd.s32 $0xFFFFD800  }
0x30: {  	[spmem:s8] =	stream.linear.scatter [tilespmem:s16], [sflag:$0x1], $0x2800, $0x38;
	[tilespmem:$0x1D000] =	vst v63  }
0x31: {  	_ =	swait.ge [sflag:s15], $0x2800  }
0x32: {  	[sflag:s15] =	ssyncset.done $0x0  }
0x33: {  	[sflag:s15] =	ssyncadd.s32 $0xFFFFD800  }
0x34: {  	[spmem:s9] =	stream.linear.scatter [tilespmem:s16], [sflag:$0x1], $0x2800, $0x38;
	[tilespmem:$0x1D000] =	vst v63  }
0x35: {  	_ =	swait.ge [sflag:s15], $0x2800  }
0x36: {  	[sflag:s15] =	ssyncset.done $0x0  }
0x37: {  	[sflag:s15] =	ssyncadd.s32 $0xFFFFD800  }
0x38: {  	[spmem:s10] =	stream.linear.scatter [tilespmem:s16], [sflag:$0x1], $0x2800, $0x38;
	[tilespmem:$0x1D000] =	vst v63  }
0x39: {  	_ =	swait.ge [sflag:s15], $0x2800  }
0x3a: {  	[sflag:s15] =	ssyncset.done $0x0  }
0x3b: {  	[sflag:s15] =	ssyncadd.s32 $0xFFFFD800  }
0x3c: {  	[spmem:s11] =	stream.linear.scatter [tilespmem:s16], [sflag:$0x1], $0x2800, $0x38;
	[tilespmem:$0x1D000] =	vst v63  }
0x3d: {  	_ =	swait.ge [sflag:s15], $0x2800  }
0x3e: {  	[sflag:s15] =	ssyncset.done $0x0  }
0x3f: {  	[sflag:s15] =	ssyncadd.s32 $0xFFFFD800  }
0x40: {  	[spmem:s12] =	stream.linear.scatter [tilespmem:s16], [sflag:$0x1], $0x2800, $0x38;
	[tilespmem:$0x1D000] =	vst v63  }
0x41: {  	_ =	swait.ge [sflag:s15], $0x2800  }
0x42: {  	[sflag:s15] =	ssyncset.done $0x0  }
0x43: {  	s22 =	simm.s32 $0x70;
	s23 =	simm.s32 $0x3C0;
	[sflag:s15] =	ssyncadd.s32 $0xFFFFD800  }
.LBB2_4:
0x44: {  	p0 =	sne.s32 s23, $0x9FC0;
	[tilespmem:s22+$0x4000] =	vst v1  }
0x45: {  	[tilespmem:s22+$0x3F90] =	vst v1  }
0x46: {  	[tilespmem:s22+$0x3FA0] =	vst v1  }
.Ltmp1:
0x47: {  	[tilespmem:s22+$0x3FB0] =	vst v1;
	(pc) =	sbr.rel @p0 .LBB2_4-.Ltmp1, $4  }
0x48: {  	[tilespmem:s22+$0x3FC0] =	vst v1  }
0x49: {  	[tilespmem:s22+$0x3FD0] =	vst v1  }
0x4a: {  	[tilespmem:s22+$0x3FE0] =	vst v1  }
0x4b: {  	[tilespmem:s22+$0x3FF0] =	vst v1;
	s22 =	sshra.s32 s23, $0x2;
	s23 =	sadd.s32 $0x200, s23  }
0x4c: {  	[tilespmem:s22+$0x4000] =	vst v1  }
0x4d: {  	[tilespmem:s22+$0x3F90] =	vst v1  }
0x4e: {  	[tilespmem:s22+$0x3FA0] =	vst v1  }
0x4f: {  	[tilespmem:s22+$0x3FB0] =	vst v1  }
0x50: {  	[tilespmem:s22+$0x3FC0] =	vst v1  }
0x51: {  	[tilespmem:s22+$0x3FD0] =	vst v1  }
0x52: {  	[tilespmem:s22+$0x3FE0] =	vst v1  }
0x53: {  	[tilespmem:s22+$0x3FF0] =	vst v1  }
0x54: {  	s31 =	simm.s32 $0x0;
	[bflag:$0x0] =	sbarrier.arrive $0xFFFF  }
0x55: {  	[spmem:s2] =	stream.indirect.scatter.add.f32 [tilespmem:s18], [sflag:$0x1], $0x80, s31, s17, $0xb8;
	[tilespmem:$0x1D000] =	vst v63  }
0x56: {  	_ =	swait.ge [sflag:s15], $0x2800  }
0x57: {  	s22 =	simm.s32 $0x200;
	[sflag:s15] =	ssyncset.done $0x0  }
.LBB2_6:
0x58: {  	s23 =	sshra.s32 s22, $0x2;
	[sflag:s15] =	ssyncadd.s32 $0xFFFFD800;
	p0 =	sne.s32 s22, $0xFE00  }
0x59: {  	[spmem:s2] =	stream.indirect.scatter.add.f32 [tilespmem:s18], [sflag:$0x1], $0x80, s23, s17, $0xb8;
	[tilespmem:$0x1D000] =	vst v63  }
.Ltmp2:
0x5a: {  	_ = 	snop;
	(pc) =	sbr.rel @p0 .LBB2_6-.Ltmp2, $4  }
0x5b: {  	_ = 	snop  }
0x5c: {  	s22 =	sadd.s32 $0x200, s22  }
0x5d: {  	_ =	swait.ge [sflag:s15], $0x2800  }
0x5e: {  	[sflag:s15] =	ssyncset.done $0x0  }
0x5f: {  	s21 =	sadd.s32 $0x1, s21  }
0x60: {  	[sflag:s15] =	ssyncadd.s32 $0xFFFFD800;
	p0 =	sne.s32 s21, s14  }
.Ltmp3:
0x61: {  	[bflag:$0x0] =	sbarrier.arrive $0xFFFF;
	(pc) =	sbr.rel @p0 .LBB2_1-.Ltmp3, $4  }
0x62: {  	[hbm:s13], [sflag:s19] =	dma.local [spmem:s20], $0x2800  }
0x63: {  	_ =	swait.ge [sflag:s15], $0x2800  }
0x64: {  	[sflag:s15] =	ssyncset.done $0x0  }
0x65: {  	[sflag:s15] =	ssyncadd.s32 $0xFFFFD800  }
0x66: {  	_ =	sfence.sel $0x180000  }
0x67: {  	[bflag:$0x0] =	sbarrier.arrive $0xFFFF  }
0x68: {  	p0 =	sne.s32 s1, $0x0;
	_ =	strace $0x9000004A  }
0x69: {  	s0 =	sadd.s32 @!p0 $0x100000, s0;
	[bflag:$0x2] =	sbarrier.arrive $0xFFFF  }
0x6a: {  	[sflag:s0] =	ssyncadd.tile.s32 @!p0 $0x1;
	_ =	shalt  }
.Lfunc_end2:
_tile_overlayer_lowered:
.L_overlay_start_2:
0x6b: {  	(tag) =	ssettag $0x2  }
0x6c: {  	s0 =	rddreg [dreg:$0x0];
	s2 =	stileid.u32  }
0x6d: {  	s1 =	rddreg [dreg:$0x1];
	p0 =	sne.s32 s2, $0x0  }
0x6e: {  	s3 =	rddreg [dreg:$0x2];
	[bflag:$0x3] =	sbarrier.arrive $0xFFFF;
	s2 =	simm.s32 @!p0 $0x1C01  }
0x6f: {  	[timem:s3], [sflag:s2] =	dma.local @!p0 [hbm:s0], s1  }
0x70: {  	s0 =	simm.s32 @!p0 $0x1  }
0x71: {  	_ =	swait.ge @!p0 [sflag:s0], s1  }
0x72: {  	s1 =	ssub.s32 @!p0 $0x0, s1;
	[sflag:s0] =	ssyncset.done @!p0 $0x0  }
0x73: {  	[sflag:s0] =	ssyncadd.s32 @!p0 s1  }
0x74: {  	[bflag:$0x3] =	sbarrier.arrive $0xFFFF  }
0x75: {  	_ =	shalt  }

</sc_bundles>
